<compile_context>
chip_gen: v7x
topology: tpu7x:2x2x1
jax: 0.10.2.dev20260603
libtpu: 0.0.44.dev20260713+nightly
codegen_flags: <defaults>
</compile_context>

<pallas_src>
import functools
import math

import jax
import jax.numpy as jnp
from jax import lax
from jax.experimental import pallas as pl
from jax.experimental.pallas import tpu as pltpu
from jax.experimental.pallas import tpu_sc as plsc

_D = 256
_H = 8
_HD = 32
_N = 1024
_NE = 1024
_AR = 8
_NT = 32
_ET = 16
_NP = 1152
_NS = 16
_ES = _NE // _NS
_RS = _NP // _NS


def _gelu(x):
  return 0.5 * x * (1.0 + jax.lax.erf(x * (1.0 / math.sqrt(2.0))))


def _ln(x, g, b):
  m = jnp.mean(x, axis=-1, keepdims=True)
  v = jnp.mean((x - m) ** 2, axis=-1, keepdims=True)
  return (x - m) * jax.lax.rsqrt(v + 1e-5) * g + b


def _mm(a, b):
  return jnp.dot(a, b, preferred_element_type=jnp.float32)


def _rel(x, w):
  h = _mm(x, w['node_proj_w']) + w['node_proj_b']
  q = _mm(h, w['query_w']) + w['query_b']
  k = _mm(h, w['key_w']) + w['key_b']
  v = _mm(h, w['value_w']) + w['value_b']
  attn_out = jnp.zeros((_N, _D), jnp.float32)
  outs = []
  for hh in range(_H):
    sl = slice(hh * _HD, (hh + 1) * _HD)
    s = jax.lax.dot_general(q[:, sl], k[:, sl], (((1,), (1,)), ((), ())),
                            preferred_element_type=jnp.float32)
    s = s * (1.0 / math.sqrt(_HD))
    m = jnp.max(s, axis=-1, keepdims=True)
    e = jnp.exp(s - m)
    p = e / jnp.sum(e, axis=-1, keepdims=True)
    outs.append(_mm(p, v[:, sl]))
  attn_out = jnp.concatenate(outs, axis=-1)
  o = _mm(attn_out, w['out_proj_w']) + w['out_proj_b'] + x
  o = _ln(o, w['norm_g'], w['norm_b'])
  ff = _mm(_gelu(_mm(o, w['ff1_w']) + w['ff1_b']), w['ff2_w']) + w['ff2_b']
  return _ln(ff + o, w['ffn_g'], w['ffn_b'])


_REL_KEYS = ['node_proj_w', 'node_proj_b', 'query_w', 'query_b',
             'key_w', 'key_b', 'value_w', 'value_b',
             'out_proj_w', 'out_proj_b', 'norm_g', 'norm_b',
             'ff1_w', 'ff1_b', 'ff2_w', 'ff2_b', 'ffn_g', 'ffn_b']
_UPD_KEYS = ['upd_w1', 'upd_w2', 'upd_b', 'upd_g', 'upd_bb']


def _read_named(refs, keys):
  return {k: r[...] for k, r in zip(keys, refs)}


def _full_spec(arr):
  nd = arr.ndim
  return pl.BlockSpec(arr.shape, lambda b, _n=nd: (0,) * _n)


def _rel_weight_args(p):
  out = []
  for k in _REL_KEYS:
    a = p[k]
    out.append(a.reshape(1, -1) if a.ndim == 1 else a)
  return out


def _upd_weight_args(p):
  return [p['upd_w'][:_D], p['upd_w'][_D:], p['upd_b'].reshape(1, _D),
          p['upd_g'].reshape(1, _D), p['upd_bb'].reshape(1, _D)]


def _tc1_body(ids_ref, emb_ref, *rest):
  rel_refs, o_ref = rest[:len(_REL_KEYS)], rest[-1]
  w = _read_named(rel_refs, _REL_KEYS)
  ids = ids_ref[0]
  tid = jax.lax.broadcasted_iota(jnp.int32, (_NT, _N), 0)
  oh = jnp.where(ids == tid, 1.0, 0.0)
  x = jax.lax.dot_general(oh, emb_ref[...], (((0,), (0,)), ((), ())),
                          preferred_element_type=jnp.float32)
  o_ref[0, :_N] = _rel(x, w)
  o_ref[0, _N:] = jnp.zeros((_NP - _N, _D), jnp.float32)


def _tc1(ids, emb, p, B):
  args = [ids.reshape(B, 1, _N), emb] + _rel_weight_args(p)
  in_specs = [pl.BlockSpec((1, 1, _N), lambda b: (b, 0, 0))]
  in_specs += [_full_spec(a) for a in args[1:]]
  return pl.pallas_call(
      _tc1_body,
      grid=(B,),
      in_specs=in_specs,
      out_specs=pl.BlockSpec((1, _NP, _D), lambda b: (b, 0, 0)),
      out_shape=jax.ShapeDtypeStruct((B, _NP, _D), jnp.float32),
  )(*args)


_HYP_KEYS = ['he_etype', 'enc_w1', 'enc_w2', 'enc_b', 'enc_g', 'enc_bb',
             'upd_w1', 'upd_w2', 'upd_b', 'upd_g', 'upd_bb']


def _hyp_weight_args(p):
  return [p['he_etype'], p['enc_w'][:_D], p['enc_w'][_D:],
          p['enc_b'].reshape(1, _D), p['enc_g'].reshape(1, _D),
          p['enc_bb'].reshape(1, _D),
          p['upd_w'][:_D], p['upd_w'][_D:], p['upd_b'].reshape(1, _D),
          p['upd_g'].reshape(1, _D), p['upd_bb'].reshape(1, _D)]


def _hyp_tail(xp_ref, ps_ref, maskf_ref, mem_ref, types_ref, hyp_refs):
  hw = _read_named(hyp_refs, _HYP_KEYS)
  x = xp_ref[0, :_N]
  maskf = maskf_ref[0]
  cnt = jnp.clip(jnp.sum(maskf, axis=-1, keepdims=True), 1.0)
  pooled = ps_ref[0] / cnt
  types = types_ref[0]
  eid = jax.lax.broadcasted_iota(jnp.int32, (_ET, _NE), 0)
  eoh = jnp.where(types == eid, 1.0, 0.0)
  edge_emb = jax.lax.dot_general(eoh, hw['he_etype'],
                                 (((0,), (0,)), ((), ())),
                                 preferred_element_type=jnp.float32)
  ef = _mm(pooled, hw['enc_w1']) + _mm(edge_emb, hw['enc_w2']) + hw['enc_b']
  ef = _ln(_gelu(ef), hw['enc_g'], hw['enc_bb'])

  mem = mem_ref[0]
  nid = jax.lax.broadcasted_iota(jnp.int32, (_NE, _N), 1)
  w = jnp.zeros((_NE, _N), jnp.float32)
  for a in range(_AR):
    hit = mem[:, a:a + 1] == nid
    w = w + jnp.where(hit, maskf[:, a:a + 1], 0.0)
  counts = jax.lax.dot_general(w, jnp.ones((_NE, 1), jnp.float32),
                               (((0,), (0,)), ((), ())),
                               preferred_element_type=jnp.float32)
  counts = jnp.clip(counts, 1.0)
  nup = jax.lax.dot_general(w, ef, (((0,), (0,)), ((), ())),
                            preferred_element_type=jnp.float32) / counts
  u = _mm(x, hw['upd_w1']) + _mm(nup, hw['upd_w2']) + hw['upd_b']
  return _ln(_gelu(u), hw['upd_g'], hw['upd_bb'])


_NHYP = len(_HYP_KEYS)


def _tc2_body(xp_ref, ps_ref, maskf_ref, mem_ref, types_ref, *rest):
  hyp_refs = rest[:_NHYP]
  rel_refs = rest[_NHYP:_NHYP + len(_REL_KEYS)]
  o_ref = rest[-1]
  u = _hyp_tail(xp_ref, ps_ref, maskf_ref, mem_ref, types_ref, hyp_refs)
  w = _read_named(rel_refs, _REL_KEYS)
  o_ref[0, :_N] = _rel(u, w)
  o_ref[0, _N:] = jnp.zeros((_NP - _N, _D), jnp.float32)


def _hyp_in_specs():
  return [
      pl.BlockSpec((1, _NP, _D), lambda b: (b, 0, 0)),
      pl.BlockSpec((1, _NE, _D), lambda b: (b, 0, 0)),
      pl.BlockSpec((1, _NE, _AR), lambda b: (b, 0, 0)),
      pl.BlockSpec((1, _NE, _AR), lambda b: (b, 0, 0)),
      pl.BlockSpec((1, 1, _NE), lambda b: (b, 0, 0)),
  ]


def _tc2(xpad, ps, maskf, members, types, p_hyp, p_rel, B):
  args = ([xpad, ps, maskf, members, types.reshape(B, 1, _NE)]
          + _hyp_weight_args(p_hyp) + _rel_weight_args(p_rel))
  in_specs = _hyp_in_specs() + [_full_spec(a) for a in args[5:]]
  return pl.pallas_call(
      _tc2_body,
      grid=(B,),
      in_specs=in_specs,
      out_specs=pl.BlockSpec((1, _NP, _D), lambda b: (b, 0, 0)),
      out_shape=jax.ShapeDtypeStruct((B, _NP, _D), jnp.float32),
  )(*args)


def _tc3_body(xp_ref, ps_ref, maskf_ref, mem_ref, types_ref, *rest):
  hyp_refs = rest[:_NHYP]
  pw_ref, pb_ref, pg_ref, pbb_ref, ox_ref, og_ref = rest[_NHYP:]
  u = _hyp_tail(xp_ref, ps_ref, maskf_ref, mem_ref, types_ref, hyp_refs)
  ox_ref[0] = u
  gm = jnp.mean(u, axis=0, keepdims=True)
  gm = _mm(gm, pw_ref[...]) + pb_ref[...]
  og_ref[0] = _ln(_gelu(gm), pg_ref[...], pbb_ref[...])


def _tc3(xpad, ps, maskf, members, types, p_hyp, params, B):
  args = ([xpad, ps, maskf, members, types.reshape(B, 1, _NE)]
          + _hyp_weight_args(p_hyp)
          + [params['pool_w'], params['pool_b'].reshape(1, _D),
             params['pool_g'].reshape(1, _D), params['pool_bb'].reshape(1, _D)])
  in_specs = _hyp_in_specs() + [_full_spec(a) for a in args[5:]]
  return pl.pallas_call(
      _tc3_body,
      grid=(B,),
      in_specs=in_specs,
      out_specs=[
          pl.BlockSpec((1, _N, _D), lambda b: (b, 0, 0)),
          pl.BlockSpec((1, 1, _D), lambda b: (b, 0, 0)),
      ],
      out_shape=[
          jax.ShapeDtypeStruct((B, _N, _D), jnp.float32),
          jax.ShapeDtypeStruct((B, 1, _D), jnp.float32),
      ],
  )(*args)


_SC_MESH = plsc.VectorSubcoreMesh(core_axis_name="c", subcore_axis_name="s")
_CW = 128


def _scg_body(table_ref, gidx_ref, out_ref, idxs, rows0, rows1, pooled_v,
              sem0, sem1, semp):
  c = lax.axis_index("c")
  s = lax.axis_index("s")
  base = s * _ES
  for a in range(_AR):
    off = c * (_AR * _NE) + a * _NE + base
    pltpu.sync_copy(gidx_ref.at[pl.ds(off, _ES)], idxs[a])
  bufs = [rows0, rows1]
  sems = [sem0, sem1]
  pltpu.async_copy(table_ref.at[idxs[0]], pooled_v, semp).wait()
  pltpu.sync_copy(pooled_v, out_ref.at[c, pl.ds(base, _ES)])


@functools.partial(
    pl.kernel,
    mesh=_SC_MESH,
    out_type=jax.ShapeDtypeStruct((2, _NE, _D), jnp.float32),
    scratch_types=[pltpu.VMEM((_ES,), jnp.int32)] * _AR + [
        pltpu.VMEM((_ES, _D), jnp.float32),
        pltpu.VMEM((_ES, _D), jnp.float32),
        pltpu.VMEM((_ES, _D), jnp.float32),
        pltpu.SemaphoreType.DMA,
        pltpu.SemaphoreType.DMA,
        pltpu.SemaphoreType.DMA,
    ],
)
def _sc_gather(table_ref, gidx_ref, out_ref, *rest):
  idxs = rest[:_AR]
  rows0, rows1, pooled_v, sem0, sem1, semp = rest[_AR:]
  _scg_body(table_ref, gidx_ref, out_ref, idxs, rows0, rows1, pooled_v,
            sem0, sem1, semp)


def kernel(node_type_ids, edge_index, edge_types, hyperedge_members,
           hyperedge_types, hyperedge_mask, params):
  del edge_index, edge_types
  B = node_type_ids.shape[0]

  ids = node_type_ids.astype(jnp.int32)
  members = hyperedge_members.astype(jnp.int32)
  types = hyperedge_types.astype(jnp.int32)
  maskf = hyperedge_mask.astype(jnp.float32)

  sidx = jnp.where(hyperedge_mask, members, _N).transpose(0, 2, 1)
  boff = (jnp.arange(B, dtype=jnp.int32) * _NP).reshape(B, 1, 1)
  gidx = (sidx + boff).reshape(-1)

  lyr = params['layers']
  x_pad = _tc1(ids, params['node_type_embed'], lyr[0], B)
  ps1 = _sc_gather(x_pad.reshape(B * _NP, _D), gidx)
  x_pad = _tc2(x_pad, ps1, maskf, members, types, lyr[0], lyr[1], B)
  ps2 = _sc_gather(x_pad.reshape(B * _NP, _D), gidx)
  x_out, graph_emb = _tc3(x_pad, ps2, maskf, members, types, lyr[1],
                          params, B)
  return x_out, graph_emb.reshape(B, _D)

# --- scband reference (transcript-rebuilt; emitter-appended) ---
"""Pipeline reference for scband-hyper-dagencoder-36670430773459 (READ-ONLY COPY).

The authoritative reference and input builder live on the scoring server;
editing this copy changes nothing except your own understanding.
"""

import jax, jax.numpy as jnp
import numpy as np

D = 256
H = 8
HD = D // H
L = 2
B = 2
N = 1024
E_PAIR = 8192
NE = 1024
AR = 8


def _dense(k, shape):
    return jax.random.normal(k, shape, dtype=jnp.float32) * 0.02


def make_params(key):
    ks = jax.random.split(key, 64)
    idx = [0]
    def nk():
        k = ks[idx[0]]
        idx[0] += 1
        return k
    params = {}
    params['node_type_embed'] = _dense(nk(), (32, D))
    layers = []
    for _ in range(L):
        p = {}
        for name in ['node_proj', 'query', 'key', 'value', 'out_proj']:
            p[name + '_w'] = _dense(nk(), (D, D))
            p[name + '_b'] = jnp.zeros((D,), jnp.float32)
        p['norm_g'] = jnp.ones((D,), jnp.float32)
        p['norm_b'] = jnp.zeros((D,), jnp.float32)
        p['ff1_w'] = _dense(nk(), (D, 4 * D))
        p['ff1_b'] = jnp.zeros((4 * D,), jnp.float32)
        p['ff2_w'] = _dense(nk(), (4 * D, D))
        p['ff2_b'] = jnp.zeros((D,), jnp.float32)
        p['ffn_g'] = jnp.ones((D,), jnp.float32)
        p['ffn_b'] = jnp.zeros((D,), jnp.float32)
        p['he_etype'] = _dense(nk(), (16, 32))
        p['enc_w'] = _dense(nk(), (D + 32, D))
        p['enc_b'] = jnp.zeros((D,), jnp.float32)
        p['enc_g'] = jnp.ones((D,), jnp.float32)
        p['enc_bb'] = jnp.zeros((D,), jnp.float32)
        p['upd_w'] = _dense(nk(), (2 * D, D))
        p['upd_b'] = jnp.zeros((D,), jnp.float32)
        p['upd_g'] = jnp.ones((D,), jnp.float32)
        p['upd_bb'] = jnp.zeros((D,), jnp.float32)
        layers.append(p)
    params['layers'] = layers
    params['pool_w'] = _dense(nk(), (D, D))
    params['pool_b'] = jnp.zeros((D,), jnp.float32)
    params['pool_g'] = jnp.ones((D,), jnp.float32)
    params['pool_bb'] = jnp.zeros((D,), jnp.float32)
    return params


def layer_norm(x, g, b):
    m = x.mean(-1, keepdims=True)
    v = ((x - m) ** 2).mean(-1, keepdims=True)
    return (x - m) / jnp.sqrt(v + 1e-5) * g + b


def rel_layer(x, p):
    B_, N_, _ = x.shape
    residual = x
    h = x @ p['node_proj_w'] + p['node_proj_b']
    def heads(t):
        return t.reshape(B_, N_, H, HD).transpose(0, 2, 1, 3)
    Q = heads(h @ p['query_w'] + p['query_b'])
    K = heads(h @ p['key_w'] + p['key_b'])
    V = heads(h @ p['value_w'] + p['value_b'])
    attn = jnp.einsum('bhnd,bhmd->bhnm', Q, K) / jnp.sqrt(jnp.float32(HD))
    attn = jax.nn.softmax(attn, axis=-1)
    out = jnp.einsum('bhnm,bhmd->bhnd', attn, V)
    out = out.transpose(0, 2, 1, 3).reshape(B_, N_, D)
    out = out @ p['out_proj_w'] + p['out_proj_b']
    x = layer_norm(out + residual, p['norm_g'], p['norm_b'])
    ff = jax.nn.gelu(x @ p['ff1_w'] + p['ff1_b'], approximate=False) @ p['ff2_w'] + p['ff2_b']
    x = layer_norm(ff + x, p['ffn_g'], p['ffn_b'])
    return x


def hyp_layer(x, members, types, mask, p):
    B_, N_, _ = x.shape
    _, E_, A_ = members.shape
    mc = jnp.clip(members, 0, N_ - 1)
    gathered = jax.vmap(lambda xb, mb: xb[mb])(x, mc)
    maskf = mask.astype(jnp.float32)
    gathered = gathered * maskf[..., None]
    cnt = jnp.clip(maskf.sum(-1, keepdims=True), 1.0)
    pooled = gathered.sum(2) / cnt
    edge_emb = p['he_etype'][types]
    ef = jnp.concatenate([pooled, edge_emb], -1) @ p['enc_w'] + p['enc_b']
    ef = jax.nn.gelu(ef, approximate=False)
    ef = layer_norm(ef, p['enc_g'], p['enc_bb'])
    vals = jnp.broadcast_to(ef[:, :, None, :], (B_, E_, A_, D)) * maskf[..., None]
    flat_idx = mc.reshape(B_, E_ * A_)
    flat_vals = vals.reshape(B_, E_ * A_, D)
    flat_m = maskf.reshape(B_, E_ * A_)
    node_updates = jax.vmap(lambda i, v: jnp.zeros((N_, D), jnp.float32).at[i].add(v))(flat_idx, flat_vals)
    counts = jax.vmap(lambda i, m: jnp.zeros((N_,), jnp.float32).at[i].add(m))(flat_idx, flat_m)
    counts = jnp.clip(counts, 1.0)[..., None]
    node_updates = node_updates / counts
    upd = jnp.concatenate([x, node_updates], -1) @ p['upd_w'] + p['upd_b']
    upd = jax.nn.gelu(upd, approximate=False)
    upd = layer_norm(upd, p['upd_g'], p['upd_bb'])
    return upd


def _forward(params, node_type_ids, hyperedge_members, hyperedge_types, hyperedge_mask):
    x = params['node_type_embed'][node_type_ids]
    for p in params['layers']:
        x = rel_layer(x, p)
        x = hyp_layer(x, hyperedge_members, hyperedge_types, hyperedge_mask, p)
    graph_emb = x.mean(1)
    graph_emb = graph_emb @ params['pool_w'] + params['pool_b']
    graph_emb = jax.nn.gelu(graph_emb, approximate=False)
    graph_emb = layer_norm(graph_emb, params['pool_g'], params['pool_bb'])
    return x, graph_emb


def setup_inputs(seed: int = 0):
    key = jax.random.key(seed)
    ks = jax.random.split(key, 8)
    node_type_ids = jax.random.randint(ks[0], (B, N), 0, 32)
    edge_index = jax.random.randint(ks[1], (2, E_PAIR), 0, N)
    edge_types = jax.random.randint(ks[2], (E_PAIR,), 0, 32)
    hyperedge_members = jax.random.randint(ks[3], (B, NE, AR), 0, N)
    hyperedge_types = jax.random.randint(ks[4], (B, NE), 0, 16)
    hyperedge_mask = jax.random.randint(ks[5], (B, NE, AR), 0, 2).astype(jnp.bool_)
    params = make_params(ks[6])
    return {
        'node_type_ids': node_type_ids,
        'edge_index': edge_index,
        'edge_types': edge_types,
        'hyperedge_members': hyperedge_members,
        'hyperedge_types': hyperedge_types,
        'hyperedge_mask': hyperedge_mask,
        'params': params,
    }


def reference(node_type_ids, edge_index, edge_types, hyperedge_members, hyperedge_types, hyperedge_mask, params):
    # edge_index and edge_types are accepted but unused, matching the original
    # torch module, whose EntityRelationEncoder performs dense all-pairs attention.
    return _forward(params, node_type_ids, hyperedge_members, hyperedge_types, hyperedge_mask)

if __name__ == "__main__":
    import jax
    _d = setup_inputs()
    print(jax.jit(kernel)(*tuple(_d.values())))

</pallas_src>

<mosaic_0001>
#map = affine_map<(d0, d1) -> (0, 0)>
#map1 = affine_map<(d0, d1) -> (0)>
#map2 = affine_map<(d0, d1) -> (0, 0, 0)>
module attributes {stable_mosaic.version = 14 : i64} {
  func.func @_sc_gather(%arg0: i32, %arg1: i32, %arg2: memref<2304x256xf32, #tpu.memory_space<hbm>>, %arg3: memref<16384xi32, #tpu.memory_space<hbm>>, %arg4: memref<2x1024x256xf32, #tpu.memory_space<hbm>>, %arg5: memref<64xi32, #tpu.memory_space<vmem>>, %arg6: memref<64xi32, #tpu.memory_space<vmem>>, %arg7: memref<64xi32, #tpu.memory_space<vmem>>, %arg8: memref<64xi32, #tpu.memory_space<vmem>>, %arg9: memref<64xi32, #tpu.memory_space<vmem>>, %arg10: memref<64xi32, #tpu.memory_space<vmem>>, %arg11: memref<64xi32, #tpu.memory_space<vmem>>, %arg12: memref<64xi32, #tpu.memory_space<vmem>>, %arg13: memref<64x256xf32, #tpu.memory_space<vmem>>, %arg14: memref<64x256xf32, #tpu.memory_space<vmem>>, %arg15: memref<64x256xf32, #tpu.memory_space<vmem>>, %arg16: memref<!tpu.dma_semaphore, #tpu.memory_space<semaphore_mem>>, %arg17: memref<!tpu.dma_semaphore, #tpu.memory_space<semaphore_mem>>, %arg18: memref<!tpu.dma_semaphore, #tpu.memory_space<semaphore_mem>>) attributes {dimension_semantics = [#tpu.dimension_semantics<core_parallel>, #tpu.dimension_semantics<subcore_parallel>], iteration_bounds = array<i64: 2, 16>, scalar_prefetch = 0 : i64, scratch_operands = 14 : i64, tpu.core_type = #tpu.core_type<sc_vector_subcore>, window_params = [{transform_indices = #map}, {transform_indices = #map1}, {transform_indices = #map2}]} {
    %mul3A = arith.constant 64 : i32
    %mul3A_0 = arith.muli %arg1, %mul3A : i32
    %mul3A_1 = arith.constant 8192 : i32
    %mul3A_2 = arith.muli %arg0, %mul3A_1 : i32
    %add3A = arith.constant 0 : i32
    %add3A_3 = arith.addi %mul3A_2, %add3A : i32
    %add3A_4 = arith.addi %add3A_3, %mul3A_0 : i32
    "tpu.region"() ({
      %run_scoped3A = tpu.sem_alloc : memref<!tpu.dma_semaphore, #tpu.memory_space<semaphore_mem>>
      %dma_start3A_44 = tpu.memref_slice %arg3[%add3A_4] : memref<16384xi32, #tpu.memory_space<hbm>> -> memref<64xi32, #tpu.memory_space<hbm>>
      %dma_start3A_45 = tpu.memref_slice %arg3[%add3A_4] : memref<16384xi32, #tpu.memory_space<hbm>> -> memref<64xi32, #tpu.memory_space<hbm>>
      tpu.enqueue_dma source(%dma_start3A_45 : memref<64xi32, #tpu.memory_space<hbm>>) target(%arg5 : memref<64xi32, #tpu.memory_space<vmem>>) target_semaphore(%run_scoped3A : memref<!tpu.dma_semaphore, #tpu.memory_space<semaphore_mem>>)
      %dma_wait3A_46 = tpu.memref_slice %arg3[%add3A_4] : memref<16384xi32, #tpu.memory_space<hbm>> -> memref<64xi32, #tpu.memory_space<hbm>>
      %dma_wait3A_47 = tpu.memref_slice %arg3[%add3A_4] : memref<16384xi32, #tpu.memory_space<hbm>> -> memref<64xi32, #tpu.memory_space<hbm>>
      tpu.wait_dma2 semaphore(%run_scoped3A : memref<!tpu.dma_semaphore, #tpu.memory_space<semaphore_mem>>) src(%dma_wait3A_47 : memref<64xi32, #tpu.memory_space<hbm>>) dst(%arg5 : memref<64xi32, #tpu.memory_space<vmem>>)
      tpu.yield
    }) : () -> ()
    %mul3A_5 = arith.constant 8192 : i32
    %mul3A_6 = arith.muli %arg0, %mul3A_5 : i32
    %add3A_7 = arith.constant 1024 : i32
    %add3A_8 = arith.addi %mul3A_6, %add3A_7 : i32
    %add3A_9 = arith.addi %add3A_8, %mul3A_0 : i32
    "tpu.region"() ({
      %run_scoped3A = tpu.sem_alloc : memref<!tpu.dma_semaphore, #tpu.memory_space<semaphore_mem>>
      %dma_start3A_44 = tpu.memref_slice %arg3[%add3A_9] : memref<16384xi32, #tpu.memory_space<hbm>> -> memref<64xi32, #tpu.memory_space<hbm>>
      %dma_start3A_45 = tpu.memref_slice %arg3[%add3A_9] : memref<16384xi32, #tpu.memory_space<hbm>> -> memref<64xi32, #tpu.memory_space<hbm>>
      tpu.enqueue_dma source(%dma_start3A_45 : memref<64xi32, #tpu.memory_space<hbm>>) target(%arg6 : memref<64xi32, #tpu.memory_space<vmem>>) target_semaphore(%run_scoped3A : memref<!tpu.dma_semaphore, #tpu.memory_space<semaphore_mem>>)
      %dma_wait3A_46 = tpu.memref_slice %arg3[%add3A_9] : memref<16384xi32, #tpu.memory_space<hbm>> -> memref<64xi32, #tpu.memory_space<hbm>>
      %dma_wait3A_47 = tpu.memref_slice %arg3[%add3A_9] : memref<16384xi32, #tpu.memory_space<hbm>> -> memref<64xi32, #tpu.memory_space<hbm>>
      tpu.wait_dma2 semaphore(%run_scoped3A : memref<!tpu.dma_semaphore, #tpu.memory_space<semaphore_mem>>) src(%dma_wait3A_47 : memref<64xi32, #tpu.memory_space<hbm>>) dst(%arg6 : memref<64xi32, #tpu.memory_space<vmem>>)
      tpu.yield
    }) : () -> ()
    %mul3A_10 = arith.constant 8192 : i32
    %mul3A_11 = arith.muli %arg0, %mul3A_10 : i32
    %add3A_12 = arith.constant 2048 : i32
    %add3A_13 = arith.addi %mul3A_11, %add3A_12 : i32
    %add3A_14 = arith.addi %add3A_13, %mul3A_0 : i32
    "tpu.region"() ({
      %run_scoped3A = tpu.sem_alloc : memref<!tpu.dma_semaphore, #tpu.memory_space<semaphore_mem>>
      %dma_start3A_44 = tpu.memref_slice %arg3[%add3A_14] : memref<16384xi32, #tpu.memory_space<hbm>> -> memref<64xi32, #tpu.memory_space<hbm>>
      %dma_start3A_45 = tpu.memref_slice %arg3[%add3A_14] : memref<16384xi32, #tpu.memory_space<hbm>> -> memref<64xi32, #tpu.memory_space<hbm>>
      tpu.enqueue_dma source(%dma_start3A_45 : memref<64xi32, #tpu.memory_space<hbm>>) target(%arg7 : memref<64xi32, #tpu.memory_space<vmem>>) target_semaphore(%run_scoped3A : memref<!tpu.dma_semaphore, #tpu.memory_space<semaphore_mem>>)
      %dma_wait3A_46 = tpu.memref_slice %arg3[%add3A_14] : memref<16384xi32, #tpu.memory_space<hbm>> -> memref<64xi32, #tpu.memory_space<hbm>>
      %dma_wait3A_47 = tpu.memref_slice %arg3[%add3A_14] : memref<16384xi32, #tpu.memory_space<hbm>> -> memref<64xi32, #tpu.memory_space<hbm>>
      tpu.wait_dma2 semaphore(%run_scoped3A : memref<!tpu.dma_semaphore, #tpu.memory_space<semaphore_mem>>) src(%dma_wait3A_47 : memref<64xi32, #tpu.memory_space<hbm>>) dst(%arg7 : memref<64xi32, #tpu.memory_space<vmem>>)
      tpu.yield
    }) : () -> ()
    %mul3A_15 = arith.constant 8192 : i32
    %mul3A_16 = arith.muli %arg0, %mul3A_15 : i32
    %add3A_17 = arith.constant 3072 : i32
    %add3A_18 = arith.addi %mul3A_16, %add3A_17 : i32
    %add3A_19 = arith.addi %add3A_18, %mul3A_0 : i32
    "tpu.region"() ({
      %run_scoped3A = tpu.sem_alloc : memref<!tpu.dma_semaphore, #tpu.memory_space<semaphore_mem>>
      %dma_start3A_44 = tpu.memref_slice %arg3[%add3A_19] : memref<16384xi32, #tpu.memory_space<hbm>> -> memref<64xi32, #tpu.memory_space<hbm>>
      %dma_start3A_45 = tpu.memref_slice %arg3[%add3A_19] : memref<16384xi32, #tpu.memory_space<hbm>> -> memref<64xi32, #tpu.memory_space<hbm>>
      tpu.enqueue_dma source(%dma_start3A_45 : memref<64xi32, #tpu.memory_space<hbm>>) target(%arg8 : memref<64xi32, #tpu.memory_space<vmem>>) target_semaphore(%run_scoped3A : memref<!tpu.dma_semaphore, #tpu.memory_space<semaphore_mem>>)
      %dma_wait3A_46 = tpu.memref_slice %arg3[%add3A_19] : memref<16384xi32, #tpu.memory_space<hbm>> -> memref<64xi32, #tpu.memory_space<hbm>>
      %dma_wait3A_47 = tpu.memref_slice %arg3[%add3A_19] : memref<16384xi32, #tpu.memory_space<hbm>> -> memref<64xi32, #tpu.memory_space<hbm>>
      tpu.wait_dma2 semaphore(%run_scoped3A : memref<!tpu.dma_semaphore, #tpu.memory_space<semaphore_mem>>) src(%dma_wait3A_47 : memref<64xi32, #tpu.memory_space<hbm>>) dst(%arg8 : memref<64xi32, #tpu.memory_space<vmem>>)
      tpu.yield
    }) : () -> ()
    %mul3A_20 = arith.constant 8192 : i32
    %mul3A_21 = arith.muli %arg0, %mul3A_20 : i32
    %add3A_22 = arith.constant 4096 : i32
    %add3A_23 = arith.addi %mul3A_21, %add3A_22 : i32
    %add3A_24 = arith.addi %add3A_23, %mul3A_0 : i32
    "tpu.region"() ({
      %run_scoped3A = tpu.sem_alloc : memref<!tpu.dma_semaphore, #tpu.memory_space<semaphore_mem>>
      %dma_start3A_44 = tpu.memref_slice %arg3[%add3A_24] : memref<16384xi32, #tpu.memory_space<hbm>> -> memref<64xi32, #tpu.memory_space<hbm>>
      %dma_start3A_45 = tpu.memref_slice %arg3[%add3A_24] : memref<16384xi32, #tpu.memory_space<hbm>> -> memref<64xi32, #tpu.memory_space<hbm>>
      tpu.enqueue_dma source(%dma_start3A_45 : memref<64xi32, #tpu.memory_space<hbm>>) target(%arg9 : memref<64xi32, #tpu.memory_space<vmem>>) target_semaphore(%run_scoped3A : memref<!tpu.dma_semaphore, #tpu.memory_space<semaphore_mem>>)
      %dma_wait3A_46 = tpu.memref_slice %arg3[%add3A_24] : memref<16384xi32, #tpu.memory_space<hbm>> -> memref<64xi32, #tpu.memory_space<hbm>>
      %dma_wait3A_47 = tpu.memref_slice %arg3[%add3A_24] : memref<16384xi32, #tpu.memory_space<hbm>> -> memref<64xi32, #tpu.memory_space<hbm>>
      tpu.wait_dma2 semaphore(%run_scoped3A : memref<!tpu.dma_semaphore, #tpu.memory_space<semaphore_mem>>) src(%dma_wait3A_47 : memref<64xi32, #tpu.memory_space<hbm>>) dst(%arg9 : memref<64xi32, #tpu.memory_space<vmem>>)
      tpu.yield
    }) : () -> ()
    %mul3A_25 = arith.constant 8192 : i32
    %mul3A_26 = arith.muli %arg0, %mul3A_25 : i32
    %add3A_27 = arith.constant 5120 : i32
    %add3A_28 = arith.addi %mul3A_26, %add3A_27 : i32
    %add3A_29 = arith.addi %add3A_28, %mul3A_0 : i32
    "tpu.region"() ({
      %run_scoped3A = tpu.sem_alloc : memref<!tpu.dma_semaphore, #tpu.memory_space<semaphore_mem>>
      %dma_start3A_44 = tpu.memref_slice %arg3[%add3A_29] : memref<16384xi32, #tpu.memory_space<hbm>> -> memref<64xi32, #tpu.memory_space<hbm>>
      %dma_start3A_45 = tpu.memref_slice %arg3[%add3A_29] : memref<16384xi32, #tpu.memory_space<hbm>> -> memref<64xi32, #tpu.memory_space<hbm>>
      tpu.enqueue_dma source(%dma_start3A_45 : memref<64xi32, #tpu.memory_space<hbm>>) target(%arg10 : memref<64xi32, #tpu.memory_space<vmem>>) target_semaphore(%run_scoped3A : memref<!tpu.dma_semaphore, #tpu.memory_space<semaphore_mem>>)
      %dma_wait3A_46 = tpu.memref_slice %arg3[%add3A_29] : memref<16384xi32, #tpu.memory_space<hbm>> -> memref<64xi32, #tpu.memory_space<hbm>>
      %dma_wait3A_47 = tpu.memref_slice %arg3[%add3A_29] : memref<16384xi32, #tpu.memory_space<hbm>> -> memref<64xi32, #tpu.memory_space<hbm>>
      tpu.wait_dma2 semaphore(%run_scoped3A : memref<!tpu.dma_semaphore, #tpu.memory_space<semaphore_mem>>) src(%dma_wait3A_47 : memref<64xi32, #tpu.memory_space<hbm>>) dst(%arg10 : memref<64xi32, #tpu.memory_space<vmem>>)
      tpu.yield
    }) : () -> ()
    %mul3A_30 = arith.constant 8192 : i32
    %mul3A_31 = arith.muli %arg0, %mul3A_30 : i32
    %add3A_32 = arith.constant 6144 : i32
    %add3A_33 = arith.addi %mul3A_31, %add3A_32 : i32
    %add3A_34 = arith.addi %add3A_33, %mul3A_0 : i32
    "tpu.region"() ({
      %run_scoped3A = tpu.sem_alloc : memref<!tpu.dma_semaphore, #tpu.memory_space<semaphore_mem>>
      %dma_start3A_44 = tpu.memref_slice %arg3[%add3A_34] : memref<16384xi32, #tpu.memory_space<hbm>> -> memref<64xi32, #tpu.memory_space<hbm>>
      %dma_start3A_45 = tpu.memref_slice %arg3[%add3A_34] : memref<16384xi32, #tpu.memory_space<hbm>> -> memref<64xi32, #tpu.memory_space<hbm>>
      tpu.enqueue_dma source(%dma_start3A_45 : memref<64xi32, #tpu.memory_space<hbm>>) target(%arg11 : memref<64xi32, #tpu.memory_space<vmem>>) target_semaphore(%run_scoped3A : memref<!tpu.dma_semaphore, #tpu.memory_space<semaphore_mem>>)
      %dma_wait3A_46 = tpu.memref_slice %arg3[%add3A_34] : memref<16384xi32, #tpu.memory_space<hbm>> -> memref<64xi32, #tpu.memory_space<hbm>>
      %dma_wait3A_47 = tpu.memref_slice %arg3[%add3A_34] : memref<16384xi32, #tpu.memory_space<hbm>> -> memref<64xi32, #tpu.memory_space<hbm>>
      tpu.wait_dma2 semaphore(%run_scoped3A : memref<!tpu.dma_semaphore, #tpu.memory_space<semaphore_mem>>) src(%dma_wait3A_47 : memref<64xi32, #tpu.memory_space<hbm>>) dst(%arg11 : memref<64xi32, #tpu.memory_space<vmem>>)
      tpu.yield
    }) : () -> ()
    %mul3A_35 = arith.constant 8192 : i32
    %mul3A_36 = arith.muli %arg0, %mul3A_35 : i32
    %add3A_37 = arith.constant 7168 : i32
    %add3A_38 = arith.addi %mul3A_36, %add3A_37 : i32
    %add3A_39 = arith.addi %add3A_38, %mul3A_0 : i32
    "tpu.region"() ({
      %run_scoped3A = tpu.sem_alloc : memref<!tpu.dma_semaphore, #tpu.memory_space<semaphore_mem>>
      %dma_start3A_44 = tpu.memref_slice %arg3[%add3A_39] : memref<16384xi32, #tpu.memory_space<hbm>> -> memref<64xi32, #tpu.memory_space<hbm>>
      %dma_start3A_45 = tpu.memref_slice %arg3[%add3A_39] : memref<16384xi32, #tpu.memory_space<hbm>> -> memref<64xi32, #tpu.memory_space<hbm>>
      tpu.enqueue_dma source(%dma_start3A_45 : memref<64xi32, #tpu.memory_space<hbm>>) target(%arg12 : memref<64xi32, #tpu.memory_space<vmem>>) target_semaphore(%run_scoped3A : memref<!tpu.dma_semaphore, #tpu.memory_space<semaphore_mem>>)
      %dma_wait3A_46 = tpu.memref_slice %arg3[%add3A_39] : memref<16384xi32, #tpu.memory_space<hbm>> -> memref<64xi32, #tpu.memory_space<hbm>>
      %dma_wait3A_47 = tpu.memref_slice %arg3[%add3A_39] : memref<16384xi32, #tpu.memory_space<hbm>> -> memref<64xi32, #tpu.memory_space<hbm>>
      tpu.wait_dma2 semaphore(%run_scoped3A : memref<!tpu.dma_semaphore, #tpu.memory_space<semaphore_mem>>) src(%dma_wait3A_47 : memref<64xi32, #tpu.memory_space<hbm>>) dst(%arg12 : memref<64xi32, #tpu.memory_space<vmem>>)
      tpu.yield
    }) : () -> ()
    %dma_start3A = arith.constant 0 : i32
    %dma_start3A_40 = arith.constant 0 : i32
    %dma_start3A_41 = tpu.memref_slice %arg2[%dma_start3A, %dma_start3A_40] : memref<2304x256xf32, #tpu.memory_space<hbm>> -> memref<2304x256xf32, #tpu.memory_space<hbm>>
    tpu.enqueue_indirect_dma source(%dma_start3A_41 : memref<2304x256xf32, #tpu.memory_space<hbm>>) target(%arg15 : memref<64x256xf32, #tpu.memory_space<vmem>>) offsets(%arg5 : memref<64xi32, #tpu.memory_space<vmem>>) semaphore(%arg18 : memref<!tpu.dma_semaphore, #tpu.memory_space<semaphore_mem>>)
    %dma_wait3A = arith.constant 0 : i32
    %dma_wait3A_42 = arith.constant 0 : i32
    %dma_wait3A_43 = tpu.memref_slice %arg2[%dma_wait3A, %dma_wait3A_42] : memref<2304x256xf32, #tpu.memory_space<hbm>> -> memref<2304x256xf32, #tpu.memory_space<hbm>>
    tpu.wait_indirect_dma semaphore(%arg18 : memref<!tpu.dma_semaphore, #tpu.memory_space<semaphore_mem>>) src(%dma_wait3A_43 : memref<2304x256xf32, #tpu.memory_space<hbm>>) dst(%arg15 : memref<64x256xf32, #tpu.memory_space<vmem>>)
    "tpu.region"() ({
      %run_scoped3A = tpu.sem_alloc : memref<!tpu.dma_semaphore, #tpu.memory_space<semaphore_mem>>
      %dma_start3A_44 = arith.constant 0 : i32
      %dma_start3A_45 = tpu.memref_slice %arg4[%arg0, %mul3A_0, %dma_start3A_44] : memref<2x1024x256xf32, #tpu.memory_space<hbm>> -> memref<1x64x256xf32, #tpu.memory_space<hbm>>
      %dma_start3A_46 = tpu.memref_squeeze %dma_start3A_45 : memref<1x64x256xf32, #tpu.memory_space<hbm>> -> memref<64x256xf32, #tpu.memory_space<hbm>>
      %dma_start3A_47 = arith.constant 0 : i32
      %dma_start3A_48 = tpu.memref_slice %arg4[%arg0, %mul3A_0, %dma_start3A_47] : memref<2x1024x256xf32, #tpu.memory_space<hbm>> -> memref<1x64x256xf32, #tpu.memory_space<hbm>>
      %dma_start3A_49 = tpu.memref_squeeze %dma_start3A_48 : memref<1x64x256xf32, #tpu.memory_space<hbm>> -> memref<64x256xf32, #tpu.memory_space<hbm>>
      tpu.enqueue_dma source(%arg15 : memref<64x256xf32, #tpu.memory_space<vmem>>) target(%dma_start3A_49 : memref<64x256xf32, #tpu.memory_space<hbm>>) target_semaphore(%run_scoped3A : memref<!tpu.dma_semaphore, #tpu.memory_space<semaphore_mem>>)
      %dma_wait3A_50 = arith.constant 0 : i32
      %dma_wait3A_51 = tpu.memref_slice %arg4[%arg0, %mul3A_0, %dma_wait3A_50] : memref<2x1024x256xf32, #tpu.memory_space<hbm>> -> memref<1x64x256xf32, #tpu.memory_space<hbm>>
      %dma_wait3A_52 = tpu.memref_squeeze %dma_wait3A_51 : memref<1x64x256xf32, #tpu.memory_space<hbm>> -> memref<64x256xf32, #tpu.memory_space<hbm>>
      %dma_wait3A_53 = arith.constant 0 : i32
      %dma_wait3A_54 = tpu.memref_slice %arg4[%arg0, %mul3A_0, %dma_wait3A_53] : memref<2x1024x256xf32, #tpu.memory_space<hbm>> -> memref<1x64x256xf32, #tpu.memory_space<hbm>>
      %dma_wait3A_55 = tpu.memref_squeeze %dma_wait3A_54 : memref<1x64x256xf32, #tpu.memory_space<hbm>> -> memref<64x256xf32, #tpu.memory_space<hbm>>
      tpu.wait_dma2 semaphore(%run_scoped3A : memref<!tpu.dma_semaphore, #tpu.memory_space<semaphore_mem>>) src(%arg15 : memref<64x256xf32, #tpu.memory_space<vmem>>) dst(%dma_wait3A_55 : memref<64x256xf32, #tpu.memory_space<hbm>>)
      tpu.yield
    }) : () -> ()
    return
  }
}

#map = affine_map<(d0, d1) -> (0, 0)>
#map1 = affine_map<(d0, d1) -> (0)>
#map2 = affine_map<(d0, d1) -> (0, 0, 0)>
module attributes {stable_mosaic.version = 14 : i64} {
  func.func @_sc_gather(%arg0: i32, %arg1: i32, %arg2: memref<2304x256xf32, #tpu.memory_space<hbm>>, %arg3: memref<16384xi32, #tpu.memory_space<hbm>>, %arg4: memref<2x1024x256xf32, #tpu.memory_space<hbm>>, %arg5: memref<64xi32, #tpu.memory_space<vmem>>, %arg6: memref<64xi32, #tpu.memory_space<vmem>>, %arg7: memref<64xi32, #tpu.memory_space<vmem>>, %arg8: memref<64xi32, #tpu.memory_space<vmem>>, %arg9: memref<64xi32, #tpu.memory_space<vmem>>, %arg10: memref<64xi32, #tpu.memory_space<vmem>>, %arg11: memref<64xi32, #tpu.memory_space<vmem>>, %arg12: memref<64xi32, #tpu.memory_space<vmem>>, %arg13: memref<64x256xf32, #tpu.memory_space<vmem>>, %arg14: memref<64x256xf32, #tpu.memory_space<vmem>>, %arg15: memref<64x256xf32, #tpu.memory_space<vmem>>, %arg16: memref<!tpu.dma_semaphore, #tpu.memory_space<semaphore_mem>>, %arg17: memref<!tpu.dma_semaphore, #tpu.memory_space<semaphore_mem>>, %arg18: memref<!tpu.dma_semaphore, #tpu.memory_space<semaphore_mem>>) attributes {dimension_semantics = [#tpu.dimension_semantics<core_parallel>, #tpu.dimension_semantics<subcore_parallel>], iteration_bounds = array<i64: 2, 16>, scalar_prefetch = 0 : i64, scratch_operands = 14 : i64, tpu.core_type = #tpu.core_type<sc_vector_subcore>, window_params = [{transform_indices = #map}, {transform_indices = #map1}, {transform_indices = #map2}]} {
    %mul3A = arith.constant 64 : i32
    %mul3A_0 = arith.muli %arg1, %mul3A : i32
    %mul3A_1 = arith.constant 8192 : i32
    %mul3A_2 = arith.muli %arg0, %mul3A_1 : i32
    %add3A = arith.constant 0 : i32
    %add3A_3 = arith.addi %mul3A_2, %add3A : i32
    %add3A_4 = arith.addi %add3A_3, %mul3A_0 : i32
    "tpu.region"() ({
      %run_scoped3A = tpu.sem_alloc : memref<!tpu.dma_semaphore, #tpu.memory_space<semaphore_mem>>
      %dma_start3A_44 = tpu.memref_slice %arg3[%add3A_4] : memref<16384xi32, #tpu.memory_space<hbm>> -> memref<64xi32, #tpu.memory_space<hbm>>
      %dma_start3A_45 = tpu.memref_slice %arg3[%add3A_4] : memref<16384xi32, #tpu.memory_space<hbm>> -> memref<64xi32, #tpu.memory_space<hbm>>
      tpu.enqueue_dma source(%dma_start3A_45 : memref<64xi32, #tpu.memory_space<hbm>>) target(%arg5 : memref<64xi32, #tpu.memory_space<vmem>>) target_semaphore(%run_scoped3A : memref<!tpu.dma_semaphore, #tpu.memory_space<semaphore_mem>>)
      %dma_wait3A_46 = tpu.memref_slice %arg3[%add3A_4] : memref<16384xi32, #tpu.memory_space<hbm>> -> memref<64xi32, #tpu.memory_space<hbm>>
      %dma_wait3A_47 = tpu.memref_slice %arg3[%add3A_4] : memref<16384xi32, #tpu.memory_space<hbm>> -> memref<64xi32, #tpu.memory_space<hbm>>
      tpu.wait_dma2 semaphore(%run_scoped3A : memref<!tpu.dma_semaphore, #tpu.memory_space<semaphore_mem>>) src(%dma_wait3A_47 : memref<64xi32, #tpu.memory_space<hbm>>) dst(%arg5 : memref<64xi32, #tpu.memory_space<vmem>>)
      tpu.yield
    }) : () -> ()
    %mul3A_5 = arith.constant 8192 : i32
    %mul3A_6 = arith.muli %arg0, %mul3A_5 : i32
    %add3A_7 = arith.constant 1024 : i32
    %add3A_8 = arith.addi %mul3A_6, %add3A_7 : i32
    %add3A_9 = arith.addi %add3A_8, %mul3A_0 : i32
    "tpu.region"() ({
      %run_scoped3A = tpu.sem_alloc : memref<!tpu.dma_semaphore, #tpu.memory_space<semaphore_mem>>
      %dma_start3A_44 = tpu.memref_slice %arg3[%add3A_9] : memref<16384xi32, #tpu.memory_space<hbm>> -> memref<64xi32, #tpu.memory_space<hbm>>
      %dma_start3A_45 = tpu.memref_slice %arg3[%add3A_9] : memref<16384xi32, #tpu.memory_space<hbm>> -> memref<64xi32, #tpu.memory_space<hbm>>
      tpu.enqueue_dma source(%dma_start3A_45 : memref<64xi32, #tpu.memory_space<hbm>>) target(%arg6 : memref<64xi32, #tpu.memory_space<vmem>>) target_semaphore(%run_scoped3A : memref<!tpu.dma_semaphore, #tpu.memory_space<semaphore_mem>>)
      %dma_wait3A_46 = tpu.memref_slice %arg3[%add3A_9] : memref<16384xi32, #tpu.memory_space<hbm>> -> memref<64xi32, #tpu.memory_space<hbm>>
      %dma_wait3A_47 = tpu.memref_slice %arg3[%add3A_9] : memref<16384xi32, #tpu.memory_space<hbm>> -> memref<64xi32, #tpu.memory_space<hbm>>
      tpu.wait_dma2 semaphore(%run_scoped3A : memref<!tpu.dma_semaphore, #tpu.memory_space<semaphore_mem>>) src(%dma_wait3A_47 : memref<64xi32, #tpu.memory_space<hbm>>) dst(%arg6 : memref<64xi32, #tpu.memory_space<vmem>>)
      tpu.yield
    }) : () -> ()
    %mul3A_10 = arith.constant 8192 : i32
    %mul3A_11 = arith.muli %arg0, %mul3A_10 : i32
    %add3A_12 = arith.constant 2048 : i32
    %add3A_13 = arith.addi %mul3A_11, %add3A_12 : i32
    %add3A_14 = arith.addi %add3A_13, %mul3A_0 : i32
    "tpu.region"() ({
      %run_scoped3A = tpu.sem_alloc : memref<!tpu.dma_semaphore, #tpu.memory_space<semaphore_mem>>
      %dma_start3A_44 = tpu.memref_slice %arg3[%add3A_14] : memref<16384xi32, #tpu.memory_space<hbm>> -> memref<64xi32, #tpu.memory_space<hbm>>
      %dma_start3A_45 = tpu.memref_slice %arg3[%add3A_14] : memref<16384xi32, #tpu.memory_space<hbm>> -> memref<64xi32, #tpu.memory_space<hbm>>
      tpu.enqueue_dma source(%dma_start3A_45 : memref<64xi32, #tpu.memory_space<hbm>>) target(%arg7 : memref<64xi32, #tpu.memory_space<vmem>>) target_semaphore(%run_scoped3A : memref<!tpu.dma_semaphore, #tpu.memory_space<semaphore_mem>>)
      %dma_wait3A_46 = tpu.memref_slice %arg3[%add3A_14] : memref<16384xi32, #tpu.memory_space<hbm>> -> memref<64xi32, #tpu.memory_space<hbm>>
      %dma_wait3A_47 = tpu.memref_slice %arg3[%add3A_14] : memref<16384xi32, #tpu.memory_space<hbm>> -> memref<64xi32, #tpu.memory_space<hbm>>
      tpu.wait_dma2 semaphore(%run_scoped3A : memref<!tpu.dma_semaphore, #tpu.memory_space<semaphore_mem>>) src(%dma_wait3A_47 : memref<64xi32, #tpu.memory_space<hbm>>) dst(%arg7 : memref<64xi32, #tpu.memory_space<vmem>>)
      tpu.yield
    }) : () -> ()
    %mul3A_15 = arith.constant 8192 : i32
    %mul3A_16 = arith.muli %arg0, %mul3A_15 : i32
    %add3A_17 = arith.constant 3072 : i32
    %add3A_18 = arith.addi %mul3A_16, %add3A_17 : i32
    %add3A_19 = arith.addi %add3A_18, %mul3A_0 : i32
    "tpu.region"() ({
      %run_scoped3A = tpu.sem_alloc : memref<!tpu.dma_semaphore, #tpu.memory_space<semaphore_mem>>
      %dma_start3A_44 = tpu.memref_slice %arg3[%add3A_19] : memref<16384xi32, #tpu.memory_space<hbm>> -> memref<64xi32, #tpu.memory_space<hbm>>
      %dma_start3A_45 = tpu.memref_slice %arg3[%add3A_19] : memref<16384xi32, #tpu.memory_space<hbm>> -> memref<64xi32, #tpu.memory_space<hbm>>
      tpu.enqueue_dma source(%dma_start3A_45 : memref<64xi32, #tpu.memory_space<hbm>>) target(%arg8 : memref<64xi32, #tpu.memory_space<vmem>>) target_semaphore(%run_scoped3A : memref<!tpu.dma_semaphore, #tpu.memory_space<semaphore_mem>>)
      %dma_wait3A_46 = tpu.memref_slice %arg3[%add3A_19] : memref<16384xi32, #tpu.memory_space<hbm>> -> memref<64xi32, #tpu.memory_space<hbm>>
      %dma_wait3A_47 = tpu.memref_slice %arg3[%add3A_19] : memref<16384xi32, #tpu.memory_space<hbm>> -> memref<64xi32, #tpu.memory_space<hbm>>
      tpu.wait_dma2 semaphore(%run_scoped3A : memref<!tpu.dma_semaphore, #tpu.memory_space<semaphore_mem>>) src(%dma_wait3A_47 : memref<64xi32, #tpu.memory_space<hbm>>) dst(%arg8 : memref<64xi32, #tpu.memory_space<vmem>>)
      tpu.yield
    }) : () -> ()
    %mul3A_20 = arith.constant 8192 : i32
    %mul3A_21 = arith.muli %arg0, %mul3A_20 : i32
    %add3A_22 = arith.constant 4096 : i32
    %add3A_23 = arith.addi %mul3A_21, %add3A_22 : i32
    %add3A_24 = arith.addi %add3A_23, %mul3A_0 : i32
    "tpu.region"() ({
      %run_scoped3A = tpu.sem_alloc : memref<!tpu.dma_semaphore, #tpu.memory_space<semaphore_mem>>
      %dma_start3A_44 = tpu.memref_slice %arg3[%add3A_24] : memref<16384xi32, #tpu.memory_space<hbm>> -> memref<64xi32, #tpu.memory_space<hbm>>
      %dma_start3A_45 = tpu.memref_slice %arg3[%add3A_24] : memref<16384xi32, #tpu.memory_space<hbm>> -> memref<64xi32, #tpu.memory_space<hbm>>
      tpu.enqueue_dma source(%dma_start3A_45 : memref<64xi32, #tpu.memory_space<hbm>>) target(%arg9 : memref<64xi32, #tpu.memory_space<vmem>>) target_semaphore(%run_scoped3A : memref<!tpu.dma_semaphore, #tpu.memory_space<semaphore_mem>>)
      %dma_wait3A_46 = tpu.memref_slice %arg3[%add3A_24] : memref<16384xi32, #tpu.memory_space<hbm>> -> memref<64xi32, #tpu.memory_space<hbm>>
      %dma_wait3A_47 = tpu.memref_slice %arg3[%add3A_24] : memref<16384xi32, #tpu.memory_space<hbm>> -> memref<64xi32, #tpu.memory_space<hbm>>
      tpu.wait_dma2 semaphore(%run_scoped3A : memref<!tpu.dma_semaphore, #tpu.memory_space<semaphore_mem>>) src(%dma_wait3A_47 : memref<64xi32, #tpu.memory_space<hbm>>) dst(%arg9 : memref<64xi32, #tpu.memory_space<vmem>>)
      tpu.yield
    }) : () -> ()
    %mul3A_25 = arith.constant 8192 : i32
    %mul3A_26 = arith.muli %arg0, %mul3A_25 : i32
    %add3A_27 = arith.constant 5120 : i32
    %add3A_28 = arith.addi %mul3A_26, %add3A_27 : i32
    %add3A_29 = arith.addi %add3A_28, %mul3A_0 : i32
    "tpu.region"() ({
      %run_scoped3A = tpu.sem_alloc : memref<!tpu.dma_semaphore, #tpu.memory_space<semaphore_mem>>
      %dma_start3A_44 = tpu.memref_slice %arg3[%add3A_29] : memref<16384xi32, #tpu.memory_space<hbm>> -> memref<64xi32, #tpu.memory_space<hbm>>
      %dma_start3A_45 = tpu.memref_slice %arg3[%add3A_29] : memref<16384xi32, #tpu.memory_space<hbm>> -> memref<64xi32, #tpu.memory_space<hbm>>
      tpu.enqueue_dma source(%dma_start3A_45 : memref<64xi32, #tpu.memory_space<hbm>>) target(%arg10 : memref<64xi32, #tpu.memory_space<vmem>>) target_semaphore(%run_scoped3A : memref<!tpu.dma_semaphore, #tpu.memory_space<semaphore_mem>>)
      %dma_wait3A_46 = tpu.memref_slice %arg3[%add3A_29] : memref<16384xi32, #tpu.memory_space<hbm>> -> memref<64xi32, #tpu.memory_space<hbm>>
      %dma_wait3A_47 = tpu.memref_slice %arg3[%add3A_29] : memref<16384xi32, #tpu.memory_space<hbm>> -> memref<64xi32, #tpu.memory_space<hbm>>
      tpu.wait_dma2 semaphore(%run_scoped3A : memref<!tpu.dma_semaphore, #tpu.memory_space<semaphore_mem>>) src(%dma_wait3A_47 : memref<64xi32, #tpu.memory_space<hbm>>) dst(%arg10 : memref<64xi32, #tpu.memory_space<vmem>>)
      tpu.yield
    }) : () -> ()
    %mul3A_30 = arith.constant 8192 : i32
    %mul3A_31 = arith.muli %arg0, %mul3A_30 : i32
    %add3A_32 = arith.constant 6144 : i32
    %add3A_33 = arith.addi %mul3A_31, %add3A_32 : i32
    %add3A_34 = arith.addi %add3A_33, %mul3A_0 : i32
    "tpu.region"() ({
      %run_scoped3A = tpu.sem_alloc : memref<!tpu.dma_semaphore, #tpu.memory_space<semaphore_mem>>
      %dma_start3A_44 = tpu.memref_slice %arg3[%add3A_34] : memref<16384xi32, #tpu.memory_space<hbm>> -> memref<64xi32, #tpu.memory_space<hbm>>
      %dma_start3A_45 = tpu.memref_slice %arg3[%add3A_34] : memref<16384xi32, #tpu.memory_space<hbm>> -> memref<64xi32, #tpu.memory_space<hbm>>
      tpu.enqueue_dma source(%dma_start3A_45 : memref<64xi32, #tpu.memory_space<hbm>>) target(%arg11 : memref<64xi32, #tpu.memory_space<vmem>>) target_semaphore(%run_scoped3A : memref<!tpu.dma_semaphore, #tpu.memory_space<semaphore_mem>>)
      %dma_wait3A_46 = tpu.memref_slice %arg3[%add3A_34] : memref<16384xi32, #tpu.memory_space<hbm>> -> memref<64xi32, #tpu.memory_space<hbm>>
      %dma_wait3A_47 = tpu.memref_slice %arg3[%add3A_34] : memref<16384xi32, #tpu.memory_space<hbm>> -> memref<64xi32, #tpu.memory_space<hbm>>
      tpu.wait_dma2 semaphore(%run_scoped3A : memref<!tpu.dma_semaphore, #tpu.memory_space<semaphore_mem>>) src(%dma_wait3A_47 : memref<64xi32, #tpu.memory_space<hbm>>) dst(%arg11 : memref<64xi32, #tpu.memory_space<vmem>>)
      tpu.yield
    }) : () -> ()
    %mul3A_35 = arith.constant 8192 : i32
    %mul3A_36 = arith.muli %arg0, %mul3A_35 : i32
    %add3A_37 = arith.constant 7168 : i32
    %add3A_38 = arith.addi %mul3A_36, %add3A_37 : i32
    %add3A_39 = arith.addi %add3A_38, %mul3A_0 : i32
    "tpu.region"() ({
      %run_scoped3A = tpu.sem_alloc : memref<!tpu.dma_semaphore, #tpu.memory_space<semaphore_mem>>
      %dma_start3A_44 = tpu.memref_slice %arg3[%add3A_39] : memref<16384xi32, #tpu.memory_space<hbm>> -> memref<64xi32, #tpu.memory_space<hbm>>
      %dma_start3A_45 = tpu.memref_slice %arg3[%add3A_39] : memref<16384xi32, #tpu.memory_space<hbm>> -> memref<64xi32, #tpu.memory_space<hbm>>
      tpu.enqueue_dma source(%dma_start3A_45 : memref<64xi32, #tpu.memory_space<hbm>>) target(%arg12 : memref<64xi32, #tpu.memory_space<vmem>>) target_semaphore(%run_scoped3A : memref<!tpu.dma_semaphore, #tpu.memory_space<semaphore_mem>>)
      %dma_wait3A_46 = tpu.memref_slice %arg3[%add3A_39] : memref<16384xi32, #tpu.memory_space<hbm>> -> memref<64xi32, #tpu.memory_space<hbm>>
      %dma_wait3A_47 = tpu.memref_slice %arg3[%add3A_39] : memref<16384xi32, #tpu.memory_space<hbm>> -> memref<64xi32, #tpu.memory_space<hbm>>
      tpu.wait_dma2 semaphore(%run_scoped3A : memref<!tpu.dma_semaphore, #tpu.memory_space<semaphore_mem>>) src(%dma_wait3A_47 : memref<64xi32, #tpu.memory_space<hbm>>) dst(%arg12 : memref<64xi32, #tpu.memory_space<vmem>>)
      tpu.yield
    }) : () -> ()
    %dma_start3A = arith.constant 0 : i32
    %dma_start3A_40 = arith.constant 0 : i32
    %dma_start3A_41 = tpu.memref_slice %arg2[%dma_start3A, %dma_start3A_40] : memref<2304x256xf32, #tpu.memory_space<hbm>> -> memref<2304x256xf32, #tpu.memory_space<hbm>>
    tpu.enqueue_indirect_dma source(%dma_start3A_41 : memref<2304x256xf32, #tpu.memory_space<hbm>>) target(%arg15 : memref<64x256xf32, #tpu.memory_space<vmem>>) offsets(%arg5 : memref<64xi32, #tpu.memory_space<vmem>>) semaphore(%arg18 : memref<!tpu.dma_semaphore, #tpu.memory_space<semaphore_mem>>)
    %dma_wait3A = arith.constant 0 : i32
    %dma_wait3A_42 = arith.constant 0 : i32
    %dma_wait3A_43 = tpu.memref_slice %arg2[%dma_wait3A, %dma_wait3A_42] : memref<2304x256xf32, #tpu.memory_space<hbm>> -> memref<2304x256xf32, #tpu.memory_space<hbm>>
    tpu.wait_indirect_dma semaphore(%arg18 : memref<!tpu.dma_semaphore, #tpu.memory_space<semaphore_mem>>) src(%dma_wait3A_43 : memref<2304x256xf32, #tpu.memory_space<hbm>>) dst(%arg15 : memref<64x256xf32, #tpu.memory_space<vmem>>)
    "tpu.region"() ({
      %run_scoped3A = tpu.sem_alloc : memref<!tpu.dma_semaphore, #tpu.memory_space<semaphore_mem>>
      %dma_start3A_44 = arith.constant 0 : i32
      %dma_start3A_45 = tpu.memref_slice %arg4[%arg0, %mul3A_0, %dma_start3A_44] : memref<2x1024x256xf32, #tpu.memory_space<hbm>> -> memref<1x64x256xf32, #tpu.memory_space<hbm>>
      %dma_start3A_46 = tpu.memref_squeeze %dma_start3A_45 : memref<1x64x256xf32, #tpu.memory_space<hbm>> -> memref<64x256xf32, #tpu.memory_space<hbm>>
      %dma_start3A_47 = arith.constant 0 : i32
      %dma_start3A_48 = tpu.memref_slice %arg4[%arg0, %mul3A_0, %dma_start3A_47] : memref<2x1024x256xf32, #tpu.memory_space<hbm>> -> memref<1x64x256xf32, #tpu.memory_space<hbm>>
      %dma_start3A_49 = tpu.memref_squeeze %dma_start3A_48 : memref<1x64x256xf32, #tpu.memory_space<hbm>> -> memref<64x256xf32, #tpu.memory_space<hbm>>
      tpu.enqueue_dma source(%arg15 : memref<64x256xf32, #tpu.memory_space<vmem>>) target(%dma_start3A_49 : memref<64x256xf32, #tpu.memory_space<hbm>>) target_semaphore(%run_scoped3A : memref<!tpu.dma_semaphore, #tpu.memory_space<semaphore_mem>>)
      %dma_wait3A_50 = arith.constant 0 : i32
      %dma_wait3A_51 = tpu.memref_slice %arg4[%arg0, %mul3A_0, %dma_wait3A_50] : memref<2x1024x256xf32, #tpu.memory_space<hbm>> -> memref<1x64x256xf32, #tpu.memory_space<hbm>>
      %dma_wait3A_52 = tpu.memref_squeeze %dma_wait3A_51 : memref<1x64x256xf32, #tpu.memory_space<hbm>> -> memref<64x256xf32, #tpu.memory_space<hbm>>
      %dma_wait3A_53 = arith.constant 0 : i32
      %dma_wait3A_54 = tpu.memref_slice %arg4[%arg0, %mul3A_0, %dma_wait3A_53] : memref<2x1024x256xf32, #tpu.memory_space<hbm>> -> memref<1x64x256xf32, #tpu.memory_space<hbm>>
      %dma_wait3A_55 = tpu.memref_squeeze %dma_wait3A_54 : memref<1x64x256xf32, #tpu.memory_space<hbm>> -> memref<64x256xf32, #tpu.memory_space<hbm>>
      tpu.wait_dma2 semaphore(%run_scoped3A : memref<!tpu.dma_semaphore, #tpu.memory_space<semaphore_mem>>) src(%arg15 : memref<64x256xf32, #tpu.memory_space<vmem>>) dst(%dma_wait3A_55 : memref<64x256xf32, #tpu.memory_space<hbm>>)
      tpu.yield
    }) : () -> ()
    return
  }
}

module attributes {stable_mosaic.version = 14 : i64} {
  func.func @_tc1_body(%arg0: i32, %arg1: memref<1x1x1024xi32, #tpu.memory_space<vmem>>, %arg2: memref<32x256xf32, #tpu.memory_space<vmem>>, %arg3: memref<256x256xf32, #tpu.memory_space<vmem>>, %arg4: memref<1x256xf32, #tpu.memory_space<vmem>>, %arg5: memref<256x256xf32, #tpu.memory_space<vmem>>, %arg6: memref<1x256xf32, #tpu.memory_space<vmem>>, %arg7: memref<256x256xf32, #tpu.memory_space<vmem>>, %arg8: memref<1x256xf32, #tpu.memory_space<vmem>>, %arg9: memref<256x256xf32, #tpu.memory_space<vmem>>, %arg10: memref<1x256xf32, #tpu.memory_space<vmem>>, %arg11: memref<256x256xf32, #tpu.memory_space<vmem>>, %arg12: memref<1x256xf32, #tpu.memory_space<vmem>>, %arg13: memref<1x256xf32, #tpu.memory_space<vmem>>, %arg14: memref<1x256xf32, #tpu.memory_space<vmem>>, %arg15: memref<256x1024xf32, #tpu.memory_space<vmem>>, %arg16: memref<1x1024xf32, #tpu.memory_space<vmem>>, %arg17: memref<1024x256xf32, #tpu.memory_space<vmem>>, %arg18: memref<1x256xf32, #tpu.memory_space<vmem>>, %arg19: memref<1x256xf32, #tpu.memory_space<vmem>>, %arg20: memref<1x256xf32, #tpu.memory_space<vmem>>, %arg21: memref<1x1152x256xf32, #tpu.memory_space<vmem>>) attributes {dimension_semantics = [#tpu.dimension_semantics<arbitrary>], iteration_bounds = array<i64: 2>, scalar_prefetch = 0 : i64, scratch_operands = 0 : i64, tpu.core_type = #tpu.core_type<tc>, window_params = [{transform_indices = @transform_0, window_bounds = array<i64: 1, 1, 1024>}, {pipeline_mode = #tpu.pipeline_mode<synchronous>, transform_indices = @transform_1, window_bounds = array<i64: 32, 256>}, {pipeline_mode = #tpu.pipeline_mode<synchronous>, transform_indices = @transform_2, window_bounds = array<i64: 256, 256>}, {pipeline_mode = #tpu.pipeline_mode<synchronous>, transform_indices = @transform_3, window_bounds = array<i64: 1, 256>}, {pipeline_mode = #tpu.pipeline_mode<synchronous>, transform_indices = @transform_4, window_bounds = array<i64: 256, 256>}, {pipeline_mode = #tpu.pipeline_mode<synchronous>, transform_indices = @transform_5, window_bounds = array<i64: 1, 256>}, {pipeline_mode = #tpu.pipeline_mode<synchronous>, transform_indices = @transform_6, window_bounds = array<i64: 256, 256>}, {pipeline_mode = #tpu.pipeline_mode<synchronous>, transform_indices = @transform_7, window_bounds = array<i64: 1, 256>}, {pipeline_mode = #tpu.pipeline_mode<synchronous>, transform_indices = @transform_8, window_bounds = array<i64: 256, 256>}, {pipeline_mode = #tpu.pipeline_mode<synchronous>, transform_indices = @transform_9, window_bounds = array<i64: 1, 256>}, {pipeline_mode = #tpu.pipeline_mode<synchronous>, transform_indices = @transform_10, window_bounds = array<i64: 256, 256>}, {pipeline_mode = #tpu.pipeline_mode<synchronous>, transform_indices = @transform_11, window_bounds = array<i64: 1, 256>}, {pipeline_mode = #tpu.pipeline_mode<synchronous>, transform_indices = @transform_12, window_bounds = array<i64: 1, 256>}, {pipeline_mode = #tpu.pipeline_mode<synchronous>, transform_indices = @transform_13, window_bounds = array<i64: 1, 256>}, {pipeline_mode = #tpu.pipeline_mode<synchronous>, transform_indices = @transform_14, window_bounds = array<i64: 256, 1024>}, {pipeline_mode = #tpu.pipeline_mode<synchronous>, transform_indices = @transform_15, window_bounds = array<i64: 1, 1024>}, {pipeline_mode = #tpu.pipeline_mode<synchronous>, transform_indices = @transform_16, window_bounds = array<i64: 1024, 256>}, {pipeline_mode = #tpu.pipeline_mode<synchronous>, transform_indices = @transform_17, window_bounds = array<i64: 1, 256>}, {pipeline_mode = #tpu.pipeline_mode<synchronous>, transform_indices = @transform_18, window_bounds = array<i64: 1, 256>}, {pipeline_mode = #tpu.pipeline_mode<synchronous>, transform_indices = @transform_19, window_bounds = array<i64: 1, 256>}, {transform_indices = @transform_20, window_bounds = array<i64: 1, 1152, 256>}]} {
    %get3A = arith.constant 0 : index
    %get3A_0 = arith.constant 0 : index
    %get3A_1 = vector.load %arg3[%get3A, %get3A_0] : memref<256x256xf32, #tpu.memory_space<vmem>>, vector<256x256xf32>
    %get3A_2 = arith.constant 0 : index
    %get3A_3 = arith.constant 0 : index
    %get3A_4 = vector.load %arg4[%get3A_2, %get3A_3] : memref<1x256xf32, #tpu.memory_space<vmem>>, vector<1x256xf32>
    %get3A_5 = arith.constant 0 : index
    %get3A_6 = arith.constant 0 : index
    %get3A_7 = vector.load %arg5[%get3A_5, %get3A_6] : memref<256x256xf32, #tpu.memory_space<vmem>>, vector<256x256xf32>
    %get3A_8 = arith.constant 0 : index
    %get3A_9 = arith.constant 0 : index
    %get3A_10 = vector.load %arg6[%get3A_8, %get3A_9] : memref<1x256xf32, #tpu.memory_space<vmem>>, vector<1x256xf32>
    %get3A_11 = arith.constant 0 : index
    %get3A_12 = arith.constant 0 : index
    %get3A_13 = vector.load %arg7[%get3A_11, %get3A_12] : memref<256x256xf32, #tpu.memory_space<vmem>>, vector<256x256xf32>
    %get3A_14 = arith.constant 0 : index
    %get3A_15 = arith.constant 0 : index
    %get3A_16 = vector.load %arg8[%get3A_14, %get3A_15] : memref<1x256xf32, #tpu.memory_space<vmem>>, vector<1x256xf32>
    %get3A_17 = arith.constant 0 : index
    %get3A_18 = arith.constant 0 : index
    %get3A_19 = vector.load %arg9[%get3A_17, %get3A_18] : memref<256x256xf32, #tpu.memory_space<vmem>>, vector<256x256xf32>
    %get3A_20 = arith.constant 0 : index
    %get3A_21 = arith.constant 0 : index
    %get3A_22 = vector.load %arg10[%get3A_20, %get3A_21] : memref<1x256xf32, #tpu.memory_space<vmem>>, vector<1x256xf32>
    %get3A_23 = arith.constant 0 : index
    %get3A_24 = arith.constant 0 : index
    %get3A_25 = vector.load %arg11[%get3A_23, %get3A_24] : memref<256x256xf32, #tpu.memory_space<vmem>>, vector<256x256xf32>
    %get3A_26 = arith.constant 0 : index
    %get3A_27 = arith.constant 0 : index
    %get3A_28 = vector.load %arg12[%get3A_26, %get3A_27] : memref<1x256xf32, #tpu.memory_space<vmem>>, vector<1x256xf32>
    %get3A_29 = arith.constant 0 : index
    %get3A_30 = arith.constant 0 : index
    %get3A_31 = vector.load %arg13[%get3A_29, %get3A_30] : memref<1x256xf32, #tpu.memory_space<vmem>>, vector<1x256xf32>
    %get3A_32 = arith.constant 0 : index
    %get3A_33 = arith.constant 0 : index
    %get3A_34 = vector.load %arg14[%get3A_32, %get3A_33] : memref<1x256xf32, #tpu.memory_space<vmem>>, vector<1x256xf32>
    %get3A_35 = arith.constant 0 : index
    %get3A_36 = arith.constant 0 : index
    %get3A_37 = vector.load %arg15[%get3A_35, %get3A_36] : memref<256x1024xf32, #tpu.memory_space<vmem>>, vector<256x1024xf32>
    %get3A_38 = arith.constant 0 : index
    %get3A_39 = arith.constant 0 : index
    %get3A_40 = vector.load %arg16[%get3A_38, %get3A_39] : memref<1x1024xf32, #tpu.memory_space<vmem>>, vector<1x1024xf32>
    %get3A_41 = arith.constant 0 : index
    %get3A_42 = arith.constant 0 : index
    %get3A_43 = vector.load %arg17[%get3A_41, %get3A_42] : memref<1024x256xf32, #tpu.memory_space<vmem>>, vector<1024x256xf32>
    %get3A_44 = arith.constant 0 : index
    %get3A_45 = arith.constant 0 : index
    %get3A_46 = vector.load %arg18[%get3A_44, %get3A_45] : memref<1x256xf32, #tpu.memory_space<vmem>>, vector<1x256xf32>
    %get3A_47 = arith.constant 0 : index
    %get3A_48 = arith.constant 0 : index
    %get3A_49 = vector.load %arg19[%get3A_47, %get3A_48] : memref<1x256xf32, #tpu.memory_space<vmem>>, vector<1x256xf32>
    %get3A_50 = arith.constant 0 : index
    %get3A_51 = arith.constant 0 : index
    %get3A_52 = vector.load %arg20[%get3A_50, %get3A_51] : memref<1x256xf32, #tpu.memory_space<vmem>>, vector<1x256xf32>
    %get3A_53 = arith.constant 0 : index
    %get3A_54 = arith.constant 0 : index
    %get3A_55 = arith.constant 0 : index
    %get3A_56 = vector.load %arg1[%get3A_53, %get3A_54, %get3A_55] : memref<1x1x1024xi32, #tpu.memory_space<vmem>>, vector<1x1x1024xi32>
    %get3A_57 = vector.shape_cast %get3A_56 : vector<1x1x1024xi32> to vector<1x1024xi32>
    %iota3A = tpu.iota {dimensions = array<i32: 0>} : vector<32x1024xi32>
    %eq3A = vector.broadcast %get3A_57 : vector<1x1024xi32> to vector<32x1024xi32>
    %eq3A_58 = arith.cmpi eq, %eq3A, %iota3A : vector<32x1024xi32>
    %jit3A = arith.constant 1.000000e+00 : f32
    %jit3A_59 = arith.constant 0.000000e+00 : f32
    %broadcast_in_dim3A = vector.broadcast %jit3A : f32 to vector<32x1024xf32>
    %broadcast_in_dim3A_60 = vector.broadcast %jit3A_59 : f32 to vector<32x1024xf32>
    %select_n3A = arith.select %eq3A_58, %broadcast_in_dim3A, %broadcast_in_dim3A_60 : vector<32x1024xi1>, vector<32x1024xf32>
    %get3A_61 = arith.constant 0 : index
    %get3A_62 = arith.constant 0 : index
    %get3A_63 = vector.load %arg2[%get3A_61, %get3A_62] : memref<32x256xf32, #tpu.memory_space<vmem>>, vector<32x256xf32>
    %dot_general3A = arith.constant dense<0.000000e+00> : vector<1024x256xf32>
    %dot_general3A_64 = tpu.matmul %select_n3A, %get3A_63, %dot_general3A {dimension_numbers = #tpu.dot_dimension_numbers<[0], [0], [1], [1], [0, 1, 1, 1], [], []>, transpose_lhs_hint = false} : vector<32x1024xf32>, vector<32x256xf32>, vector<1024x256xf32> -> vector<1024x256xf32>
    %dot_general3A_65 = arith.constant dense<0.000000e+00> : vector<1024x256xf32>
    %dot_general3A_66 = tpu.matmul %dot_general3A_64, %get3A_1, %dot_general3A_65 {dimension_numbers = #tpu.dot_dimension_numbers<[1], [0], [0], [1], [0, 0, 1, 1], [], []>, transpose_lhs_hint = false} : vector<1024x256xf32>, vector<256x256xf32>, vector<1024x256xf32> -> vector<1024x256xf32>
    %add3A = vector.broadcast %get3A_4 : vector<1x256xf32> to vector<1024x256xf32>
    %add3A_67 = arith.addf %dot_general3A_66, %add3A : vector<1024x256xf32>
    %dot_general3A_68 = arith.constant dense<0.000000e+00> : vector<1024x256xf32>
    %dot_general3A_69 = tpu.matmul %add3A_67, %get3A_7, %dot_general3A_68 {dimension_numbers = #tpu.dot_dimension_numbers<[1], [0], [0], [1], [0, 0, 1, 1], [], []>, transpose_lhs_hint = false} : vector<1024x256xf32>, vector<256x256xf32>, vector<1024x256xf32> -> vector<1024x256xf32>
    %add3A_70 = vector.broadcast %get3A_10 : vector<1x256xf32> to vector<1024x256xf32>
    %add3A_71 = arith.addf %dot_general3A_69, %add3A_70 : vector<1024x256xf32>
    %dot_general3A_72 = arith.constant dense<0.000000e+00> : vector<1024x256xf32>
    %dot_general3A_73 = tpu.matmul %add3A_67, %get3A_13, %dot_general3A_72 {dimension_numbers = #tpu.dot_dimension_numbers<[1], [0], [0], [1], [0, 0, 1, 1], [], []>, transpose_lhs_hint = false} : vector<1024x256xf32>, vector<256x256xf32>, vector<1024x256xf32> -> vector<1024x256xf32>
    %add3A_74 = vector.broadcast %get3A_16 : vector<1x256xf32> to vector<1024x256xf32>
    %add3A_75 = arith.addf %dot_general3A_73, %add3A_74 : vector<1024x256xf32>
    %dot_general3A_76 = arith.constant dense<0.000000e+00> : vector<1024x256xf32>
    %dot_general3A_77 = tpu.matmul %add3A_67, %get3A_19, %dot_general3A_76 {dimension_numbers = #tpu.dot_dimension_numbers<[1], [0], [0], [1], [0, 0, 1, 1], [], []>, transpose_lhs_hint = false} : vector<1024x256xf32>, vector<256x256xf32>, vector<1024x256xf32> -> vector<1024x256xf32>
    %add3A_78 = vector.broadcast %get3A_22 : vector<1x256xf32> to vector<1024x256xf32>
    %add3A_79 = arith.addf %dot_general3A_77, %add3A_78 : vector<1024x256xf32>
    %slice3A = vector.extract_strided_slice %add3A_71 {offsets = [0, 0], sizes = [1024, 32], strides = [1, 1]} : vector<1024x256xf32> to vector<1024x32xf32>
    %slice3A_80 = vector.extract_strided_slice %add3A_75 {offsets = [0, 0], sizes = [1024, 32], strides = [1, 1]} : vector<1024x256xf32> to vector<1024x32xf32>
    %dot_general3A_81 = arith.constant dense<0.000000e+00> : vector<1024x1024xf32>
    %dot_general3A_82 = tpu.matmul %slice3A, %slice3A_80, %dot_general3A_81 {dimension_numbers = #tpu.dot_dimension_numbers<[1], [1], [0], [0], [0, 0, 1, 0], [], []>, transpose_lhs_hint = false} : vector<1024x32xf32>, vector<1024x32xf32>, vector<1024x1024xf32> -> vector<1024x1024xf32>
    %mul3A = arith.constant 0.176776692 : f32
    %mul3A_83 = vector.broadcast %mul3A : f32 to vector<1024x1024xf32>
    %mul3A_84 = arith.mulf %dot_general3A_82, %mul3A_83 : vector<1024x1024xf32>
    %reduce_max3A = arith.constant dense<0xFF800000> : vector<1024xf32>
    %reduce_max3A_85 = vector.multi_reduction <maximumf>, %mul3A_84, %reduce_max3A [1] : vector<1024x1024xf32> to vector<1024xf32>
    %broadcast_in_dim3A_86 = vector.shape_cast %reduce_max3A_85 : vector<1024xf32> to vector<1024x1xf32>
    %sub3A = vector.broadcast %broadcast_in_dim3A_86 : vector<1024x1xf32> to vector<1024x1024xf32>
    %sub3A_87 = arith.subf %mul3A_84, %sub3A : vector<1024x1024xf32>
    %exp3A = math.exp %sub3A_87 : vector<1024x1024xf32>
    %reduce_sum3A = arith.constant dense<0.000000e+00> : vector<1024xf32>
    %reduce_sum3A_88 = vector.multi_reduction <add>, %exp3A, %reduce_sum3A [1] : vector<1024x1024xf32> to vector<1024xf32>
    %broadcast_in_dim3A_89 = vector.shape_cast %reduce_sum3A_88 : vector<1024xf32> to vector<1024x1xf32>
    %div3A = vector.broadcast %broadcast_in_dim3A_89 : vector<1024x1xf32> to vector<1024x1024xf32>
    %div3A_90 = arith.divf %exp3A, %div3A : vector<1024x1024xf32>
    %slice3A_91 = vector.extract_strided_slice %add3A_79 {offsets = [0, 0], sizes = [1024, 32], strides = [1, 1]} : vector<1024x256xf32> to vector<1024x32xf32>
    %dot_general3A_92 = arith.constant dense<0.000000e+00> : vector<1024x32xf32>
    %dot_general3A_93 = tpu.matmul %div3A_90, %slice3A_91, %dot_general3A_92 {dimension_numbers = #tpu.dot_dimension_numbers<[1], [0], [0], [1], [0, 0, 1, 1], [], []>, transpose_lhs_hint = false} : vector<1024x1024xf32>, vector<1024x32xf32>, vector<1024x32xf32> -> vector<1024x32xf32>
    %slice3A_94 = vector.extract_strided_slice %add3A_71 {offsets = [0, 32], sizes = [1024, 32], strides = [1, 1]} : vector<1024x256xf32> to vector<1024x32xf32>
    %slice3A_95 = vector.extract_strided_slice %add3A_75 {offsets = [0, 32], sizes = [1024, 32], strides = [1, 1]} : vector<1024x256xf32> to vector<1024x32xf32>
    %dot_general3A_96 = arith.constant dense<0.000000e+00> : vector<1024x1024xf32>
    %dot_general3A_97 = tpu.matmul %slice3A_94, %slice3A_95, %dot_general3A_96 {dimension_numbers = #tpu.dot_dimension_numbers<[1], [1], [0], [0], [0, 0, 1, 0], [], []>, transpose_lhs_hint = false} : vector<1024x32xf32>, vector<1024x32xf32>, vector<1024x1024xf32> -> vector<1024x1024xf32>
    %mul3A_98 = arith.constant 0.176776692 : f32
    %mul3A_99 = vector.broadcast %mul3A_98 : f32 to vector<1024x1024xf32>
    %mul3A_100 = arith.mulf %dot_general3A_97, %mul3A_99 : vector<1024x1024xf32>
    %reduce_max3A_101 = arith.constant dense<0xFF800000> : vector<1024xf32>
    %reduce_max3A_102 = vector.multi_reduction <maximumf>, %mul3A_100, %reduce_max3A_101 [1] : vector<1024x1024xf32> to vector<1024xf32>
    %broadcast_in_dim3A_103 = vector.shape_cast %reduce_max3A_102 : vector<1024xf32> to vector<1024x1xf32>
    %sub3A_104 = vector.broadcast %broadcast_in_dim3A_103 : vector<1024x1xf32> to vector<1024x1024xf32>
    %sub3A_105 = arith.subf %mul3A_100, %sub3A_104 : vector<1024x1024xf32>
    %exp3A_106 = math.exp %sub3A_105 : vector<1024x1024xf32>
    %reduce_sum3A_107 = arith.constant dense<0.000000e+00> : vector<1024xf32>
    %reduce_sum3A_108 = vector.multi_reduction <add>, %exp3A_106, %reduce_sum3A_107 [1] : vector<1024x1024xf32> to vector<1024xf32>
    %broadcast_in_dim3A_109 = vector.shape_cast %reduce_sum3A_108 : vector<1024xf32> to vector<1024x1xf32>
    %div3A_110 = vector.broadcast %broadcast_in_dim3A_109 : vector<1024x1xf32> to vector<1024x1024xf32>
    %div3A_111 = arith.divf %exp3A_106, %div3A_110 : vector<1024x1024xf32>
    %slice3A_112 = vector.extract_strided_slice %add3A_79 {offsets = [0, 32], sizes = [1024, 32], strides = [1, 1]} : vector<1024x256xf32> to vector<1024x32xf32>
    %dot_general3A_113 = arith.constant dense<0.000000e+00> : vector<1024x32xf32>
    %dot_general3A_114 = tpu.matmul %div3A_111, %slice3A_112, %dot_general3A_113 {dimension_numbers = #tpu.dot_dimension_numbers<[1], [0], [0], [1], [0, 0, 1, 1], [], []>, transpose_lhs_hint = false} : vector<1024x1024xf32>, vector<1024x32xf32>, vector<1024x32xf32> -> vector<1024x32xf32>
    %slice3A_115 = vector.extract_strided_slice %add3A_71 {offsets = [0, 64], sizes = [1024, 32], strides = [1, 1]} : vector<1024x256xf32> to vector<1024x32xf32>
    %slice3A_116 = vector.extract_strided_slice %add3A_75 {offsets = [0, 64], sizes = [1024, 32], strides = [1, 1]} : vector<1024x256xf32> to vector<1024x32xf32>
    %dot_general3A_117 = arith.constant dense<0.000000e+00> : vector<1024x1024xf32>
    %dot_general3A_118 = tpu.matmul %slice3A_115, %slice3A_116, %dot_general3A_117 {dimension_numbers = #tpu.dot_dimension_numbers<[1], [1], [0], [0], [0, 0, 1, 0], [], []>, transpose_lhs_hint = false} : vector<1024x32xf32>, vector<1024x32xf32>, vector<1024x1024xf32> -> vector<1024x1024xf32>
    %mul3A_119 = arith.constant 0.176776692 : f32
    %mul3A_120 = vector.broadcast %mul3A_119 : f32 to vector<1024x1024xf32>
    %mul3A_121 = arith.mulf %dot_general3A_118, %mul3A_120 : vector<1024x1024xf32>
    %reduce_max3A_122 = arith.constant dense<0xFF800000> : vector<1024xf32>
    %reduce_max3A_123 = vector.multi_reduction <maximumf>, %mul3A_121, %reduce_max3A_122 [1] : vector<1024x1024xf32> to vector<1024xf32>
    %broadcast_in_dim3A_124 = vector.shape_cast %reduce_max3A_123 : vector<1024xf32> to vector<1024x1xf32>
    %sub3A_125 = vector.broadcast %broadcast_in_dim3A_124 : vector<1024x1xf32> to vector<1024x1024xf32>
    %sub3A_126 = arith.subf %mul3A_121, %sub3A_125 : vector<1024x1024xf32>
    %exp3A_127 = math.exp %sub3A_126 : vector<1024x1024xf32>
    %reduce_sum3A_128 = arith.constant dense<0.000000e+00> : vector<1024xf32>
    %reduce_sum3A_129 = vector.multi_reduction <add>, %exp3A_127, %reduce_sum3A_128 [1] : vector<1024x1024xf32> to vector<1024xf32>
    %broadcast_in_dim3A_130 = vector.shape_cast %reduce_sum3A_129 : vector<1024xf32> to vector<1024x1xf32>
    %div3A_131 = vector.broadcast %broadcast_in_dim3A_130 : vector<1024x1xf32> to vector<1024x1024xf32>
    %div3A_132 = arith.divf %exp3A_127, %div3A_131 : vector<1024x1024xf32>
    %slice3A_133 = vector.extract_strided_slice %add3A_79 {offsets = [0, 64], sizes = [1024, 32], strides = [1, 1]} : vector<1024x256xf32> to vector<1024x32xf32>
    %dot_general3A_134 = arith.constant dense<0.000000e+00> : vector<1024x32xf32>
    %dot_general3A_135 = tpu.matmul %div3A_132, %slice3A_133, %dot_general3A_134 {dimension_numbers = #tpu.dot_dimension_numbers<[1], [0], [0], [1], [0, 0, 1, 1], [], []>, transpose_lhs_hint = false} : vector<1024x1024xf32>, vector<1024x32xf32>, vector<1024x32xf32> -> vector<1024x32xf32>
    %slice3A_136 = vector.extract_strided_slice %add3A_71 {offsets = [0, 96], sizes = [1024, 32], strides = [1, 1]} : vector<1024x256xf32> to vector<1024x32xf32>
    %slice3A_137 = vector.extract_strided_slice %add3A_75 {offsets = [0, 96], sizes = [1024, 32], strides = [1, 1]} : vector<1024x256xf32> to vector<1024x32xf32>
    %dot_general3A_138 = arith.constant dense<0.000000e+00> : vector<1024x1024xf32>
    %dot_general3A_139 = tpu.matmul %slice3A_136, %slice3A_137, %dot_general3A_138 {dimension_numbers = #tpu.dot_dimension_numbers<[1], [1], [0], [0], [0, 0, 1, 0], [], []>, transpose_lhs_hint = false} : vector<1024x32xf32>, vector<1024x32xf32>, vector<1024x1024xf32> -> vector<1024x1024xf32>
    %mul3A_140 = arith.constant 0.176776692 : f32
    %mul3A_141 = vector.broadcast %mul3A_140 : f32 to vector<1024x1024xf32>
    %mul3A_142 = arith.mulf %dot_general3A_139, %mul3A_141 : vector<1024x1024xf32>
    %reduce_max3A_143 = arith.constant dense<0xFF800000> : vector<1024xf32>
    %reduce_max3A_144 = vector.multi_reduction <maximumf>, %mul3A_142, %reduce_max3A_143 [1] : vector<1024x1024xf32> to vector<1024xf32>
    %broadcast_in_dim3A_145 = vector.shape_cast %reduce_max3A_144 : vector<1024xf32> to vector<1024x1xf32>
    %sub3A_146 = vector.broadcast %broadcast_in_dim3A_145 : vector<1024x1xf32> to vector<1024x1024xf32>
    %sub3A_147 = arith.subf %mul3A_142, %sub3A_146 : vector<1024x1024xf32>
    %exp3A_148 = math.exp %sub3A_147 : vector<1024x1024xf32>
    %reduce_sum3A_149 = arith.constant dense<0.000000e+00> : vector<1024xf32>
    %reduce_sum3A_150 = vector.multi_reduction <add>, %exp3A_148, %reduce_sum3A_149 [1] : vector<1024x1024xf32> to vector<1024xf32>
    %broadcast_in_dim3A_151 = vector.shape_cast %reduce_sum3A_150 : vector<1024xf32> to vector<1024x1xf32>
    %div3A_152 = vector.broadcast %broadcast_in_dim3A_151 : vector<1024x1xf32> to vector<1024x1024xf32>
    %div3A_153 = arith.divf %exp3A_148, %div3A_152 : vector<1024x1024xf32>
    %slice3A_154 = vector.extract_strided_slice %add3A_79 {offsets = [0, 96], sizes = [1024, 32], strides = [1, 1]} : vector<1024x256xf32> to vector<1024x32xf32>
    %dot_general3A_155 = arith.constant dense<0.000000e+00> : vector<1024x32xf32>
    %dot_general3A_156 = tpu.matmul %div3A_153, %slice3A_154, %dot_general3A_155 {dimension_numbers = #tpu.dot_dimension_numbers<[1], [0], [0], [1], [0, 0, 1, 1], [], []>, transpose_lhs_hint = false} : vector<1024x1024xf32>, vector<1024x32xf32>, vector<1024x32xf32> -> vector<1024x32xf32>
    %slice3A_157 = vector.extract_strided_slice %add3A_71 {offsets = [0, 128], sizes = [1024, 32], strides = [1, 1]} : vector<1024x256xf32> to vector<1024x32xf32>
    %slice3A_158 = vector.extract_strided_slice %add3A_75 {offsets = [0, 128], sizes = [1024, 32], strides = [1, 1]} : vector<1024x256xf32> to vector<1024x32xf32>
    %dot_general3A_159 = arith.constant dense<0.000000e+00> : vector<1024x1024xf32>
    %dot_general3A_160 = tpu.matmul %slice3A_157, %slice3A_158, %dot_general3A_159 {dimension_numbers = #tpu.dot_dimension_numbers<[1], [1], [0], [0], [0, 0, 1, 0], [], []>, transpose_lhs_hint = false} : vector<1024x32xf32>, vector<1024x32xf32>, vector<1024x1024xf32> -> vector<1024x1024xf32>
    %mul3A_161 = arith.constant 0.176776692 : f32
    %mul3A_162 = vector.broadcast %mul3A_161 : f32 to vector<1024x1024xf32>
    %mul3A_163 = arith.mulf %dot_general3A_160, %mul3A_162 : vector<1024x1024xf32>
    %reduce_max3A_164 = arith.constant dense<0xFF800000> : vector<1024xf32>
    %reduce_max3A_165 = vector.multi_reduction <maximumf>, %mul3A_163, %reduce_max3A_164 [1] : vector<1024x1024xf32> to vector<1024xf32>
    %broadcast_in_dim3A_166 = vector.shape_cast %reduce_max3A_165 : vector<1024xf32> to vector<1024x1xf32>
    %sub3A_167 = vector.broadcast %broadcast_in_dim3A_166 : vector<1024x1xf32> to vector<1024x1024xf32>
    %sub3A_168 = arith.subf %mul3A_163, %sub3A_167 : vector<1024x1024xf32>
    %exp3A_169 = math.exp %sub3A_168 : vector<1024x1024xf32>
    %reduce_sum3A_170 = arith.constant dense<0.000000e+00> : vector<1024xf32>
    %reduce_sum3A_171 = vector.multi_reduction <add>, %exp3A_169, %reduce_sum3A_170 [1] : vector<1024x1024xf32> to vector<1024xf32>
    %broadcast_in_dim3A_172 = vector.shape_cast %reduce_sum3A_171 : vector<1024xf32> to vector<1024x1xf32>
    %div3A_173 = vector.broadcast %broadcast_in_dim3A_172 : vector<1024x1xf32> to vector<1024x1024xf32>
    %div3A_174 = arith.divf %exp3A_169, %div3A_173 : vector<1024x1024xf32>
    %slice3A_175 = vector.extract_strided_slice %add3A_79 {offsets = [0, 128], sizes = [1024, 32], strides = [1, 1]} : vector<1024x256xf32> to vector<1024x32xf32>
    %dot_general3A_176 = arith.constant dense<0.000000e+00> : vector<1024x32xf32>
    %dot_general3A_177 = tpu.matmul %div3A_174, %slice3A_175, %dot_general3A_176 {dimension_numbers = #tpu.dot_dimension_numbers<[1], [0], [0], [1], [0, 0, 1, 1], [], []>, transpose_lhs_hint = false} : vector<1024x1024xf32>, vector<1024x32xf32>, vector<1024x32xf32> -> vector<1024x32xf32>
    %slice3A_178 = vector.extract_strided_slice %add3A_71 {offsets = [0, 160], sizes = [1024, 32], strides = [1, 1]} : vector<1024x256xf32> to vector<1024x32xf32>
    %slice3A_179 = vector.extract_strided_slice %add3A_75 {offsets = [0, 160], sizes = [1024, 32], strides = [1, 1]} : vector<1024x256xf32> to vector<1024x32xf32>
    %dot_general3A_180 = arith.constant dense<0.000000e+00> : vector<1024x1024xf32>
    %dot_general3A_181 = tpu.matmul %slice3A_178, %slice3A_179, %dot_general3A_180 {dimension_numbers = #tpu.dot_dimension_numbers<[1], [1], [0], [0], [0, 0, 1, 0], [], []>, transpose_lhs_hint = false} : vector<1024x32xf32>, vector<1024x32xf32>, vector<1024x1024xf32> -> vector<1024x1024xf32>
    %mul3A_182 = arith.constant 0.176776692 : f32
    %mul3A_183 = vector.broadcast %mul3A_182 : f32 to vector<1024x1024xf32>
    %mul3A_184 = arith.mulf %dot_general3A_181, %mul3A_183 : vector<1024x1024xf32>
    %reduce_max3A_185 = arith.constant dense<0xFF800000> : vector<1024xf32>
    %reduce_max3A_186 = vector.multi_reduction <maximumf>, %mul3A_184, %reduce_max3A_185 [1] : vector<1024x1024xf32> to vector<1024xf32>
    %broadcast_in_dim3A_187 = vector.shape_cast %reduce_max3A_186 : vector<1024xf32> to vector<1024x1xf32>
    %sub3A_188 = vector.broadcast %broadcast_in_dim3A_187 : vector<1024x1xf32> to vector<1024x1024xf32>
    %sub3A_189 = arith.subf %mul3A_184, %sub3A_188 : vector<1024x1024xf32>
    %exp3A_190 = math.exp %sub3A_189 : vector<1024x1024xf32>
    %reduce_sum3A_191 = arith.constant dense<0.000000e+00> : vector<1024xf32>
    %reduce_sum3A_192 = vector.multi_reduction <add>, %exp3A_190, %reduce_sum3A_191 [1] : vector<1024x1024xf32> to vector<1024xf32>
    %broadcast_in_dim3A_193 = vector.shape_cast %reduce_sum3A_192 : vector<1024xf32> to vector<1024x1xf32>
    %div3A_194 = vector.broadcast %broadcast_in_dim3A_193 : vector<1024x1xf32> to vector<1024x1024xf32>
    %div3A_195 = arith.divf %exp3A_190, %div3A_194 : vector<1024x1024xf32>
    %slice3A_196 = vector.extract_strided_slice %add3A_79 {offsets = [0, 160], sizes = [1024, 32], strides = [1, 1]} : vector<1024x256xf32> to vector<1024x32xf32>
    %dot_general3A_197 = arith.constant dense<0.000000e+00> : vector<1024x32xf32>
    %dot_general3A_198 = tpu.matmul %div3A_195, %slice3A_196, %dot_general3A_197 {dimension_numbers = #tpu.dot_dimension_numbers<[1], [0], [0], [1], [0, 0, 1, 1], [], []>, transpose_lhs_hint = false} : vector<1024x1024xf32>, vector<1024x32xf32>, vector<1024x32xf32> -> vector<1024x32xf32>
    %slice3A_199 = vector.extract_strided_slice %add3A_71 {offsets = [0, 192], sizes = [1024, 32], strides = [1, 1]} : vector<1024x256xf32> to vector<1024x32xf32>
    %slice3A_200 = vector.extract_strided_slice %add3A_75 {offsets = [0, 192], sizes = [1024, 32], strides = [1, 1]} : vector<1024x256xf32> to vector<1024x32xf32>
    %dot_general3A_201 = arith.constant dense<0.000000e+00> : vector<1024x1024xf32>
    %dot_general3A_202 = tpu.matmul %slice3A_199, %slice3A_200, %dot_general3A_201 {dimension_numbers = #tpu.dot_dimension_numbers<[1], [1], [0], [0], [0, 0, 1, 0], [], []>, transpose_lhs_hint = false} : vector<1024x32xf32>, vector<1024x32xf32>, vector<1024x1024xf32> -> vector<1024x1024xf32>
    %mul3A_203 = arith.constant 0.176776692 : f32
    %mul3A_204 = vector.broadcast %mul3A_203 : f32 to vector<1024x1024xf32>
    %mul3A_205 = arith.mulf %dot_general3A_202, %mul3A_204 : vector<1024x1024xf32>
    %reduce_max3A_206 = arith.constant dense<0xFF800000> : vector<1024xf32>
    %reduce_max3A_207 = vector.multi_reduction <maximumf>, %mul3A_205, %reduce_max3A_206 [1] : vector<1024x1024xf32> to vector<1024xf32>
    %broadcast_in_dim3A_208 = vector.shape_cast %reduce_max3A_207 : vector<1024xf32> to vector<1024x1xf32>
    %sub3A_209 = vector.broadcast %broadcast_in_dim3A_208 : vector<1024x1xf32> to vector<1024x1024xf32>
    %sub3A_210 = arith.subf %mul3A_205, %sub3A_209 : vector<1024x1024xf32>
    %exp3A_211 = math.exp %sub3A_210 : vector<1024x1024xf32>
    %reduce_sum3A_212 = arith.constant dense<0.000000e+00> : vector<1024xf32>
    %reduce_sum3A_213 = vector.multi_reduction <add>, %exp3A_211, %reduce_sum3A_212 [1] : vector<1024x1024xf32> to vector<1024xf32>
    %broadcast_in_dim3A_214 = vector.shape_cast %reduce_sum3A_213 : vector<1024xf32> to vector<1024x1xf32>
    %div3A_215 = vector.broadcast %broadcast_in_dim3A_214 : vector<1024x1xf32> to vector<1024x1024xf32>
    %div3A_216 = arith.divf %exp3A_211, %div3A_215 : vector<1024x1024xf32>
    %slice3A_217 = vector.extract_strided_slice %add3A_79 {offsets = [0, 192], sizes = [1024, 32], strides = [1, 1]} : vector<1024x256xf32> to vector<1024x32xf32>
    %dot_general3A_218 = arith.constant dense<0.000000e+00> : vector<1024x32xf32>
    %dot_general3A_219 = tpu.matmul %div3A_216, %slice3A_217, %dot_general3A_218 {dimension_numbers = #tpu.dot_dimension_numbers<[1], [0], [0], [1], [0, 0, 1, 1], [], []>, transpose_lhs_hint = false} : vector<1024x1024xf32>, vector<1024x32xf32>, vector<1024x32xf32> -> vector<1024x32xf32>
    %slice3A_220 = vector.extract_strided_slice %add3A_71 {offsets = [0, 224], sizes = [1024, 32], strides = [1, 1]} : vector<1024x256xf32> to vector<1024x32xf32>
    %slice3A_221 = vector.extract_strided_slice %add3A_75 {offsets = [0, 224], sizes = [1024, 32], strides = [1, 1]} : vector<1024x256xf32> to vector<1024x32xf32>
    %dot_general3A_222 = arith.constant dense<0.000000e+00> : vector<1024x1024xf32>
    %dot_general3A_223 = tpu.matmul %slice3A_220, %slice3A_221, %dot_general3A_222 {dimension_numbers = #tpu.dot_dimension_numbers<[1], [1], [0], [0], [0, 0, 1, 0], [], []>, transpose_lhs_hint = false} : vector<1024x32xf32>, vector<1024x32xf32>, vector<1024x1024xf32> -> vector<1024x1024xf32>
    %mul3A_224 = arith.constant 0.176776692 : f32
    %mul3A_225 = vector.broadcast %mul3A_224 : f32 to vector<1024x1024xf32>
    %mul3A_226 = arith.mulf %dot_general3A_223, %mul3A_225 : vector<1024x1024xf32>
    %reduce_max3A_227 = arith.constant dense<0xFF800000> : vector<1024xf32>
    %reduce_max3A_228 = vector.multi_reduction <maximumf>, %mul3A_226, %reduce_max3A_227 [1] : vector<1024x1024xf32> to vector<1024xf32>
    %broadcast_in_dim3A_229 = vector.shape_cast %reduce_max3A_228 : vector<1024xf32> to vector<1024x1xf32>
    %sub3A_230 = vector.broadcast %broadcast_in_dim3A_229 : vector<1024x1xf32> to vector<1024x1024xf32>
    %sub3A_231 = arith.subf %mul3A_226, %sub3A_230 : vector<1024x1024xf32>
    %exp3A_232 = math.exp %sub3A_231 : vector<1024x1024xf32>
    %reduce_sum3A_233 = arith.constant dense<0.000000e+00> : vector<1024xf32>
    %reduce_sum3A_234 = vector.multi_reduction <add>, %exp3A_232, %reduce_sum3A_233 [1] : vector<1024x1024xf32> to vector<1024xf32>
    %broadcast_in_dim3A_235 = vector.shape_cast %reduce_sum3A_234 : vector<1024xf32> to vector<1024x1xf32>
    %div3A_236 = vector.broadcast %broadcast_in_dim3A_235 : vector<1024x1xf32> to vector<1024x1024xf32>
    %div3A_237 = arith.divf %exp3A_232, %div3A_236 : vector<1024x1024xf32>
    %slice3A_238 = vector.extract_strided_slice %add3A_79 {offsets = [0, 224], sizes = [1024, 32], strides = [1, 1]} : vector<1024x256xf32> to vector<1024x32xf32>
    %dot_general3A_239 = arith.constant dense<0.000000e+00> : vector<1024x32xf32>
    %dot_general3A_240 = tpu.matmul %div3A_237, %slice3A_238, %dot_general3A_239 {dimension_numbers = #tpu.dot_dimension_numbers<[1], [0], [0], [1], [0, 0, 1, 1], [], []>, transpose_lhs_hint = false} : vector<1024x1024xf32>, vector<1024x32xf32>, vector<1024x32xf32> -> vector<1024x32xf32>
    %concatenate3A = tpu.concatenate %dot_general3A_93, %dot_general3A_114, %dot_general3A_135, %dot_general3A_156, %dot_general3A_177, %dot_general3A_198, %dot_general3A_219, %dot_general3A_240 in 1 : vector<1024x32xf32>, vector<1024x32xf32>, vector<1024x32xf32>, vector<1024x32xf32>, vector<1024x32xf32>, vector<1024x32xf32>, vector<1024x32xf32>, vector<1024x32xf32> -> vector<1024x256xf32>
    %dot_general3A_241 = arith.constant dense<0.000000e+00> : vector<1024x256xf32>
    %dot_general3A_242 = tpu.matmul %concatenate3A, %get3A_25, %dot_general3A_241 {dimension_numbers = #tpu.dot_dimension_numbers<[1], [0], [0], [1], [0, 0, 1, 1], [], []>, transpose_lhs_hint = false} : vector<1024x256xf32>, vector<256x256xf32>, vector<1024x256xf32> -> vector<1024x256xf32>
    %add3A_243 = vector.broadcast %get3A_28 : vector<1x256xf32> to vector<1024x256xf32>
    %add3A_244 = arith.addf %dot_general3A_242, %add3A_243 : vector<1024x256xf32>
    %add3A_245 = arith.addf %add3A_244, %dot_general3A_64 : vector<1024x256xf32>
    %reduce_sum3A_246 = arith.constant dense<0.000000e+00> : vector<1024xf32>
    %reduce_sum3A_247 = vector.multi_reduction <add>, %add3A_245, %reduce_sum3A_246 [1] : vector<1024x256xf32> to vector<1024xf32>
    %broadcast_in_dim3A_248 = vector.shape_cast %reduce_sum3A_247 : vector<1024xf32> to vector<1024x1xf32>
    %div3A_249 = arith.constant 2.560000e+02 : f32
    %div3A_250 = vector.broadcast %div3A_249 : f32 to vector<1024x1xf32>
    %div3A_251 = arith.divf %broadcast_in_dim3A_248, %div3A_250 : vector<1024x1xf32>
    %sub3A_252 = vector.broadcast %div3A_251 : vector<1024x1xf32> to vector<1024x256xf32>
    %sub3A_253 = arith.subf %add3A_245, %sub3A_252 : vector<1024x256xf32>
    %integer_pow3A = arith.mulf %sub3A_253, %sub3A_253 : vector<1024x256xf32>
    %reduce_sum3A_254 = arith.constant dense<0.000000e+00> : vector<1024xf32>
    %reduce_sum3A_255 = vector.multi_reduction <add>, %integer_pow3A, %reduce_sum3A_254 [1] : vector<1024x256xf32> to vector<1024xf32>
    %broadcast_in_dim3A_256 = vector.shape_cast %reduce_sum3A_255 : vector<1024xf32> to vector<1024x1xf32>
    %div3A_257 = arith.constant 2.560000e+02 : f32
    %div3A_258 = vector.broadcast %div3A_257 : f32 to vector<1024x1xf32>
    %div3A_259 = arith.divf %broadcast_in_dim3A_256, %div3A_258 : vector<1024x1xf32>
    %sub3A_260 = vector.broadcast %div3A_251 : vector<1024x1xf32> to vector<1024x256xf32>
    %sub3A_261 = arith.subf %add3A_245, %sub3A_260 : vector<1024x256xf32>
    %add3A_262 = arith.constant 9.99999974E-6 : f32
    %add3A_263 = vector.broadcast %add3A_262 : f32 to vector<1024x1xf32>
    %add3A_264 = arith.addf %div3A_259, %add3A_263 : vector<1024x1xf32>
    %rsqrt3A = math.rsqrt %add3A_264 : vector<1024x1xf32>
    %mul3A_265 = vector.broadcast %rsqrt3A : vector<1024x1xf32> to vector<1024x256xf32>
    %mul3A_266 = arith.mulf %sub3A_261, %mul3A_265 : vector<1024x256xf32>
    %mul3A_267 = vector.broadcast %get3A_31 : vector<1x256xf32> to vector<1024x256xf32>
    %mul3A_268 = arith.mulf %mul3A_266, %mul3A_267 : vector<1024x256xf32>
    %add3A_269 = vector.broadcast %get3A_34 : vector<1x256xf32> to vector<1024x256xf32>
    %add3A_270 = arith.addf %mul3A_268, %add3A_269 : vector<1024x256xf32>
    %dot_general3A_271 = arith.constant dense<0.000000e+00> : vector<1024x1024xf32>
    %dot_general3A_272 = tpu.matmul %add3A_270, %get3A_37, %dot_general3A_271 {dimension_numbers = #tpu.dot_dimension_numbers<[1], [0], [0], [1], [0, 0, 1, 1], [], []>, transpose_lhs_hint = false} : vector<1024x256xf32>, vector<256x1024xf32>, vector<1024x1024xf32> -> vector<1024x1024xf32>
    %add3A_273 = vector.broadcast %get3A_40 : vector<1x1024xf32> to vector<1024x1024xf32>
    %add3A_274 = arith.addf %dot_general3A_272, %add3A_273 : vector<1024x1024xf32>
    %mul3A_275 = arith.constant 5.000000e-01 : f32
    %mul3A_276 = vector.broadcast %mul3A_275 : f32 to vector<1024x1024xf32>
    %mul3A_277 = arith.mulf %mul3A_276, %add3A_274 : vector<1024x1024xf32>
    %mul3A_278 = arith.constant 0.707106769 : f32
    %mul3A_279 = vector.broadcast %mul3A_278 : f32 to vector<1024x1024xf32>
    %mul3A_280 = arith.mulf %add3A_274, %mul3A_279 : vector<1024x1024xf32>
    %erf3A = math.erf %mul3A_280 : vector<1024x1024xf32>
    %add3A_281 = arith.constant 1.000000e+00 : f32
    %add3A_282 = vector.broadcast %add3A_281 : f32 to vector<1024x1024xf32>
    %add3A_283 = arith.addf %add3A_282, %erf3A : vector<1024x1024xf32>
    %mul3A_284 = arith.mulf %mul3A_277, %add3A_283 : vector<1024x1024xf32>
    %dot_general3A_285 = arith.constant dense<0.000000e+00> : vector<1024x256xf32>
    %dot_general3A_286 = tpu.matmul %mul3A_284, %get3A_43, %dot_general3A_285 {dimension_numbers = #tpu.dot_dimension_numbers<[1], [0], [0], [1], [0, 0, 1, 1], [], []>, transpose_lhs_hint = false} : vector<1024x1024xf32>, vector<1024x256xf32>, vector<1024x256xf32> -> vector<1024x256xf32>
    %add3A_287 = vector.broadcast %get3A_46 : vector<1x256xf32> to vector<1024x256xf32>
    %add3A_288 = arith.addf %dot_general3A_286, %add3A_287 : vector<1024x256xf32>
    %add3A_289 = arith.addf %add3A_288, %add3A_270 : vector<1024x256xf32>
    %reduce_sum3A_290 = arith.constant dense<0.000000e+00> : vector<1024xf32>
    %reduce_sum3A_291 = vector.multi_reduction <add>, %add3A_289, %reduce_sum3A_290 [1] : vector<1024x256xf32> to vector<1024xf32>
    %broadcast_in_dim3A_292 = vector.shape_cast %reduce_sum3A_291 : vector<1024xf32> to vector<1024x1xf32>
    %div3A_293 = arith.constant 2.560000e+02 : f32
    %div3A_294 = vector.broadcast %div3A_293 : f32 to vector<1024x1xf32>
    %div3A_295 = arith.divf %broadcast_in_dim3A_292, %div3A_294 : vector<1024x1xf32>
    %sub3A_296 = vector.broadcast %div3A_295 : vector<1024x1xf32> to vector<1024x256xf32>
    %sub3A_297 = arith.subf %add3A_289, %sub3A_296 : vector<1024x256xf32>
    %integer_pow3A_298 = arith.mulf %sub3A_297, %sub3A_297 : vector<1024x256xf32>
    %reduce_sum3A_299 = arith.constant dense<0.000000e+00> : vector<1024xf32>
    %reduce_sum3A_300 = vector.multi_reduction <add>, %integer_pow3A_298, %reduce_sum3A_299 [1] : vector<1024x256xf32> to vector<1024xf32>
    %broadcast_in_dim3A_301 = vector.shape_cast %reduce_sum3A_300 : vector<1024xf32> to vector<1024x1xf32>
    %div3A_302 = arith.constant 2.560000e+02 : f32
    %div3A_303 = vector.broadcast %div3A_302 : f32 to vector<1024x1xf32>
    %div3A_304 = arith.divf %broadcast_in_dim3A_301, %div3A_303 : vector<1024x1xf32>
    %sub3A_305 = vector.broadcast %div3A_295 : vector<1024x1xf32> to vector<1024x256xf32>
    %sub3A_306 = arith.subf %add3A_289, %sub3A_305 : vector<1024x256xf32>
    %add3A_307 = arith.constant 9.99999974E-6 : f32
    %add3A_308 = vector.broadcast %add3A_307 : f32 to vector<1024x1xf32>
    %add3A_309 = arith.addf %div3A_304, %add3A_308 : vector<1024x1xf32>
    %rsqrt3A_310 = math.rsqrt %add3A_309 : vector<1024x1xf32>
    %mul3A_311 = vector.broadcast %rsqrt3A_310 : vector<1024x1xf32> to vector<1024x256xf32>
    %mul3A_312 = arith.mulf %sub3A_306, %mul3A_311 : vector<1024x256xf32>
    %mul3A_313 = vector.broadcast %get3A_49 : vector<1x256xf32> to vector<1024x256xf32>
    %mul3A_314 = arith.mulf %mul3A_312, %mul3A_313 : vector<1024x256xf32>
    %add3A_315 = vector.broadcast %get3A_52 : vector<1x256xf32> to vector<1024x256xf32>
    %add3A_316 = arith.addf %mul3A_314, %add3A_315 : vector<1024x256xf32>
    %swap3A = arith.constant 0 : index
    %swap3A_317 = arith.constant 0 : index
    %swap3A_318 = arith.constant 0 : index
    %swap3A_319 = vector.load %arg21[%swap3A, %swap3A_317, %swap3A_318] : memref<1x1152x256xf32, #tpu.memory_space<vmem>>, vector<1x1024x256xf32>
    %swap3A_320 = vector.shape_cast %swap3A_319 : vector<1x1024x256xf32> to vector<1024x256xf32>
    %swap3A_321 = vector.shape_cast %add3A_316 : vector<1024x256xf32> to vector<1x1024x256xf32>
    tpu.vector_store %arg21[%swap3A, %swap3A_317, %swap3A_318], %swap3A_321 {strides = array<i32>} : memref<1x1152x256xf32, #tpu.memory_space<vmem>>, vector<1x1024x256xf32>,
    %broadcast_in_dim3A_322 = arith.constant 0.000000e+00 : f32
    %broadcast_in_dim3A_323 = vector.broadcast %broadcast_in_dim3A_322 : f32 to vector<128x256xf32>
    %swap3A_324 = arith.constant 0 : index
    %swap3A_325 = arith.constant 1024 : index
    %swap3A_326 = arith.constant 0 : index
    %swap3A_327 = vector.load %arg21[%swap3A_324, %swap3A_325, %swap3A_326] : memref<1x1152x256xf32, #tpu.memory_space<vmem>>, vector<1x128x256xf32>
    %swap3A_328 = vector.shape_cast %swap3A_327 : vector<1x128x256xf32> to vector<128x256xf32>
    %swap3A_329 = vector.shape_cast %broadcast_in_dim3A_323 : vector<128x256xf32> to vector<1x128x256xf32>
    tpu.vector_store %arg21[%swap3A_324, %swap3A_325, %swap3A_326], %swap3A_329 {strides = array<i32>} : memref<1x1152x256xf32, #tpu.memory_space<vmem>>, vector<1x128x256xf32>,
    return
  }
  func.func @transform_0(%arg0: i32) -> (i32, i32, i32) {
    %c0_i32 = arith.constant 0 : i32
    %c0_i32_0 = arith.constant 0 : i32
    %c0_i32_1 = arith.constant 0 : i32
    return %arg0, %c0_i32, %c0_i32_0 : i32, i32, i32
  }
  func.func @transform_1(%arg0: i32) -> (i32, i32) {
    %c0_i32 = arith.constant 0 : i32
    %c0_i32_0 = arith.constant 0 : i32
    %c0_i32_1 = arith.constant 0 : i32
    return %c0_i32, %c0_i32_0 : i32, i32
  }
  func.func @transform_2(%arg0: i32) -> (i32, i32) {
    %c0_i32 = arith.constant 0 : i32
    %c0_i32_0 = arith.constant 0 : i32
    %c0_i32_1 = arith.constant 0 : i32
    return %c0_i32, %c0_i32_0 : i32, i32
  }
  func.func @transform_3(%arg0: i32) -> (i32, i32) {
    %c0_i32 = arith.constant 0 : i32
    %c0_i32_0 = arith.constant 0 : i32
    %c0_i32_1 = arith.constant 0 : i32
    return %c0_i32, %c0_i32_0 : i32, i32
  }
  func.func @transform_4(%arg0: i32) -> (i32, i32) {
    %c0_i32 = arith.constant 0 : i32
    %c0_i32_0 = arith.constant 0 : i32
    %c0_i32_1 = arith.constant 0 : i32
    return %c0_i32, %c0_i32_0 : i32, i32
  }
  func.func @transform_5(%arg0: i32) -> (i32, i32) {
    %c0_i32 = arith.constant 0 : i32
    %c0_i32_0 = arith.constant 0 : i32
    %c0_i32_1 = arith.constant 0 : i32
    return %c0_i32, %c0_i32_0 : i32, i32
  }
  func.func @transform_6(%arg0: i32) -> (i32, i32) {
    %c0_i32 = arith.constant 0 : i32
    %c0_i32_0 = arith.constant 0 : i32
    %c0_i32_1 = arith.constant 0 : i32
    return %c0_i32, %c0_i32_0 : i32, i32
  }
  func.func @transform_7(%arg0: i32) -> (i32, i32) {
    %c0_i32 = arith.constant 0 : i32
    %c0_i32_0 = arith.constant 0 : i32
    %c0_i32_1 = arith.constant 0 : i32
    return %c0_i32, %c0_i32_0 : i32, i32
  }
  func.func @transform_8(%arg0: i32) -> (i32, i32) {
    %c0_i32 = arith.constant 0 : i32
    %c0_i32_0 = arith.constant 0 : i32
    %c0_i32_1 = arith.constant 0 : i32
    return %c0_i32, %c0_i32_0 : i32, i32
  }
  func.func @transform_9(%arg0: i32) -> (i32, i32) {
    %c0_i32 = arith.constant 0 : i32
    %c0_i32_0 = arith.constant 0 : i32
    %c0_i32_1 = arith.constant 0 : i32
    return %c0_i32, %c0_i32_0 : i32, i32
  }
  func.func @transform_10(%arg0: i32) -> (i32, i32) {
    %c0_i32 = arith.constant 0 : i32
    %c0_i32_0 = arith.constant 0 : i32
    %c0_i32_1 = arith.constant 0 : i32
    return %c0_i32, %c0_i32_0 : i32, i32
  }
  func.func @transform_11(%arg0: i32) -> (i32, i32) {
    %c0_i32 = arith.constant 0 : i32
    %c0_i32_0 = arith.constant 0 : i32
    %c0_i32_1 = arith.constant 0 : i32
    return %c0_i32, %c0_i32_0 : i32, i32
  }
  func.func @transform_12(%arg0: i32) -> (i32, i32) {
    %c0_i32 = arith.constant 0 : i32
    %c0_i32_0 = arith.constant 0 : i32
    %c0_i32_1 = arith.constant 0 : i32
    return %c0_i32, %c0_i32_0 : i32, i32
  }
  func.func @transform_13(%arg0: i32) -> (i32, i32) {
    %c0_i32 = arith.constant 0 : i32
    %c0_i32_0 = arith.constant 0 : i32
    %c0_i32_1 = arith.constant 0 : i32
    return %c0_i32, %c0_i32_0 : i32, i32
  }
  func.func @transform_14(%arg0: i32) -> (i32, i32) {
    %c0_i32 = arith.constant 0 : i32
    %c0_i32_0 = arith.constant 0 : i32
    %c0_i32_1 = arith.constant 0 : i32
    return %c0_i32, %c0_i32_0 : i32, i32
  }
  func.func @transform_15(%arg0: i32) -> (i32, i32) {
    %c0_i32 = arith.constant 0 : i32
    %c0_i32_0 = arith.constant 0 : i32
    %c0_i32_1 = arith.constant 0 : i32
    return %c0_i32, %c0_i32_0 : i32, i32
  }
  func.func @transform_16(%arg0: i32) -> (i32, i32) {
    %c0_i32 = arith.constant 0 : i32
    %c0_i32_0 = arith.constant 0 : i32
    %c0_i32_1 = arith.constant 0 : i32
    return %c0_i32, %c0_i32_0 : i32, i32
  }
  func.func @transform_17(%arg0: i32) -> (i32, i32) {
    %c0_i32 = arith.constant 0 : i32
    %c0_i32_0 = arith.constant 0 : i32
    %c0_i32_1 = arith.constant 0 : i32
    return %c0_i32, %c0_i32_0 : i32, i32
  }
  func.func @transform_18(%arg0: i32) -> (i32, i32) {
    %c0_i32 = arith.constant 0 : i32
    %c0_i32_0 = arith.constant 0 : i32
    %c0_i32_1 = arith.constant 0 : i32
    return %c0_i32, %c0_i32_0 : i32, i32
  }
  func.func @transform_19(%arg0: i32) -> (i32, i32) {
    %c0_i32 = arith.constant 0 : i32
    %c0_i32_0 = arith.constant 0 : i32
    %c0_i32_1 = arith.constant 0 : i32
    return %c0_i32, %c0_i32_0 : i32, i32
  }
  func.func @transform_20(%arg0: i32) -> (i32, i32, i32) {
    %c0_i32 = arith.constant 0 : i32
    %c0_i32_0 = arith.constant 0 : i32
    %c0_i32_1 = arith.constant 0 : i32
    return %arg0, %c0_i32, %c0_i32_0 : i32, i32, i32
  }
}

module attributes {stable_mosaic.version = 14 : i64} {
  func.func @_tc3_body(%arg0: i32, %arg1: memref<1x1152x256xf32, #tpu.memory_space<vmem>>, %arg2: memref<1x1024x256xf32, #tpu.memory_space<vmem>>, %arg3: memref<1x1024x8xf32, #tpu.memory_space<vmem>>, %arg4: memref<1x1024x8xi32, #tpu.memory_space<vmem>>, %arg5: memref<1x1x1024xi32, #tpu.memory_space<vmem>>, %arg6: memref<16x32xf32, #tpu.memory_space<vmem>>, %arg7: memref<256x256xf32, #tpu.memory_space<vmem>>, %arg8: memref<32x256xf32, #tpu.memory_space<vmem>>, %arg9: memref<1x256xf32, #tpu.memory_space<vmem>>, %arg10: memref<1x256xf32, #tpu.memory_space<vmem>>, %arg11: memref<1x256xf32, #tpu.memory_space<vmem>>, %arg12: memref<256x256xf32, #tpu.memory_space<vmem>>, %arg13: memref<256x256xf32, #tpu.memory_space<vmem>>, %arg14: memref<1x256xf32, #tpu.memory_space<vmem>>, %arg15: memref<1x256xf32, #tpu.memory_space<vmem>>, %arg16: memref<1x256xf32, #tpu.memory_space<vmem>>, %arg17: memref<256x256xf32, #tpu.memory_space<vmem>>, %arg18: memref<1x256xf32, #tpu.memory_space<vmem>>, %arg19: memref<1x256xf32, #tpu.memory_space<vmem>>, %arg20: memref<1x256xf32, #tpu.memory_space<vmem>>, %arg21: memref<1x1024x256xf32, #tpu.memory_space<vmem>>, %arg22: memref<1x1x256xf32, #tpu.memory_space<vmem>>) attributes {dimension_semantics = [#tpu.dimension_semantics<arbitrary>], iteration_bounds = array<i64: 2>, scalar_prefetch = 0 : i64, scratch_operands = 0 : i64, tpu.core_type = #tpu.core_type<tc>, window_params = [{transform_indices = @transform_0, window_bounds = array<i64: 1, 1152, 256>}, {transform_indices = @transform_1, window_bounds = array<i64: 1, 1024, 256>}, {transform_indices = @transform_2, window_bounds = array<i64: 1, 1024, 8>}, {transform_indices = @transform_3, window_bounds = array<i64: 1, 1024, 8>}, {transform_indices = @transform_4, window_bounds = array<i64: 1, 1, 1024>}, {pipeline_mode = #tpu.pipeline_mode<synchronous>, transform_indices = @transform_5, window_bounds = array<i64: 16, 32>}, {pipeline_mode = #tpu.pipeline_mode<synchronous>, transform_indices = @transform_6, window_bounds = array<i64: 256, 256>}, {pipeline_mode = #tpu.pipeline_mode<synchronous>, transform_indices = @transform_7, window_bounds = array<i64: 32, 256>}, {pipeline_mode = #tpu.pipeline_mode<synchronous>, transform_indices = @transform_8, window_bounds = array<i64: 1, 256>}, {pipeline_mode = #tpu.pipeline_mode<synchronous>, transform_indices = @transform_9, window_bounds = array<i64: 1, 256>}, {pipeline_mode = #tpu.pipeline_mode<synchronous>, transform_indices = @transform_10, window_bounds = array<i64: 1, 256>}, {pipeline_mode = #tpu.pipeline_mode<synchronous>, transform_indices = @transform_11, window_bounds = array<i64: 256, 256>}, {pipeline_mode = #tpu.pipeline_mode<synchronous>, transform_indices = @transform_12, window_bounds = array<i64: 256, 256>}, {pipeline_mode = #tpu.pipeline_mode<synchronous>, transform_indices = @transform_13, window_bounds = array<i64: 1, 256>}, {pipeline_mode = #tpu.pipeline_mode<synchronous>, transform_indices = @transform_14, window_bounds = array<i64: 1, 256>}, {pipeline_mode = #tpu.pipeline_mode<synchronous>, transform_indices = @transform_15, window_bounds = array<i64: 1, 256>}, {pipeline_mode = #tpu.pipeline_mode<synchronous>, transform_indices = @transform_16, window_bounds = array<i64: 256, 256>}, {pipeline_mode = #tpu.pipeline_mode<synchronous>, transform_indices = @transform_17, window_bounds = array<i64: 1, 256>}, {pipeline_mode = #tpu.pipeline_mode<synchronous>, transform_indices = @transform_18, window_bounds = array<i64: 1, 256>}, {pipeline_mode = #tpu.pipeline_mode<synchronous>, transform_indices = @transform_19, window_bounds = array<i64: 1, 256>}, {transform_indices = @transform_20, window_bounds = array<i64: 1, 1024, 256>}, {transform_indices = @transform_21, window_bounds = array<i64: 1, 1, 256>}]} {
    %get3A = arith.constant 0 : index
    %get3A_0 = arith.constant 0 : index
    %get3A_1 = vector.load %arg6[%get3A, %get3A_0] : memref<16x32xf32, #tpu.memory_space<vmem>>, vector<16x32xf32>
    %get3A_2 = arith.constant 0 : index
    %get3A_3 = arith.constant 0 : index
    %get3A_4 = vector.load %arg7[%get3A_2, %get3A_3] : memref<256x256xf32, #tpu.memory_space<vmem>>, vector<256x256xf32>
    %get3A_5 = arith.constant 0 : index
    %get3A_6 = arith.constant 0 : index
    %get3A_7 = vector.load %arg8[%get3A_5, %get3A_6] : memref<32x256xf32, #tpu.memory_space<vmem>>, vector<32x256xf32>
    %get3A_8 = arith.constant 0 : index
    %get3A_9 = arith.constant 0 : index
    %get3A_10 = vector.load %arg9[%get3A_8, %get3A_9] : memref<1x256xf32, #tpu.memory_space<vmem>>, vector<1x256xf32>
    %get3A_11 = arith.constant 0 : index
    %get3A_12 = arith.constant 0 : index
    %get3A_13 = vector.load %arg10[%get3A_11, %get3A_12] : memref<1x256xf32, #tpu.memory_space<vmem>>, vector<1x256xf32>
    %get3A_14 = arith.constant 0 : index
    %get3A_15 = arith.constant 0 : index
    %get3A_16 = vector.load %arg11[%get3A_14, %get3A_15] : memref<1x256xf32, #tpu.memory_space<vmem>>, vector<1x256xf32>
    %get3A_17 = arith.constant 0 : index
    %get3A_18 = arith.constant 0 : index
    %get3A_19 = vector.load %arg12[%get3A_17, %get3A_18] : memref<256x256xf32, #tpu.memory_space<vmem>>, vector<256x256xf32>
    %get3A_20 = arith.constant 0 : index
    %get3A_21 = arith.constant 0 : index
    %get3A_22 = vector.load %arg13[%get3A_20, %get3A_21] : memref<256x256xf32, #tpu.memory_space<vmem>>, vector<256x256xf32>
    %get3A_23 = arith.constant 0 : index
    %get3A_24 = arith.constant 0 : index
    %get3A_25 = vector.load %arg14[%get3A_23, %get3A_24] : memref<1x256xf32, #tpu.memory_space<vmem>>, vector<1x256xf32>
    %get3A_26 = arith.constant 0 : index
    %get3A_27 = arith.constant 0 : index
    %get3A_28 = vector.load %arg15[%get3A_26, %get3A_27] : memref<1x256xf32, #tpu.memory_space<vmem>>, vector<1x256xf32>
    %get3A_29 = arith.constant 0 : index
    %get3A_30 = arith.constant 0 : index
    %get3A_31 = vector.load %arg16[%get3A_29, %get3A_30] : memref<1x256xf32, #tpu.memory_space<vmem>>, vector<1x256xf32>
    %get3A_32 = arith.constant 0 : index
    %get3A_33 = arith.constant 0 : index
    %get3A_34 = arith.constant 0 : index
    %get3A_35 = vector.load %arg1[%get3A_32, %get3A_33, %get3A_34] : memref<1x1152x256xf32, #tpu.memory_space<vmem>>, vector<1x1024x256xf32>
    %get3A_36 = vector.shape_cast %get3A_35 : vector<1x1024x256xf32> to vector<1024x256xf32>
    %get3A_37 = arith.constant 0 : index
    %get3A_38 = arith.constant 0 : index
    %get3A_39 = arith.constant 0 : index
    %get3A_40 = vector.load %arg3[%get3A_37, %get3A_38, %get3A_39] : memref<1x1024x8xf32, #tpu.memory_space<vmem>>, vector<1x1024x8xf32>
    %get3A_41 = vector.shape_cast %get3A_40 : vector<1x1024x8xf32> to vector<1024x8xf32>
    %reduce_sum3A = arith.constant dense<0.000000e+00> : vector<1024xf32>
    %reduce_sum3A_42 = vector.multi_reduction <add>, %get3A_41, %reduce_sum3A [1] : vector<1024x8xf32> to vector<1024xf32>
    %broadcast_in_dim3A = vector.shape_cast %reduce_sum3A_42 : vector<1024xf32> to vector<1024x1xf32>
    %jit3A = arith.constant 1.000000e+00 : f32
    %max3A = vector.broadcast %jit3A : f32 to vector<1024x1xf32>
    %max3A_43 = arith.maximumf %max3A, %broadcast_in_dim3A : vector<1024x1xf32>
    %get3A_44 = arith.constant 0 : index
    %get3A_45 = arith.constant 0 : index
    %get3A_46 = arith.constant 0 : index
    %get3A_47 = vector.load %arg2[%get3A_44, %get3A_45, %get3A_46] : memref<1x1024x256xf32, #tpu.memory_space<vmem>>, vector<1x1024x256xf32>
    %get3A_48 = vector.shape_cast %get3A_47 : vector<1x1024x256xf32> to vector<1024x256xf32>
    %div3A = vector.broadcast %max3A_43 : vector<1024x1xf32> to vector<1024x256xf32>
    %div3A_49 = arith.divf %get3A_48, %div3A : vector<1024x256xf32>
    %get3A_50 = arith.constant 0 : index
    %get3A_51 = arith.constant 0 : index
    %get3A_52 = arith.constant 0 : index
    %get3A_53 = vector.load %arg5[%get3A_50, %get3A_51, %get3A_52] : memref<1x1x1024xi32, #tpu.memory_space<vmem>>, vector<1x1x1024xi32>
    %get3A_54 = vector.shape_cast %get3A_53 : vector<1x1x1024xi32> to vector<1x1024xi32>
    %iota3A = tpu.iota {dimensions = array<i32: 0>} : vector<16x1024xi32>
    %eq3A = vector.broadcast %get3A_54 : vector<1x1024xi32> to vector<16x1024xi32>
    %eq3A_55 = arith.cmpi eq, %eq3A, %iota3A : vector<16x1024xi32>
    %jit3A_56 = arith.constant 1.000000e+00 : f32
    %jit3A_57 = arith.constant 0.000000e+00 : f32
    %broadcast_in_dim3A_58 = vector.broadcast %jit3A_56 : f32 to vector<16x1024xf32>
    %broadcast_in_dim3A_59 = vector.broadcast %jit3A_57 : f32 to vector<16x1024xf32>
    %select_n3A = arith.select %eq3A_55, %broadcast_in_dim3A_58, %broadcast_in_dim3A_59 : vector<16x1024xi1>, vector<16x1024xf32>
    %dot_general3A = arith.constant dense<0.000000e+00> : vector<1024x32xf32>
    %dot_general3A_60 = tpu.matmul %select_n3A, %get3A_1, %dot_general3A {dimension_numbers = #tpu.dot_dimension_numbers<[0], [0], [1], [1], [0, 1, 1, 1], [], []>, transpose_lhs_hint = false} : vector<16x1024xf32>, vector<16x32xf32>, vector<1024x32xf32> -> vector<1024x32xf32>
    %dot_general3A_61 = arith.constant dense<0.000000e+00> : vector<1024x256xf32>
    %dot_general3A_62 = tpu.matmul %div3A_49, %get3A_4, %dot_general3A_61 {dimension_numbers = #tpu.dot_dimension_numbers<[1], [0], [0], [1], [0, 0, 1, 1], [], []>, transpose_lhs_hint = false} : vector<1024x256xf32>, vector<256x256xf32>, vector<1024x256xf32> -> vector<1024x256xf32>
    %dot_general3A_63 = arith.constant dense<0.000000e+00> : vector<1024x256xf32>
    %dot_general3A_64 = tpu.matmul %dot_general3A_60, %get3A_7, %dot_general3A_63 {dimension_numbers = #tpu.dot_dimension_numbers<[1], [0], [0], [1], [0, 0, 1, 1], [], []>, transpose_lhs_hint = false} : vector<1024x32xf32>, vector<32x256xf32>, vector<1024x256xf32> -> vector<1024x256xf32>
    %add3A = arith.addf %dot_general3A_62, %dot_general3A_64 : vector<1024x256xf32>
    %add3A_65 = vector.broadcast %get3A_10 : vector<1x256xf32> to vector<1024x256xf32>
    %add3A_66 = arith.addf %add3A, %add3A_65 : vector<1024x256xf32>
    %mul3A = arith.constant 5.000000e-01 : f32
    %mul3A_67 = vector.broadcast %mul3A : f32 to vector<1024x256xf32>
    %mul3A_68 = arith.mulf %mul3A_67, %add3A_66 : vector<1024x256xf32>
    %mul3A_69 = arith.constant 0.707106769 : f32
    %mul3A_70 = vector.broadcast %mul3A_69 : f32 to vector<1024x256xf32>
    %mul3A_71 = arith.mulf %add3A_66, %mul3A_70 : vector<1024x256xf32>
    %erf3A = math.erf %mul3A_71 : vector<1024x256xf32>
    %add3A_72 = arith.constant 1.000000e+00 : f32
    %add3A_73 = vector.broadcast %add3A_72 : f32 to vector<1024x256xf32>
    %add3A_74 = arith.addf %add3A_73, %erf3A : vector<1024x256xf32>
    %mul3A_75 = arith.mulf %mul3A_68, %add3A_74 : vector<1024x256xf32>
    %reduce_sum3A_76 = arith.constant dense<0.000000e+00> : vector<1024xf32>
    %reduce_sum3A_77 = vector.multi_reduction <add>, %mul3A_75, %reduce_sum3A_76 [1] : vector<1024x256xf32> to vector<1024xf32>
    %broadcast_in_dim3A_78 = vector.shape_cast %reduce_sum3A_77 : vector<1024xf32> to vector<1024x1xf32>
    %div3A_79 = arith.constant 2.560000e+02 : f32
    %div3A_80 = vector.broadcast %div3A_79 : f32 to vector<1024x1xf32>
    %div3A_81 = arith.divf %broadcast_in_dim3A_78, %div3A_80 : vector<1024x1xf32>
    %sub3A = vector.broadcast %div3A_81 : vector<1024x1xf32> to vector<1024x256xf32>
    %sub3A_82 = arith.subf %mul3A_75, %sub3A : vector<1024x256xf32>
    %integer_pow3A = arith.mulf %sub3A_82, %sub3A_82 : vector<1024x256xf32>
    %reduce_sum3A_83 = arith.constant dense<0.000000e+00> : vector<1024xf32>
    %reduce_sum3A_84 = vector.multi_reduction <add>, %integer_pow3A, %reduce_sum3A_83 [1] : vector<1024x256xf32> to vector<1024xf32>
    %broadcast_in_dim3A_85 = vector.shape_cast %reduce_sum3A_84 : vector<1024xf32> to vector<1024x1xf32>
    %div3A_86 = arith.constant 2.560000e+02 : f32
    %div3A_87 = vector.broadcast %div3A_86 : f32 to vector<1024x1xf32>
    %div3A_88 = arith.divf %broadcast_in_dim3A_85, %div3A_87 : vector<1024x1xf32>
    %sub3A_89 = vector.broadcast %div3A_81 : vector<1024x1xf32> to vector<1024x256xf32>
    %sub3A_90 = arith.subf %mul3A_75, %sub3A_89 : vector<1024x256xf32>
    %add3A_91 = arith.constant 9.99999974E-6 : f32
    %add3A_92 = vector.broadcast %add3A_91 : f32 to vector<1024x1xf32>
    %add3A_93 = arith.addf %div3A_88, %add3A_92 : vector<1024x1xf32>
    %rsqrt3A = math.rsqrt %add3A_93 : vector<1024x1xf32>
    %mul3A_94 = vector.broadcast %rsqrt3A : vector<1024x1xf32> to vector<1024x256xf32>
    %mul3A_95 = arith.mulf %sub3A_90, %mul3A_94 : vector<1024x256xf32>
    %mul3A_96 = vector.broadcast %get3A_13 : vector<1x256xf32> to vector<1024x256xf32>
    %mul3A_97 = arith.mulf %mul3A_95, %mul3A_96 : vector<1024x256xf32>
    %add3A_98 = vector.broadcast %get3A_16 : vector<1x256xf32> to vector<1024x256xf32>
    %add3A_99 = arith.addf %mul3A_97, %add3A_98 : vector<1024x256xf32>
    %get3A_100 = arith.constant 0 : index
    %get3A_101 = arith.constant 0 : index
    %get3A_102 = arith.constant 0 : index
    %get3A_103 = vector.load %arg4[%get3A_100, %get3A_101, %get3A_102] : memref<1x1024x8xi32, #tpu.memory_space<vmem>>, vector<1x1024x8xi32>
    %get3A_104 = vector.shape_cast %get3A_103 : vector<1x1024x8xi32> to vector<1024x8xi32>
    %iota3A_105 = tpu.iota {dimensions = array<i32: 1>} : vector<1024x1024xi32>
    %broadcast_in_dim3A_106 = arith.constant 0.000000e+00 : f32
    %broadcast_in_dim3A_107 = vector.broadcast %broadcast_in_dim3A_106 : f32 to vector<1024x1024xf32>
    %slice3A = vector.extract_strided_slice %get3A_104 {offsets = [0, 0], sizes = [1024, 1], strides = [1, 1]} : vector<1024x8xi32> to vector<1024x1xi32>
    %eq3A_108 = vector.broadcast %slice3A : vector<1024x1xi32> to vector<1024x1024xi32>
    %eq3A_109 = arith.cmpi eq, %eq3A_108, %iota3A_105 : vector<1024x1024xi32>
    %slice3A_110 = vector.extract_strided_slice %get3A_41 {offsets = [0, 0], sizes = [1024, 1], strides = [1, 1]} : vector<1024x8xf32> to vector<1024x1xf32>
    %jit3A_111 = arith.constant 0.000000e+00 : f32
    %broadcast_in_dim3A_112 = vector.shape_cast %slice3A_110 : vector<1024x1xf32> to vector<1024x1xf32>
    %broadcast_in_dim3A_113 = vector.broadcast %broadcast_in_dim3A_112 : vector<1024x1xf32> to vector<1024x1024xf32>
    %broadcast_in_dim3A_114 = vector.broadcast %jit3A_111 : f32 to vector<1024x1024xf32>
    %select_n3A_115 = arith.select %eq3A_109, %broadcast_in_dim3A_113, %broadcast_in_dim3A_114 : vector<1024x1024xi1>, vector<1024x1024xf32>
    %add3A_116 = arith.addf %broadcast_in_dim3A_107, %select_n3A_115 : vector<1024x1024xf32>
    %slice3A_117 = vector.extract_strided_slice %get3A_104 {offsets = [0, 1], sizes = [1024, 1], strides = [1, 1]} : vector<1024x8xi32> to vector<1024x1xi32>
    %eq3A_118 = vector.broadcast %slice3A_117 : vector<1024x1xi32> to vector<1024x1024xi32>
    %eq3A_119 = arith.cmpi eq, %eq3A_118, %iota3A_105 : vector<1024x1024xi32>
    %slice3A_120 = vector.extract_strided_slice %get3A_41 {offsets = [0, 1], sizes = [1024, 1], strides = [1, 1]} : vector<1024x8xf32> to vector<1024x1xf32>
    %jit3A_121 = arith.constant 0.000000e+00 : f32
    %broadcast_in_dim3A_122 = vector.shape_cast %slice3A_120 : vector<1024x1xf32> to vector<1024x1xf32>
    %broadcast_in_dim3A_123 = vector.broadcast %broadcast_in_dim3A_122 : vector<1024x1xf32> to vector<1024x1024xf32>
    %broadcast_in_dim3A_124 = vector.broadcast %jit3A_121 : f32 to vector<1024x1024xf32>
    %select_n3A_125 = arith.select %eq3A_119, %broadcast_in_dim3A_123, %broadcast_in_dim3A_124 : vector<1024x1024xi1>, vector<1024x1024xf32>
    %add3A_126 = arith.addf %add3A_116, %select_n3A_125 : vector<1024x1024xf32>
    %slice3A_127 = vector.extract_strided_slice %get3A_104 {offsets = [0, 2], sizes = [1024, 1], strides = [1, 1]} : vector<1024x8xi32> to vector<1024x1xi32>
    %eq3A_128 = vector.broadcast %slice3A_127 : vector<1024x1xi32> to vector<1024x1024xi32>
    %eq3A_129 = arith.cmpi eq, %eq3A_128, %iota3A_105 : vector<1024x1024xi32>
    %slice3A_130 = vector.extract_strided_slice %get3A_41 {offsets = [0, 2], sizes = [1024, 1], strides = [1, 1]} : vector<1024x8xf32> to vector<1024x1xf32>
    %jit3A_131 = arith.constant 0.000000e+00 : f32
    %broadcast_in_dim3A_132 = vector.shape_cast %slice3A_130 : vector<1024x1xf32> to vector<1024x1xf32>
    %broadcast_in_dim3A_133 = vector.broadcast %broadcast_in_dim3A_132 : vector<1024x1xf32> to vector<1024x1024xf32>
    %broadcast_in_dim3A_134 = vector.broadcast %jit3A_131 : f32 to vector<1024x1024xf32>
    %select_n3A_135 = arith.select %eq3A_129, %broadcast_in_dim3A_133, %broadcast_in_dim3A_134 : vector<1024x1024xi1>, vector<1024x1024xf32>
    %add3A_136 = arith.addf %add3A_126, %select_n3A_135 : vector<1024x1024xf32>
    %slice3A_137 = vector.extract_strided_slice %get3A_104 {offsets = [0, 3], sizes = [1024, 1], strides = [1, 1]} : vector<1024x8xi32> to vector<1024x1xi32>
    %eq3A_138 = vector.broadcast %slice3A_137 : vector<1024x1xi32> to vector<1024x1024xi32>
    %eq3A_139 = arith.cmpi eq, %eq3A_138, %iota3A_105 : vector<1024x1024xi32>
    %slice3A_140 = vector.extract_strided_slice %get3A_41 {offsets = [0, 3], sizes = [1024, 1], strides = [1, 1]} : vector<1024x8xf32> to vector<1024x1xf32>
    %jit3A_141 = arith.constant 0.000000e+00 : f32
    %broadcast_in_dim3A_142 = vector.shape_cast %slice3A_140 : vector<1024x1xf32> to vector<1024x1xf32>
    %broadcast_in_dim3A_143 = vector.broadcast %broadcast_in_dim3A_142 : vector<1024x1xf32> to vector<1024x1024xf32>
    %broadcast_in_dim3A_144 = vector.broadcast %jit3A_141 : f32 to vector<1024x1024xf32>
    %select_n3A_145 = arith.select %eq3A_139, %broadcast_in_dim3A_143, %broadcast_in_dim3A_144 : vector<1024x1024xi1>, vector<1024x1024xf32>
    %add3A_146 = arith.addf %add3A_136, %select_n3A_145 : vector<1024x1024xf32>
    %slice3A_147 = vector.extract_strided_slice %get3A_104 {offsets = [0, 4], sizes = [1024, 1], strides = [1, 1]} : vector<1024x8xi32> to vector<1024x1xi32>
    %eq3A_148 = vector.broadcast %slice3A_147 : vector<1024x1xi32> to vector<1024x1024xi32>
    %eq3A_149 = arith.cmpi eq, %eq3A_148, %iota3A_105 : vector<1024x1024xi32>
    %slice3A_150 = vector.extract_strided_slice %get3A_41 {offsets = [0, 4], sizes = [1024, 1], strides = [1, 1]} : vector<1024x8xf32> to vector<1024x1xf32>
    %jit3A_151 = arith.constant 0.000000e+00 : f32
    %broadcast_in_dim3A_152 = vector.shape_cast %slice3A_150 : vector<1024x1xf32> to vector<1024x1xf32>
    %broadcast_in_dim3A_153 = vector.broadcast %broadcast_in_dim3A_152 : vector<1024x1xf32> to vector<1024x1024xf32>
    %broadcast_in_dim3A_154 = vector.broadcast %jit3A_151 : f32 to vector<1024x1024xf32>
    %select_n3A_155 = arith.select %eq3A_149, %broadcast_in_dim3A_153, %broadcast_in_dim3A_154 : vector<1024x1024xi1>, vector<1024x1024xf32>
    %add3A_156 = arith.addf %add3A_146, %select_n3A_155 : vector<1024x1024xf32>
    %slice3A_157 = vector.extract_strided_slice %get3A_104 {offsets = [0, 5], sizes = [1024, 1], strides = [1, 1]} : vector<1024x8xi32> to vector<1024x1xi32>
    %eq3A_158 = vector.broadcast %slice3A_157 : vector<1024x1xi32> to vector<1024x1024xi32>
    %eq3A_159 = arith.cmpi eq, %eq3A_158, %iota3A_105 : vector<1024x1024xi32>
    %slice3A_160 = vector.extract_strided_slice %get3A_41 {offsets = [0, 5], sizes = [1024, 1], strides = [1, 1]} : vector<1024x8xf32> to vector<1024x1xf32>
    %jit3A_161 = arith.constant 0.000000e+00 : f32
    %broadcast_in_dim3A_162 = vector.shape_cast %slice3A_160 : vector<1024x1xf32> to vector<1024x1xf32>
    %broadcast_in_dim3A_163 = vector.broadcast %broadcast_in_dim3A_162 : vector<1024x1xf32> to vector<1024x1024xf32>
    %broadcast_in_dim3A_164 = vector.broadcast %jit3A_161 : f32 to vector<1024x1024xf32>
    %select_n3A_165 = arith.select %eq3A_159, %broadcast_in_dim3A_163, %broadcast_in_dim3A_164 : vector<1024x1024xi1>, vector<1024x1024xf32>
    %add3A_166 = arith.addf %add3A_156, %select_n3A_165 : vector<1024x1024xf32>
    %slice3A_167 = vector.extract_strided_slice %get3A_104 {offsets = [0, 6], sizes = [1024, 1], strides = [1, 1]} : vector<1024x8xi32> to vector<1024x1xi32>
    %eq3A_168 = vector.broadcast %slice3A_167 : vector<1024x1xi32> to vector<1024x1024xi32>
    %eq3A_169 = arith.cmpi eq, %eq3A_168, %iota3A_105 : vector<1024x1024xi32>
    %slice3A_170 = vector.extract_strided_slice %get3A_41 {offsets = [0, 6], sizes = [1024, 1], strides = [1, 1]} : vector<1024x8xf32> to vector<1024x1xf32>
    %jit3A_171 = arith.constant 0.000000e+00 : f32
    %broadcast_in_dim3A_172 = vector.shape_cast %slice3A_170 : vector<1024x1xf32> to vector<1024x1xf32>
    %broadcast_in_dim3A_173 = vector.broadcast %broadcast_in_dim3A_172 : vector<1024x1xf32> to vector<1024x1024xf32>
    %broadcast_in_dim3A_174 = vector.broadcast %jit3A_171 : f32 to vector<1024x1024xf32>
    %select_n3A_175 = arith.select %eq3A_169, %broadcast_in_dim3A_173, %broadcast_in_dim3A_174 : vector<1024x1024xi1>, vector<1024x1024xf32>
    %add3A_176 = arith.addf %add3A_166, %select_n3A_175 : vector<1024x1024xf32>
    %slice3A_177 = vector.extract_strided_slice %get3A_104 {offsets = [0, 7], sizes = [1024, 1], strides = [1, 1]} : vector<1024x8xi32> to vector<1024x1xi32>
    %eq3A_178 = vector.broadcast %slice3A_177 : vector<1024x1xi32> to vector<1024x1024xi32>
    %eq3A_179 = arith.cmpi eq, %eq3A_178, %iota3A_105 : vector<1024x1024xi32>
    %slice3A_180 = vector.extract_strided_slice %get3A_41 {offsets = [0, 7], sizes = [1024, 1], strides = [1, 1]} : vector<1024x8xf32> to vector<1024x1xf32>
    %jit3A_181 = arith.constant 0.000000e+00 : f32
    %broadcast_in_dim3A_182 = vector.shape_cast %slice3A_180 : vector<1024x1xf32> to vector<1024x1xf32>
    %broadcast_in_dim3A_183 = vector.broadcast %broadcast_in_dim3A_182 : vector<1024x1xf32> to vector<1024x1024xf32>
    %broadcast_in_dim3A_184 = vector.broadcast %jit3A_181 : f32 to vector<1024x1024xf32>
    %select_n3A_185 = arith.select %eq3A_179, %broadcast_in_dim3A_183, %broadcast_in_dim3A_184 : vector<1024x1024xi1>, vector<1024x1024xf32>
    %add3A_186 = arith.addf %add3A_176, %select_n3A_185 : vector<1024x1024xf32>
    %broadcast_in_dim3A_187 = arith.constant 1.000000e+00 : f32
    %broadcast_in_dim3A_188 = vector.broadcast %broadcast_in_dim3A_187 : f32 to vector<1024x1xf32>
    %dot_general3A_189 = arith.constant dense<0.000000e+00> : vector<1024x1xf32>
    %dot_general3A_190 = tpu.matmul %add3A_186, %broadcast_in_dim3A_188, %dot_general3A_189 {dimension_numbers = #tpu.dot_dimension_numbers<[0], [0], [1], [1], [0, 1, 1, 1], [], []>, transpose_lhs_hint = false} : vector<1024x1024xf32>, vector<1024x1xf32>, vector<1024x1xf32> -> vector<1024x1xf32>
    %jit3A_191 = arith.constant 1.000000e+00 : f32
    %max3A_192 = vector.broadcast %jit3A_191 : f32 to vector<1024x1xf32>
    %max3A_193 = arith.maximumf %max3A_192, %dot_general3A_190 : vector<1024x1xf32>
    %dot_general3A_194 = arith.constant dense<0.000000e+00> : vector<1024x256xf32>
    %dot_general3A_195 = tpu.matmul %add3A_186, %add3A_99, %dot_general3A_194 {dimension_numbers = #tpu.dot_dimension_numbers<[0], [0], [1], [1], [0, 1, 1, 1], [], []>, transpose_lhs_hint = false} : vector<1024x1024xf32>, vector<1024x256xf32>, vector<1024x256xf32> -> vector<1024x256xf32>
    %div3A_196 = vector.broadcast %max3A_193 : vector<1024x1xf32> to vector<1024x256xf32>
    %div3A_197 = arith.divf %dot_general3A_195, %div3A_196 : vector<1024x256xf32>
    %dot_general3A_198 = arith.constant dense<0.000000e+00> : vector<1024x256xf32>
    %dot_general3A_199 = tpu.matmul %get3A_36, %get3A_19, %dot_general3A_198 {dimension_numbers = #tpu.dot_dimension_numbers<[1], [0], [0], [1], [0, 0, 1, 1], [], []>, transpose_lhs_hint = false} : vector<1024x256xf32>, vector<256x256xf32>, vector<1024x256xf32> -> vector<1024x256xf32>
    %dot_general3A_200 = arith.constant dense<0.000000e+00> : vector<1024x256xf32>
    %dot_general3A_201 = tpu.matmul %div3A_197, %get3A_22, %dot_general3A_200 {dimension_numbers = #tpu.dot_dimension_numbers<[1], [0], [0], [1], [0, 0, 1, 1], [], []>, transpose_lhs_hint = false} : vector<1024x256xf32>, vector<256x256xf32>, vector<1024x256xf32> -> vector<1024x256xf32>
    %add3A_202 = arith.addf %dot_general3A_199, %dot_general3A_201 : vector<1024x256xf32>
    %add3A_203 = vector.broadcast %get3A_25 : vector<1x256xf32> to vector<1024x256xf32>
    %add3A_204 = arith.addf %add3A_202, %add3A_203 : vector<1024x256xf32>
    %mul3A_205 = arith.constant 5.000000e-01 : f32
    %mul3A_206 = vector.broadcast %mul3A_205 : f32 to vector<1024x256xf32>
    %mul3A_207 = arith.mulf %mul3A_206, %add3A_204 : vector<1024x256xf32>
    %mul3A_208 = arith.constant 0.707106769 : f32
    %mul3A_209 = vector.broadcast %mul3A_208 : f32 to vector<1024x256xf32>
    %mul3A_210 = arith.mulf %add3A_204, %mul3A_209 : vector<1024x256xf32>
    %erf3A_211 = math.erf %mul3A_210 : vector<1024x256xf32>
    %add3A_212 = arith.constant 1.000000e+00 : f32
    %add3A_213 = vector.broadcast %add3A_212 : f32 to vector<1024x256xf32>
    %add3A_214 = arith.addf %add3A_213, %erf3A_211 : vector<1024x256xf32>
    %mul3A_215 = arith.mulf %mul3A_207, %add3A_214 : vector<1024x256xf32>
    %reduce_sum3A_216 = arith.constant dense<0.000000e+00> : vector<1024xf32>
    %reduce_sum3A_217 = vector.multi_reduction <add>, %mul3A_215, %reduce_sum3A_216 [1] : vector<1024x256xf32> to vector<1024xf32>
    %broadcast_in_dim3A_218 = vector.shape_cast %reduce_sum3A_217 : vector<1024xf32> to vector<1024x1xf32>
    %div3A_219 = arith.constant 2.560000e+02 : f32
    %div3A_220 = vector.broadcast %div3A_219 : f32 to vector<1024x1xf32>
    %div3A_221 = arith.divf %broadcast_in_dim3A_218, %div3A_220 : vector<1024x1xf32>
    %sub3A_222 = vector.broadcast %div3A_221 : vector<1024x1xf32> to vector<1024x256xf32>
    %sub3A_223 = arith.subf %mul3A_215, %sub3A_222 : vector<1024x256xf32>
    %integer_pow3A_224 = arith.mulf %sub3A_223, %sub3A_223 : vector<1024x256xf32>
    %reduce_sum3A_225 = arith.constant dense<0.000000e+00> : vector<1024xf32>
    %reduce_sum3A_226 = vector.multi_reduction <add>, %integer_pow3A_224, %reduce_sum3A_225 [1] : vector<1024x256xf32> to vector<1024xf32>
    %broadcast_in_dim3A_227 = vector.shape_cast %reduce_sum3A_226 : vector<1024xf32> to vector<1024x1xf32>
    %div3A_228 = arith.constant 2.560000e+02 : f32
    %div3A_229 = vector.broadcast %div3A_228 : f32 to vector<1024x1xf32>
    %div3A_230 = arith.divf %broadcast_in_dim3A_227, %div3A_229 : vector<1024x1xf32>
    %sub3A_231 = vector.broadcast %div3A_221 : vector<1024x1xf32> to vector<1024x256xf32>
    %sub3A_232 = arith.subf %mul3A_215, %sub3A_231 : vector<1024x256xf32>
    %add3A_233 = arith.constant 9.99999974E-6 : f32
    %add3A_234 = vector.broadcast %add3A_233 : f32 to vector<1024x1xf32>
    %add3A_235 = arith.addf %div3A_230, %add3A_234 : vector<1024x1xf32>
    %rsqrt3A_236 = math.rsqrt %add3A_235 : vector<1024x1xf32>
    %mul3A_237 = vector.broadcast %rsqrt3A_236 : vector<1024x1xf32> to vector<1024x256xf32>
    %mul3A_238 = arith.mulf %sub3A_232, %mul3A_237 : vector<1024x256xf32>
    %mul3A_239 = vector.broadcast %get3A_28 : vector<1x256xf32> to vector<1024x256xf32>
    %mul3A_240 = arith.mulf %mul3A_238, %mul3A_239 : vector<1024x256xf32>
    %add3A_241 = vector.broadcast %get3A_31 : vector<1x256xf32> to vector<1024x256xf32>
    %add3A_242 = arith.addf %mul3A_240, %add3A_241 : vector<1024x256xf32>
    %swap3A = arith.constant 0 : index
    %swap3A_243 = arith.constant 0 : index
    %swap3A_244 = arith.constant 0 : index
    %swap3A_245 = vector.load %arg21[%swap3A, %swap3A_243, %swap3A_244] : memref<1x1024x256xf32, #tpu.memory_space<vmem>>, vector<1x1024x256xf32>
    %swap3A_246 = vector.shape_cast %swap3A_245 : vector<1x1024x256xf32> to vector<1024x256xf32>
    %swap3A_247 = vector.shape_cast %add3A_242 : vector<1024x256xf32> to vector<1x1024x256xf32>
    tpu.vector_store %arg21[%swap3A, %swap3A_243, %swap3A_244], %swap3A_247 {strides = array<i32>} : memref<1x1024x256xf32, #tpu.memory_space<vmem>>, vector<1x1024x256xf32>,
    %reduce_sum3A_248 = arith.constant dense<0.000000e+00> : vector<256xf32>
    %reduce_sum3A_249 = vector.multi_reduction <add>, %add3A_242, %reduce_sum3A_248 [0] : vector<1024x256xf32> to vector<256xf32>
    %broadcast_in_dim3A_250 = vector.shape_cast %reduce_sum3A_249 : vector<256xf32> to vector<1x256xf32>
    %div3A_251 = arith.constant 1.024000e+03 : f32
    %div3A_252 = vector.broadcast %div3A_251 : f32 to vector<1x256xf32>
    %div3A_253 = arith.divf %broadcast_in_dim3A_250, %div3A_252 : vector<1x256xf32>
    %get3A_254 = arith.constant 0 : index
    %get3A_255 = arith.constant 0 : index
    %get3A_256 = vector.load %arg17[%get3A_254, %get3A_255] : memref<256x256xf32, #tpu.memory_space<vmem>>, vector<256x256xf32>
    %dot_general3A_257 = arith.constant dense<0.000000e+00> : vector<1x256xf32>
    %dot_general3A_258 = tpu.matmul %div3A_253, %get3A_256, %dot_general3A_257 {dimension_numbers = #tpu.dot_dimension_numbers<[1], [0], [0], [1], [0, 0, 1, 1], [], []>, transpose_lhs_hint = false} : vector<1x256xf32>, vector<256x256xf32>, vector<1x256xf32> -> vector<1x256xf32>
    %get3A_259 = arith.constant 0 : index
    %get3A_260 = arith.constant 0 : index
    %get3A_261 = vector.load %arg18[%get3A_259, %get3A_260] : memref<1x256xf32, #tpu.memory_space<vmem>>, vector<1x256xf32>
    %add3A_262 = arith.addf %dot_general3A_258, %get3A_261 : vector<1x256xf32>
    %mul3A_263 = arith.constant 5.000000e-01 : f32
    %mul3A_264 = vector.broadcast %mul3A_263 : f32 to vector<1x256xf32>
    %mul3A_265 = arith.mulf %mul3A_264, %add3A_262 : vector<1x256xf32>
    %mul3A_266 = arith.constant 0.707106769 : f32
    %mul3A_267 = vector.broadcast %mul3A_266 : f32 to vector<1x256xf32>
    %mul3A_268 = arith.mulf %add3A_262, %mul3A_267 : vector<1x256xf32>
    %erf3A_269 = math.erf %mul3A_268 : vector<1x256xf32>
    %add3A_270 = arith.constant 1.000000e+00 : f32
    %add3A_271 = vector.broadcast %add3A_270 : f32 to vector<1x256xf32>
    %add3A_272 = arith.addf %add3A_271, %erf3A_269 : vector<1x256xf32>
    %mul3A_273 = arith.mulf %mul3A_265, %add3A_272 : vector<1x256xf32>
    %get3A_274 = arith.constant 0 : index
    %get3A_275 = arith.constant 0 : index
    %get3A_276 = vector.load %arg19[%get3A_274, %get3A_275] : memref<1x256xf32, #tpu.memory_space<vmem>>, vector<1x256xf32>
    %get3A_277 = arith.constant 0 : index
    %get3A_278 = arith.constant 0 : index
    %get3A_279 = vector.load %arg20[%get3A_277, %get3A_278] : memref<1x256xf32, #tpu.memory_space<vmem>>, vector<1x256xf32>
    %reduce_sum3A_280 = arith.constant dense<0.000000e+00> : vector<1xf32>
    %reduce_sum3A_281 = vector.multi_reduction <add>, %mul3A_273, %reduce_sum3A_280 [1] : vector<1x256xf32> to vector<1xf32>
    %broadcast_in_dim3A_282 = vector.shape_cast %reduce_sum3A_281 : vector<1xf32> to vector<1x1xf32>
    %div3A_283 = arith.constant 2.560000e+02 : f32
    %div3A_284 = vector.broadcast %div3A_283 : f32 to vector<1x1xf32>
    %div3A_285 = arith.divf %broadcast_in_dim3A_282, %div3A_284 : vector<1x1xf32>
    %sub3A_286 = vector.broadcast %div3A_285 : vector<1x1xf32> to vector<1x256xf32>
    %sub3A_287 = arith.subf %mul3A_273, %sub3A_286 : vector<1x256xf32>
    %integer_pow3A_288 = arith.mulf %sub3A_287, %sub3A_287 : vector<1x256xf32>
    %reduce_sum3A_289 = arith.constant dense<0.000000e+00> : vector<1xf32>
    %reduce_sum3A_290 = vector.multi_reduction <add>, %integer_pow3A_288, %reduce_sum3A_289 [1] : vector<1x256xf32> to vector<1xf32>
    %broadcast_in_dim3A_291 = vector.shape_cast %reduce_sum3A_290 : vector<1xf32> to vector<1x1xf32>
    %div3A_292 = arith.constant 2.560000e+02 : f32
    %div3A_293 = vector.broadcast %div3A_292 : f32 to vector<1x1xf32>
    %div3A_294 = arith.divf %broadcast_in_dim3A_291, %div3A_293 : vector<1x1xf32>
    %sub3A_295 = vector.broadcast %div3A_285 : vector<1x1xf32> to vector<1x256xf32>
    %sub3A_296 = arith.subf %mul3A_273, %sub3A_295 : vector<1x256xf32>
    %add3A_297 = arith.constant 9.99999974E-6 : f32
    %add3A_298 = vector.broadcast %add3A_297 : f32 to vector<1x1xf32>
    %add3A_299 = arith.addf %div3A_294, %add3A_298 : vector<1x1xf32>
    %rsqrt3A_300 = math.rsqrt %add3A_299 : vector<1x1xf32>
    %mul3A_301 = vector.broadcast %rsqrt3A_300 : vector<1x1xf32> to vector<1x256xf32>
    %mul3A_302 = arith.mulf %sub3A_296, %mul3A_301 : vector<1x256xf32>
    %mul3A_303 = arith.mulf %mul3A_302, %get3A_276 : vector<1x256xf32>
    %add3A_304 = arith.addf %mul3A_303, %get3A_279 : vector<1x256xf32>
    %swap3A_305 = arith.constant 0 : index
    %swap3A_306 = arith.constant 0 : index
    %swap3A_307 = arith.constant 0 : index
    %swap3A_308 = vector.load %arg22[%swap3A_305, %swap3A_306, %swap3A_307] : memref<1x1x256xf32, #tpu.memory_space<vmem>>, vector<1x1x256xf32>
    %swap3A_309 = vector.shape_cast %swap3A_308 : vector<1x1x256xf32> to vector<1x256xf32>
    %swap3A_310 = vector.shape_cast %add3A_304 : vector<1x256xf32> to vector<1x1x256xf32>
    tpu.vector_store %arg22[%swap3A_305, %swap3A_306, %swap3A_307], %swap3A_310 {strides = array<i32>} : memref<1x1x256xf32, #tpu.memory_space<vmem>>, vector<1x1x256xf32>,
    return
  }
  func.func @transform_0(%arg0: i32) -> (i32, i32, i32) {
    %c0_i32 = arith.constant 0 : i32
    %c0_i32_0 = arith.constant 0 : i32
    %c0_i32_1 = arith.constant 0 : i32
    return %arg0, %c0_i32, %c0_i32_0 : i32, i32, i32
  }
  func.func @transform_1(%arg0: i32) -> (i32, i32, i32) {
    %c0_i32 = arith.constant 0 : i32
    %c0_i32_0 = arith.constant 0 : i32
    %c0_i32_1 = arith.constant 0 : i32
    return %arg0, %c0_i32, %c0_i32_0 : i32, i32, i32
  }
  func.func @transform_2(%arg0: i32) -> (i32, i32, i32) {
    %c0_i32 = arith.constant 0 : i32
    %c0_i32_0 = arith.constant 0 : i32
    %c0_i32_1 = arith.constant 0 : i32
    return %arg0, %c0_i32, %c0_i32_0 : i32, i32, i32
  }
  func.func @transform_3(%arg0: i32) -> (i32, i32, i32) {
    %c0_i32 = arith.constant 0 : i32
    %c0_i32_0 = arith.constant 0 : i32
    %c0_i32_1 = arith.constant 0 : i32
    return %arg0, %c0_i32, %c0_i32_0 : i32, i32, i32
  }
  func.func @transform_4(%arg0: i32) -> (i32, i32, i32) {
    %c0_i32 = arith.constant 0 : i32
    %c0_i32_0 = arith.constant 0 : i32
    %c0_i32_1 = arith.constant 0 : i32
    return %arg0, %c0_i32, %c0_i32_0 : i32, i32, i32
  }
  func.func @transform_5(%arg0: i32) -> (i32, i32) {
    %c0_i32 = arith.constant 0 : i32
    %c0_i32_0 = arith.constant 0 : i32
    %c0_i32_1 = arith.constant 0 : i32
    return %c0_i32, %c0_i32_0 : i32, i32
  }
  func.func @transform_6(%arg0: i32) -> (i32, i32) {
    %c0_i32 = arith.constant 0 : i32
    %c0_i32_0 = arith.constant 0 : i32
    %c0_i32_1 = arith.constant 0 : i32
    return %c0_i32, %c0_i32_0 : i32, i32
  }
  func.func @transform_7(%arg0: i32) -> (i32, i32) {
    %c0_i32 = arith.constant 0 : i32
    %c0_i32_0 = arith.constant 0 : i32
    %c0_i32_1 = arith.constant 0 : i32
    return %c0_i32, %c0_i32_0 : i32, i32
  }
  func.func @transform_8(%arg0: i32) -> (i32, i32) {
    %c0_i32 = arith.constant 0 : i32
    %c0_i32_0 = arith.constant 0 : i32
    %c0_i32_1 = arith.constant 0 : i32
    return %c0_i32, %c0_i32_0 : i32, i32
  }
  func.func @transform_9(%arg0: i32) -> (i32, i32) {
    %c0_i32 = arith.constant 0 : i32
    %c0_i32_0 = arith.constant 0 : i32
    %c0_i32_1 = arith.constant 0 : i32
    return %c0_i32, %c0_i32_0 : i32, i32
  }
  func.func @transform_10(%arg0: i32) -> (i32, i32) {
    %c0_i32 = arith.constant 0 : i32
    %c0_i32_0 = arith.constant 0 : i32
    %c0_i32_1 = arith.constant 0 : i32
    return %c0_i32, %c0_i32_0 : i32, i32
  }
  func.func @transform_11(%arg0: i32) -> (i32, i32) {
    %c0_i32 = arith.constant 0 : i32
    %c0_i32_0 = arith.constant 0 : i32
    %c0_i32_1 = arith.constant 0 : i32
    return %c0_i32, %c0_i32_0 : i32, i32
  }
  func.func @transform_12(%arg0: i32) -> (i32, i32) {
    %c0_i32 = arith.constant 0 : i32
    %c0_i32_0 = arith.constant 0 : i32
    %c0_i32_1 = arith.constant 0 : i32
    return %c0_i32, %c0_i32_0 : i32, i32
  }
  func.func @transform_13(%arg0: i32) -> (i32, i32) {
    %c0_i32 = arith.constant 0 : i32
    %c0_i32_0 = arith.constant 0 : i32
    %c0_i32_1 = arith.constant 0 : i32
    return %c0_i32, %c0_i32_0 : i32, i32
  }
  func.func @transform_14(%arg0: i32) -> (i32, i32) {
    %c0_i32 = arith.constant 0 : i32
    %c0_i32_0 = arith.constant 0 : i32
    %c0_i32_1 = arith.constant 0 : i32
    return %c0_i32, %c0_i32_0 : i32, i32
  }
  func.func @transform_15(%arg0: i32) -> (i32, i32) {
    %c0_i32 = arith.constant 0 : i32
    %c0_i32_0 = arith.constant 0 : i32
    %c0_i32_1 = arith.constant 0 : i32
    return %c0_i32, %c0_i32_0 : i32, i32
  }
  func.func @transform_16(%arg0: i32) -> (i32, i32) {
    %c0_i32 = arith.constant 0 : i32
    %c0_i32_0 = arith.constant 0 : i32
    %c0_i32_1 = arith.constant 0 : i32
    return %c0_i32, %c0_i32_0 : i32, i32
  }
  func.func @transform_17(%arg0: i32) -> (i32, i32) {
    %c0_i32 = arith.constant 0 : i32
    %c0_i32_0 = arith.constant 0 : i32
    %c0_i32_1 = arith.constant 0 : i32
    return %c0_i32, %c0_i32_0 : i32, i32
  }
  func.func @transform_18(%arg0: i32) -> (i32, i32) {
    %c0_i32 = arith.constant 0 : i32
    %c0_i32_0 = arith.constant 0 : i32
    %c0_i32_1 = arith.constant 0 : i32
    return %c0_i32, %c0_i32_0 : i32, i32
  }
  func.func @transform_19(%arg0: i32) -> (i32, i32) {
    %c0_i32 = arith.constant 0 : i32
    %c0_i32_0 = arith.constant 0 : i32
    %c0_i32_1 = arith.constant 0 : i32
    return %c0_i32, %c0_i32_0 : i32, i32
  }
  func.func @transform_20(%arg0: i32) -> (i32, i32, i32) {
    %c0_i32 = arith.constant 0 : i32
    %c0_i32_0 = arith.constant 0 : i32
    %c0_i32_1 = arith.constant 0 : i32
    return %arg0, %c0_i32, %c0_i32_0 : i32, i32, i32
  }
  func.func @transform_21(%arg0: i32) -> (i32, i32, i32) {
    %c0_i32 = arith.constant 0 : i32
    %c0_i32_0 = arith.constant 0 : i32
    %c0_i32_1 = arith.constant 0 : i32
    return %arg0, %c0_i32, %c0_i32_0 : i32, i32, i32
  }
}

module attributes {stable_mosaic.version = 14 : i64} {
  func.func @_tc2_body(%arg0: i32, %arg1: memref<1x1152x256xf32, #tpu.memory_space<vmem>>, %arg2: memref<1x1024x256xf32, #tpu.memory_space<vmem>>, %arg3: memref<1x1024x8xf32, #tpu.memory_space<vmem>>, %arg4: memref<1x1024x8xi32, #tpu.memory_space<vmem>>, %arg5: memref<1x1x1024xi32, #tpu.memory_space<vmem>>, %arg6: memref<16x32xf32, #tpu.memory_space<vmem>>, %arg7: memref<256x256xf32, #tpu.memory_space<vmem>>, %arg8: memref<32x256xf32, #tpu.memory_space<vmem>>, %arg9: memref<1x256xf32, #tpu.memory_space<vmem>>, %arg10: memref<1x256xf32, #tpu.memory_space<vmem>>, %arg11: memref<1x256xf32, #tpu.memory_space<vmem>>, %arg12: memref<256x256xf32, #tpu.memory_space<vmem>>, %arg13: memref<256x256xf32, #tpu.memory_space<vmem>>, %arg14: memref<1x256xf32, #tpu.memory_space<vmem>>, %arg15: memref<1x256xf32, #tpu.memory_space<vmem>>, %arg16: memref<1x256xf32, #tpu.memory_space<vmem>>, %arg17: memref<256x256xf32, #tpu.memory_space<vmem>>, %arg18: memref<1x256xf32, #tpu.memory_space<vmem>>, %arg19: memref<256x256xf32, #tpu.memory_space<vmem>>, %arg20: memref<1x256xf32, #tpu.memory_space<vmem>>, %arg21: memref<256x256xf32, #tpu.memory_space<vmem>>, %arg22: memref<1x256xf32, #tpu.memory_space<vmem>>, %arg23: memref<256x256xf32, #tpu.memory_space<vmem>>, %arg24: memref<1x256xf32, #tpu.memory_space<vmem>>, %arg25: memref<256x256xf32, #tpu.memory_space<vmem>>, %arg26: memref<1x256xf32, #tpu.memory_space<vmem>>, %arg27: memref<1x256xf32, #tpu.memory_space<vmem>>, %arg28: memref<1x256xf32, #tpu.memory_space<vmem>>, %arg29: memref<256x1024xf32, #tpu.memory_space<vmem>>, %arg30: memref<1x1024xf32, #tpu.memory_space<vmem>>, %arg31: memref<1024x256xf32, #tpu.memory_space<vmem>>, %arg32: memref<1x256xf32, #tpu.memory_space<vmem>>, %arg33: memref<1x256xf32, #tpu.memory_space<vmem>>, %arg34: memref<1x256xf32, #tpu.memory_space<vmem>>, %arg35: memref<1x1152x256xf32, #tpu.memory_space<vmem>>) attributes {dimension_semantics = [#tpu.dimension_semantics<arbitrary>], iteration_bounds = array<i64: 2>, scalar_prefetch = 0 : i64, scratch_operands = 0 : i64, tpu.core_type = #tpu.core_type<tc>, window_params = [{transform_indices = @transform_0, window_bounds = array<i64: 1, 1152, 256>}, {transform_indices = @transform_1, window_bounds = array<i64: 1, 1024, 256>}, {transform_indices = @transform_2, window_bounds = array<i64: 1, 1024, 8>}, {transform_indices = @transform_3, window_bounds = array<i64: 1, 1024, 8>}, {transform_indices = @transform_4, window_bounds = array<i64: 1, 1, 1024>}, {pipeline_mode = #tpu.pipeline_mode<synchronous>, transform_indices = @transform_5, window_bounds = array<i64: 16, 32>}, {pipeline_mode = #tpu.pipeline_mode<synchronous>, transform_indices = @transform_6, window_bounds = array<i64: 256, 256>}, {pipeline_mode = #tpu.pipeline_mode<synchronous>, transform_indices = @transform_7, window_bounds = array<i64: 32, 256>}, {pipeline_mode = #tpu.pipeline_mode<synchronous>, transform_indices = @transform_8, window_bounds = array<i64: 1, 256>}, {pipeline_mode = #tpu.pipeline_mode<synchronous>, transform_indices = @transform_9, window_bounds = array<i64: 1, 256>}, {pipeline_mode = #tpu.pipeline_mode<synchronous>, transform_indices = @transform_10, window_bounds = array<i64: 1, 256>}, {pipeline_mode = #tpu.pipeline_mode<synchronous>, transform_indices = @transform_11, window_bounds = array<i64: 256, 256>}, {pipeline_mode = #tpu.pipeline_mode<synchronous>, transform_indices = @transform_12, window_bounds = array<i64: 256, 256>}, {pipeline_mode = #tpu.pipeline_mode<synchronous>, transform_indices = @transform_13, window_bounds = array<i64: 1, 256>}, {pipeline_mode = #tpu.pipeline_mode<synchronous>, transform_indices = @transform_14, window_bounds = array<i64: 1, 256>}, {pipeline_mode = #tpu.pipeline_mode<synchronous>, transform_indices = @transform_15, window_bounds = array<i64: 1, 256>}, {pipeline_mode = #tpu.pipeline_mode<synchronous>, transform_indices = @transform_16, window_bounds = array<i64: 256, 256>}, {pipeline_mode = #tpu.pipeline_mode<synchronous>, transform_indices = @transform_17, window_bounds = array<i64: 1, 256>}, {pipeline_mode = #tpu.pipeline_mode<synchronous>, transform_indices = @transform_18, window_bounds = array<i64: 256, 256>}, {pipeline_mode = #tpu.pipeline_mode<synchronous>, transform_indices = @transform_19, window_bounds = array<i64: 1, 256>}, {pipeline_mode = #tpu.pipeline_mode<synchronous>, transform_indices = @transform_20, window_bounds = array<i64: 256, 256>}, {pipeline_mode = #tpu.pipeline_mode<synchronous>, transform_indices = @transform_21, window_bounds = array<i64: 1, 256>}, {pipeline_mode = #tpu.pipeline_mode<synchronous>, transform_indices = @transform_22, window_bounds = array<i64: 256, 256>}, {pipeline_mode = #tpu.pipeline_mode<synchronous>, transform_indices = @transform_23, window_bounds = array<i64: 1, 256>}, {pipeline_mode = #tpu.pipeline_mode<synchronous>, transform_indices = @transform_24, window_bounds = array<i64: 256, 256>}, {pipeline_mode = #tpu.pipeline_mode<synchronous>, transform_indices = @transform_25, window_bounds = array<i64: 1, 256>}, {pipeline_mode = #tpu.pipeline_mode<synchronous>, transform_indices = @transform_26, window_bounds = array<i64: 1, 256>}, {pipeline_mode = #tpu.pipeline_mode<synchronous>, transform_indices = @transform_27, window_bounds = array<i64: 1, 256>}, {pipeline_mode = #tpu.pipeline_mode<synchronous>, transform_indices = @transform_28, window_bounds = array<i64: 256, 1024>}, {pipeline_mode = #tpu.pipeline_mode<synchronous>, transform_indices = @transform_29, window_bounds = array<i64: 1, 1024>}, {pipeline_mode = #tpu.pipeline_mode<synchronous>, transform_indices = @transform_30, window_bounds = array<i64: 1024, 256>}, {pipeline_mode = #tpu.pipeline_mode<synchronous>, transform_indices = @transform_31, window_bounds = array<i64: 1, 256>}, {pipeline_mode = #tpu.pipeline_mode<synchronous>, transform_indices = @transform_32, window_bounds = array<i64: 1, 256>}, {pipeline_mode = #tpu.pipeline_mode<synchronous>, transform_indices = @transform_33, window_bounds = array<i64: 1, 256>}, {transform_indices = @transform_34, window_bounds = array<i64: 1, 1152, 256>}]} {
    %get3A = arith.constant 0 : index
    %get3A_0 = arith.constant 0 : index
    %get3A_1 = vector.load %arg6[%get3A, %get3A_0] : memref<16x32xf32, #tpu.memory_space<vmem>>, vector<16x32xf32>
    %get3A_2 = arith.constant 0 : index
    %get3A_3 = arith.constant 0 : index
    %get3A_4 = vector.load %arg7[%get3A_2, %get3A_3] : memref<256x256xf32, #tpu.memory_space<vmem>>, vector<256x256xf32>
    %get3A_5 = arith.constant 0 : index
    %get3A_6 = arith.constant 0 : index
    %get3A_7 = vector.load %arg8[%get3A_5, %get3A_6] : memref<32x256xf32, #tpu.memory_space<vmem>>, vector<32x256xf32>
    %get3A_8 = arith.constant 0 : index
    %get3A_9 = arith.constant 0 : index
    %get3A_10 = vector.load %arg9[%get3A_8, %get3A_9] : memref<1x256xf32, #tpu.memory_space<vmem>>, vector<1x256xf32>
    %get3A_11 = arith.constant 0 : index
    %get3A_12 = arith.constant 0 : index
    %get3A_13 = vector.load %arg10[%get3A_11, %get3A_12] : memref<1x256xf32, #tpu.memory_space<vmem>>, vector<1x256xf32>
    %get3A_14 = arith.constant 0 : index
    %get3A_15 = arith.constant 0 : index
    %get3A_16 = vector.load %arg11[%get3A_14, %get3A_15] : memref<1x256xf32, #tpu.memory_space<vmem>>, vector<1x256xf32>
    %get3A_17 = arith.constant 0 : index
    %get3A_18 = arith.constant 0 : index
    %get3A_19 = vector.load %arg12[%get3A_17, %get3A_18] : memref<256x256xf32, #tpu.memory_space<vmem>>, vector<256x256xf32>
    %get3A_20 = arith.constant 0 : index
    %get3A_21 = arith.constant 0 : index
    %get3A_22 = vector.load %arg13[%get3A_20, %get3A_21] : memref<256x256xf32, #tpu.memory_space<vmem>>, vector<256x256xf32>
    %get3A_23 = arith.constant 0 : index
    %get3A_24 = arith.constant 0 : index
    %get3A_25 = vector.load %arg14[%get3A_23, %get3A_24] : memref<1x256xf32, #tpu.memory_space<vmem>>, vector<1x256xf32>
    %get3A_26 = arith.constant 0 : index
    %get3A_27 = arith.constant 0 : index
    %get3A_28 = vector.load %arg15[%get3A_26, %get3A_27] : memref<1x256xf32, #tpu.memory_space<vmem>>, vector<1x256xf32>
    %get3A_29 = arith.constant 0 : index
    %get3A_30 = arith.constant 0 : index
    %get3A_31 = vector.load %arg16[%get3A_29, %get3A_30] : memref<1x256xf32, #tpu.memory_space<vmem>>, vector<1x256xf32>
    %get3A_32 = arith.constant 0 : index
    %get3A_33 = arith.constant 0 : index
    %get3A_34 = arith.constant 0 : index
    %get3A_35 = vector.load %arg1[%get3A_32, %get3A_33, %get3A_34] : memref<1x1152x256xf32, #tpu.memory_space<vmem>>, vector<1x1024x256xf32>
    %get3A_36 = vector.shape_cast %get3A_35 : vector<1x1024x256xf32> to vector<1024x256xf32>
    %get3A_37 = arith.constant 0 : index
    %get3A_38 = arith.constant 0 : index
    %get3A_39 = arith.constant 0 : index
    %get3A_40 = vector.load %arg3[%get3A_37, %get3A_38, %get3A_39] : memref<1x1024x8xf32, #tpu.memory_space<vmem>>, vector<1x1024x8xf32>
    %get3A_41 = vector.shape_cast %get3A_40 : vector<1x1024x8xf32> to vector<1024x8xf32>
    %reduce_sum3A = arith.constant dense<0.000000e+00> : vector<1024xf32>
    %reduce_sum3A_42 = vector.multi_reduction <add>, %get3A_41, %reduce_sum3A [1] : vector<1024x8xf32> to vector<1024xf32>
    %broadcast_in_dim3A = vector.shape_cast %reduce_sum3A_42 : vector<1024xf32> to vector<1024x1xf32>
    %jit3A = arith.constant 1.000000e+00 : f32
    %max3A = vector.broadcast %jit3A : f32 to vector<1024x1xf32>
    %max3A_43 = arith.maximumf %max3A, %broadcast_in_dim3A : vector<1024x1xf32>
    %get3A_44 = arith.constant 0 : index
    %get3A_45 = arith.constant 0 : index
    %get3A_46 = arith.constant 0 : index
    %get3A_47 = vector.load %arg2[%get3A_44, %get3A_45, %get3A_46] : memref<1x1024x256xf32, #tpu.memory_space<vmem>>, vector<1x1024x256xf32>
    %get3A_48 = vector.shape_cast %get3A_47 : vector<1x1024x256xf32> to vector<1024x256xf32>
    %div3A = vector.broadcast %max3A_43 : vector<1024x1xf32> to vector<1024x256xf32>
    %div3A_49 = arith.divf %get3A_48, %div3A : vector<1024x256xf32>
    %get3A_50 = arith.constant 0 : index
    %get3A_51 = arith.constant 0 : index
    %get3A_52 = arith.constant 0 : index
    %get3A_53 = vector.load %arg5[%get3A_50, %get3A_51, %get3A_52] : memref<1x1x1024xi32, #tpu.memory_space<vmem>>, vector<1x1x1024xi32>
    %get3A_54 = vector.shape_cast %get3A_53 : vector<1x1x1024xi32> to vector<1x1024xi32>
    %iota3A = tpu.iota {dimensions = array<i32: 0>} : vector<16x1024xi32>
    %eq3A = vector.broadcast %get3A_54 : vector<1x1024xi32> to vector<16x1024xi32>
    %eq3A_55 = arith.cmpi eq, %eq3A, %iota3A : vector<16x1024xi32>
    %jit3A_56 = arith.constant 1.000000e+00 : f32
    %jit3A_57 = arith.constant 0.000000e+00 : f32
    %broadcast_in_dim3A_58 = vector.broadcast %jit3A_56 : f32 to vector<16x1024xf32>
    %broadcast_in_dim3A_59 = vector.broadcast %jit3A_57 : f32 to vector<16x1024xf32>
    %select_n3A = arith.select %eq3A_55, %broadcast_in_dim3A_58, %broadcast_in_dim3A_59 : vector<16x1024xi1>, vector<16x1024xf32>
    %dot_general3A = arith.constant dense<0.000000e+00> : vector<1024x32xf32>
    %dot_general3A_60 = tpu.matmul %select_n3A, %get3A_1, %dot_general3A {dimension_numbers = #tpu.dot_dimension_numbers<[0], [0], [1], [1], [0, 1, 1, 1], [], []>, transpose_lhs_hint = false} : vector<16x1024xf32>, vector<16x32xf32>, vector<1024x32xf32> -> vector<1024x32xf32>
    %dot_general3A_61 = arith.constant dense<0.000000e+00> : vector<1024x256xf32>
    %dot_general3A_62 = tpu.matmul %div3A_49, %get3A_4, %dot_general3A_61 {dimension_numbers = #tpu.dot_dimension_numbers<[1], [0], [0], [1], [0, 0, 1, 1], [], []>, transpose_lhs_hint = false} : vector<1024x256xf32>, vector<256x256xf32>, vector<1024x256xf32> -> vector<1024x256xf32>
    %dot_general3A_63 = arith.constant dense<0.000000e+00> : vector<1024x256xf32>
    %dot_general3A_64 = tpu.matmul %dot_general3A_60, %get3A_7, %dot_general3A_63 {dimension_numbers = #tpu.dot_dimension_numbers<[1], [0], [0], [1], [0, 0, 1, 1], [], []>, transpose_lhs_hint = false} : vector<1024x32xf32>, vector<32x256xf32>, vector<1024x256xf32> -> vector<1024x256xf32>
    %add3A = arith.addf %dot_general3A_62, %dot_general3A_64 : vector<1024x256xf32>
    %add3A_65 = vector.broadcast %get3A_10 : vector<1x256xf32> to vector<1024x256xf32>
    %add3A_66 = arith.addf %add3A, %add3A_65 : vector<1024x256xf32>
    %mul3A = arith.constant 5.000000e-01 : f32
    %mul3A_67 = vector.broadcast %mul3A : f32 to vector<1024x256xf32>
    %mul3A_68 = arith.mulf %mul3A_67, %add3A_66 : vector<1024x256xf32>
    %mul3A_69 = arith.constant 0.707106769 : f32
    %mul3A_70 = vector.broadcast %mul3A_69 : f32 to vector<1024x256xf32>
    %mul3A_71 = arith.mulf %add3A_66, %mul3A_70 : vector<1024x256xf32>
    %erf3A = math.erf %mul3A_71 : vector<1024x256xf32>
    %add3A_72 = arith.constant 1.000000e+00 : f32
    %add3A_73 = vector.broadcast %add3A_72 : f32 to vector<1024x256xf32>
    %add3A_74 = arith.addf %add3A_73, %erf3A : vector<1024x256xf32>
    %mul3A_75 = arith.mulf %mul3A_68, %add3A_74 : vector<1024x256xf32>
    %reduce_sum3A_76 = arith.constant dense<0.000000e+00> : vector<1024xf32>
    %reduce_sum3A_77 = vector.multi_reduction <add>, %mul3A_75, %reduce_sum3A_76 [1] : vector<1024x256xf32> to vector<1024xf32>
    %broadcast_in_dim3A_78 = vector.shape_cast %reduce_sum3A_77 : vector<1024xf32> to vector<1024x1xf32>
    %div3A_79 = arith.constant 2.560000e+02 : f32
    %div3A_80 = vector.broadcast %div3A_79 : f32 to vector<1024x1xf32>
    %div3A_81 = arith.divf %broadcast_in_dim3A_78, %div3A_80 : vector<1024x1xf32>
    %sub3A = vector.broadcast %div3A_81 : vector<1024x1xf32> to vector<1024x256xf32>
    %sub3A_82 = arith.subf %mul3A_75, %sub3A : vector<1024x256xf32>
    %integer_pow3A = arith.mulf %sub3A_82, %sub3A_82 : vector<1024x256xf32>
    %reduce_sum3A_83 = arith.constant dense<0.000000e+00> : vector<1024xf32>
    %reduce_sum3A_84 = vector.multi_reduction <add>, %integer_pow3A, %reduce_sum3A_83 [1] : vector<1024x256xf32> to vector<1024xf32>
    %broadcast_in_dim3A_85 = vector.shape_cast %reduce_sum3A_84 : vector<1024xf32> to vector<1024x1xf32>
    %div3A_86 = arith.constant 2.560000e+02 : f32
    %div3A_87 = vector.broadcast %div3A_86 : f32 to vector<1024x1xf32>
    %div3A_88 = arith.divf %broadcast_in_dim3A_85, %div3A_87 : vector<1024x1xf32>
    %sub3A_89 = vector.broadcast %div3A_81 : vector<1024x1xf32> to vector<1024x256xf32>
    %sub3A_90 = arith.subf %mul3A_75, %sub3A_89 : vector<1024x256xf32>
    %add3A_91 = arith.constant 9.99999974E-6 : f32
    %add3A_92 = vector.broadcast %add3A_91 : f32 to vector<1024x1xf32>
    %add3A_93 = arith.addf %div3A_88, %add3A_92 : vector<1024x1xf32>
    %rsqrt3A = math.rsqrt %add3A_93 : vector<1024x1xf32>
    %mul3A_94 = vector.broadcast %rsqrt3A : vector<1024x1xf32> to vector<1024x256xf32>
    %mul3A_95 = arith.mulf %sub3A_90, %mul3A_94 : vector<1024x256xf32>
    %mul3A_96 = vector.broadcast %get3A_13 : vector<1x256xf32> to vector<1024x256xf32>
    %mul3A_97 = arith.mulf %mul3A_95, %mul3A_96 : vector<1024x256xf32>
    %add3A_98 = vector.broadcast %get3A_16 : vector<1x256xf32> to vector<1024x256xf32>
    %add3A_99 = arith.addf %mul3A_97, %add3A_98 : vector<1024x256xf32>
    %get3A_100 = arith.constant 0 : index
    %get3A_101 = arith.constant 0 : index
    %get3A_102 = arith.constant 0 : index
    %get3A_103 = vector.load %arg4[%get3A_100, %get3A_101, %get3A_102] : memref<1x1024x8xi32, #tpu.memory_space<vmem>>, vector<1x1024x8xi32>
    %get3A_104 = vector.shape_cast %get3A_103 : vector<1x1024x8xi32> to vector<1024x8xi32>
    %iota3A_105 = tpu.iota {dimensions = array<i32: 1>} : vector<1024x1024xi32>
    %broadcast_in_dim3A_106 = arith.constant 0.000000e+00 : f32
    %broadcast_in_dim3A_107 = vector.broadcast %broadcast_in_dim3A_106 : f32 to vector<1024x1024xf32>
    %slice3A = vector.extract_strided_slice %get3A_104 {offsets = [0, 0], sizes = [1024, 1], strides = [1, 1]} : vector<1024x8xi32> to vector<1024x1xi32>
    %eq3A_108 = vector.broadcast %slice3A : vector<1024x1xi32> to vector<1024x1024xi32>
    %eq3A_109 = arith.cmpi eq, %eq3A_108, %iota3A_105 : vector<1024x1024xi32>
    %slice3A_110 = vector.extract_strided_slice %get3A_41 {offsets = [0, 0], sizes = [1024, 1], strides = [1, 1]} : vector<1024x8xf32> to vector<1024x1xf32>
    %jit3A_111 = arith.constant 0.000000e+00 : f32
    %broadcast_in_dim3A_112 = vector.shape_cast %slice3A_110 : vector<1024x1xf32> to vector<1024x1xf32>
    %broadcast_in_dim3A_113 = vector.broadcast %broadcast_in_dim3A_112 : vector<1024x1xf32> to vector<1024x1024xf32>
    %broadcast_in_dim3A_114 = vector.broadcast %jit3A_111 : f32 to vector<1024x1024xf32>
    %select_n3A_115 = arith.select %eq3A_109, %broadcast_in_dim3A_113, %broadcast_in_dim3A_114 : vector<1024x1024xi1>, vector<1024x1024xf32>
    %add3A_116 = arith.addf %broadcast_in_dim3A_107, %select_n3A_115 : vector<1024x1024xf32>
    %slice3A_117 = vector.extract_strided_slice %get3A_104 {offsets = [0, 1], sizes = [1024, 1], strides = [1, 1]} : vector<1024x8xi32> to vector<1024x1xi32>
    %eq3A_118 = vector.broadcast %slice3A_117 : vector<1024x1xi32> to vector<1024x1024xi32>
    %eq3A_119 = arith.cmpi eq, %eq3A_118, %iota3A_105 : vector<1024x1024xi32>
    %slice3A_120 = vector.extract_strided_slice %get3A_41 {offsets = [0, 1], sizes = [1024, 1], strides = [1, 1]} : vector<1024x8xf32> to vector<1024x1xf32>
    %jit3A_121 = arith.constant 0.000000e+00 : f32
    %broadcast_in_dim3A_122 = vector.shape_cast %slice3A_120 : vector<1024x1xf32> to vector<1024x1xf32>
    %broadcast_in_dim3A_123 = vector.broadcast %broadcast_in_dim3A_122 : vector<1024x1xf32> to vector<1024x1024xf32>
    %broadcast_in_dim3A_124 = vector.broadcast %jit3A_121 : f32 to vector<1024x1024xf32>
    %select_n3A_125 = arith.select %eq3A_119, %broadcast_in_dim3A_123, %broadcast_in_dim3A_124 : vector<1024x1024xi1>, vector<1024x1024xf32>
    %add3A_126 = arith.addf %add3A_116, %select_n3A_125 : vector<1024x1024xf32>
    %slice3A_127 = vector.extract_strided_slice %get3A_104 {offsets = [0, 2], sizes = [1024, 1], strides = [1, 1]} : vector<1024x8xi32> to vector<1024x1xi32>
    %eq3A_128 = vector.broadcast %slice3A_127 : vector<1024x1xi32> to vector<1024x1024xi32>
    %eq3A_129 = arith.cmpi eq, %eq3A_128, %iota3A_105 : vector<1024x1024xi32>
    %slice3A_130 = vector.extract_strided_slice %get3A_41 {offsets = [0, 2], sizes = [1024, 1], strides = [1, 1]} : vector<1024x8xf32> to vector<1024x1xf32>
    %jit3A_131 = arith.constant 0.000000e+00 : f32
    %broadcast_in_dim3A_132 = vector.shape_cast %slice3A_130 : vector<1024x1xf32> to vector<1024x1xf32>
    %broadcast_in_dim3A_133 = vector.broadcast %broadcast_in_dim3A_132 : vector<1024x1xf32> to vector<1024x1024xf32>
    %broadcast_in_dim3A_134 = vector.broadcast %jit3A_131 : f32 to vector<1024x1024xf32>
    %select_n3A_135 = arith.select %eq3A_129, %broadcast_in_dim3A_133, %broadcast_in_dim3A_134 : vector<1024x1024xi1>, vector<1024x1024xf32>
    %add3A_136 = arith.addf %add3A_126, %select_n3A_135 : vector<1024x1024xf32>
    %slice3A_137 = vector.extract_strided_slice %get3A_104 {offsets = [0, 3], sizes = [1024, 1], strides = [1, 1]} : vector<1024x8xi32> to vector<1024x1xi32>
    %eq3A_138 = vector.broadcast %slice3A_137 : vector<1024x1xi32> to vector<1024x1024xi32>
    %eq3A_139 = arith.cmpi eq, %eq3A_138, %iota3A_105 : vector<1024x1024xi32>
    %slice3A_140 = vector.extract_strided_slice %get3A_41 {offsets = [0, 3], sizes = [1024, 1], strides = [1, 1]} : vector<1024x8xf32> to vector<1024x1xf32>
    %jit3A_141 = arith.constant 0.000000e+00 : f32
    %broadcast_in_dim3A_142 = vector.shape_cast %slice3A_140 : vector<1024x1xf32> to vector<1024x1xf32>
    %broadcast_in_dim3A_143 = vector.broadcast %broadcast_in_dim3A_142 : vector<1024x1xf32> to vector<1024x1024xf32>
    %broadcast_in_dim3A_144 = vector.broadcast %jit3A_141 : f32 to vector<1024x1024xf32>
    %select_n3A_145 = arith.select %eq3A_139, %broadcast_in_dim3A_143, %broadcast_in_dim3A_144 : vector<1024x1024xi1>, vector<1024x1024xf32>
    %add3A_146 = arith.addf %add3A_136, %select_n3A_145 : vector<1024x1024xf32>
    %slice3A_147 = vector.extract_strided_slice %get3A_104 {offsets = [0, 4], sizes = [1024, 1], strides = [1, 1]} : vector<1024x8xi32> to vector<1024x1xi32>
    %eq3A_148 = vector.broadcast %slice3A_147 : vector<1024x1xi32> to vector<1024x1024xi32>
    %eq3A_149 = arith.cmpi eq, %eq3A_148, %iota3A_105 : vector<1024x1024xi32>
    %slice3A_150 = vector.extract_strided_slice %get3A_41 {offsets = [0, 4], sizes = [1024, 1], strides = [1, 1]} : vector<1024x8xf32> to vector<1024x1xf32>
    %jit3A_151 = arith.constant 0.000000e+00 : f32
    %broadcast_in_dim3A_152 = vector.shape_cast %slice3A_150 : vector<1024x1xf32> to vector<1024x1xf32>
    %broadcast_in_dim3A_153 = vector.broadcast %broadcast_in_dim3A_152 : vector<1024x1xf32> to vector<1024x1024xf32>
    %broadcast_in_dim3A_154 = vector.broadcast %jit3A_151 : f32 to vector<1024x1024xf32>
    %select_n3A_155 = arith.select %eq3A_149, %broadcast_in_dim3A_153, %broadcast_in_dim3A_154 : vector<1024x1024xi1>, vector<1024x1024xf32>
    %add3A_156 = arith.addf %add3A_146, %select_n3A_155 : vector<1024x1024xf32>
    %slice3A_157 = vector.extract_strided_slice %get3A_104 {offsets = [0, 5], sizes = [1024, 1], strides = [1, 1]} : vector<1024x8xi32> to vector<1024x1xi32>
    %eq3A_158 = vector.broadcast %slice3A_157 : vector<1024x1xi32> to vector<1024x1024xi32>
    %eq3A_159 = arith.cmpi eq, %eq3A_158, %iota3A_105 : vector<1024x1024xi32>
    %slice3A_160 = vector.extract_strided_slice %get3A_41 {offsets = [0, 5], sizes = [1024, 1], strides = [1, 1]} : vector<1024x8xf32> to vector<1024x1xf32>
    %jit3A_161 = arith.constant 0.000000e+00 : f32
    %broadcast_in_dim3A_162 = vector.shape_cast %slice3A_160 : vector<1024x1xf32> to vector<1024x1xf32>
    %broadcast_in_dim3A_163 = vector.broadcast %broadcast_in_dim3A_162 : vector<1024x1xf32> to vector<1024x1024xf32>
    %broadcast_in_dim3A_164 = vector.broadcast %jit3A_161 : f32 to vector<1024x1024xf32>
    %select_n3A_165 = arith.select %eq3A_159, %broadcast_in_dim3A_163, %broadcast_in_dim3A_164 : vector<1024x1024xi1>, vector<1024x1024xf32>
    %add3A_166 = arith.addf %add3A_156, %select_n3A_165 : vector<1024x1024xf32>
    %slice3A_167 = vector.extract_strided_slice %get3A_104 {offsets = [0, 6], sizes = [1024, 1], strides = [1, 1]} : vector<1024x8xi32> to vector<1024x1xi32>
    %eq3A_168 = vector.broadcast %slice3A_167 : vector<1024x1xi32> to vector<1024x1024xi32>
    %eq3A_169 = arith.cmpi eq, %eq3A_168, %iota3A_105 : vector<1024x1024xi32>
    %slice3A_170 = vector.extract_strided_slice %get3A_41 {offsets = [0, 6], sizes = [1024, 1], strides = [1, 1]} : vector<1024x8xf32> to vector<1024x1xf32>
    %jit3A_171 = arith.constant 0.000000e+00 : f32
    %broadcast_in_dim3A_172 = vector.shape_cast %slice3A_170 : vector<1024x1xf32> to vector<1024x1xf32>
    %broadcast_in_dim3A_173 = vector.broadcast %broadcast_in_dim3A_172 : vector<1024x1xf32> to vector<1024x1024xf32>
    %broadcast_in_dim3A_174 = vector.broadcast %jit3A_171 : f32 to vector<1024x1024xf32>
    %select_n3A_175 = arith.select %eq3A_169, %broadcast_in_dim3A_173, %broadcast_in_dim3A_174 : vector<1024x1024xi1>, vector<1024x1024xf32>
    %add3A_176 = arith.addf %add3A_166, %select_n3A_175 : vector<1024x1024xf32>
    %slice3A_177 = vector.extract_strided_slice %get3A_104 {offsets = [0, 7], sizes = [1024, 1], strides = [1, 1]} : vector<1024x8xi32> to vector<1024x1xi32>
    %eq3A_178 = vector.broadcast %slice3A_177 : vector<1024x1xi32> to vector<1024x1024xi32>
    %eq3A_179 = arith.cmpi eq, %eq3A_178, %iota3A_105 : vector<1024x1024xi32>
    %slice3A_180 = vector.extract_strided_slice %get3A_41 {offsets = [0, 7], sizes = [1024, 1], strides = [1, 1]} : vector<1024x8xf32> to vector<1024x1xf32>
    %jit3A_181 = arith.constant 0.000000e+00 : f32
    %broadcast_in_dim3A_182 = vector.shape_cast %slice3A_180 : vector<1024x1xf32> to vector<1024x1xf32>
    %broadcast_in_dim3A_183 = vector.broadcast %broadcast_in_dim3A_182 : vector<1024x1xf32> to vector<1024x1024xf32>
    %broadcast_in_dim3A_184 = vector.broadcast %jit3A_181 : f32 to vector<1024x1024xf32>
    %select_n3A_185 = arith.select %eq3A_179, %broadcast_in_dim3A_183, %broadcast_in_dim3A_184 : vector<1024x1024xi1>, vector<1024x1024xf32>
    %add3A_186 = arith.addf %add3A_176, %select_n3A_185 : vector<1024x1024xf32>
    %broadcast_in_dim3A_187 = arith.constant 1.000000e+00 : f32
    %broadcast_in_dim3A_188 = vector.broadcast %broadcast_in_dim3A_187 : f32 to vector<1024x1xf32>
    %dot_general3A_189 = arith.constant dense<0.000000e+00> : vector<1024x1xf32>
    %dot_general3A_190 = tpu.matmul %add3A_186, %broadcast_in_dim3A_188, %dot_general3A_189 {dimension_numbers = #tpu.dot_dimension_numbers<[0], [0], [1], [1], [0, 1, 1, 1], [], []>, transpose_lhs_hint = false} : vector<1024x1024xf32>, vector<1024x1xf32>, vector<1024x1xf32> -> vector<1024x1xf32>
    %jit3A_191 = arith.constant 1.000000e+00 : f32
    %max3A_192 = vector.broadcast %jit3A_191 : f32 to vector<1024x1xf32>
    %max3A_193 = arith.maximumf %max3A_192, %dot_general3A_190 : vector<1024x1xf32>
    %dot_general3A_194 = arith.constant dense<0.000000e+00> : vector<1024x256xf32>
    %dot_general3A_195 = tpu.matmul %add3A_186, %add3A_99, %dot_general3A_194 {dimension_numbers = #tpu.dot_dimension_numbers<[0], [0], [1], [1], [0, 1, 1, 1], [], []>, transpose_lhs_hint = false} : vector<1024x1024xf32>, vector<1024x256xf32>, vector<1024x256xf32> -> vector<1024x256xf32>
    %div3A_196 = vector.broadcast %max3A_193 : vector<1024x1xf32> to vector<1024x256xf32>
    %div3A_197 = arith.divf %dot_general3A_195, %div3A_196 : vector<1024x256xf32>
    %dot_general3A_198 = arith.constant dense<0.000000e+00> : vector<1024x256xf32>
    %dot_general3A_199 = tpu.matmul %get3A_36, %get3A_19, %dot_general3A_198 {dimension_numbers = #tpu.dot_dimension_numbers<[1], [0], [0], [1], [0, 0, 1, 1], [], []>, transpose_lhs_hint = false} : vector<1024x256xf32>, vector<256x256xf32>, vector<1024x256xf32> -> vector<1024x256xf32>
    %dot_general3A_200 = arith.constant dense<0.000000e+00> : vector<1024x256xf32>
    %dot_general3A_201 = tpu.matmul %div3A_197, %get3A_22, %dot_general3A_200 {dimension_numbers = #tpu.dot_dimension_numbers<[1], [0], [0], [1], [0, 0, 1, 1], [], []>, transpose_lhs_hint = false} : vector<1024x256xf32>, vector<256x256xf32>, vector<1024x256xf32> -> vector<1024x256xf32>
    %add3A_202 = arith.addf %dot_general3A_199, %dot_general3A_201 : vector<1024x256xf32>
    %add3A_203 = vector.broadcast %get3A_25 : vector<1x256xf32> to vector<1024x256xf32>
    %add3A_204 = arith.addf %add3A_202, %add3A_203 : vector<1024x256xf32>
    %mul3A_205 = arith.constant 5.000000e-01 : f32
    %mul3A_206 = vector.broadcast %mul3A_205 : f32 to vector<1024x256xf32>
    %mul3A_207 = arith.mulf %mul3A_206, %add3A_204 : vector<1024x256xf32>
    %mul3A_208 = arith.constant 0.707106769 : f32
    %mul3A_209 = vector.broadcast %mul3A_208 : f32 to vector<1024x256xf32>
    %mul3A_210 = arith.mulf %add3A_204, %mul3A_209 : vector<1024x256xf32>
    %erf3A_211 = math.erf %mul3A_210 : vector<1024x256xf32>
    %add3A_212 = arith.constant 1.000000e+00 : f32
    %add3A_213 = vector.broadcast %add3A_212 : f32 to vector<1024x256xf32>
    %add3A_214 = arith.addf %add3A_213, %erf3A_211 : vector<1024x256xf32>
    %mul3A_215 = arith.mulf %mul3A_207, %add3A_214 : vector<1024x256xf32>
    %reduce_sum3A_216 = arith.constant dense<0.000000e+00> : vector<1024xf32>
    %reduce_sum3A_217 = vector.multi_reduction <add>, %mul3A_215, %reduce_sum3A_216 [1] : vector<1024x256xf32> to vector<1024xf32>
    %broadcast_in_dim3A_218 = vector.shape_cast %reduce_sum3A_217 : vector<1024xf32> to vector<1024x1xf32>
    %div3A_219 = arith.constant 2.560000e+02 : f32
    %div3A_220 = vector.broadcast %div3A_219 : f32 to vector<1024x1xf32>
    %div3A_221 = arith.divf %broadcast_in_dim3A_218, %div3A_220 : vector<1024x1xf32>
    %sub3A_222 = vector.broadcast %div3A_221 : vector<1024x1xf32> to vector<1024x256xf32>
    %sub3A_223 = arith.subf %mul3A_215, %sub3A_222 : vector<1024x256xf32>
    %integer_pow3A_224 = arith.mulf %sub3A_223, %sub3A_223 : vector<1024x256xf32>
    %reduce_sum3A_225 = arith.constant dense<0.000000e+00> : vector<1024xf32>
    %reduce_sum3A_226 = vector.multi_reduction <add>, %integer_pow3A_224, %reduce_sum3A_225 [1] : vector<1024x256xf32> to vector<1024xf32>
    %broadcast_in_dim3A_227 = vector.shape_cast %reduce_sum3A_226 : vector<1024xf32> to vector<1024x1xf32>
    %div3A_228 = arith.constant 2.560000e+02 : f32
    %div3A_229 = vector.broadcast %div3A_228 : f32 to vector<1024x1xf32>
    %div3A_230 = arith.divf %broadcast_in_dim3A_227, %div3A_229 : vector<1024x1xf32>
    %sub3A_231 = vector.broadcast %div3A_221 : vector<1024x1xf32> to vector<1024x256xf32>
    %sub3A_232 = arith.subf %mul3A_215, %sub3A_231 : vector<1024x256xf32>
    %add3A_233 = arith.constant 9.99999974E-6 : f32
    %add3A_234 = vector.broadcast %add3A_233 : f32 to vector<1024x1xf32>
    %add3A_235 = arith.addf %div3A_230, %add3A_234 : vector<1024x1xf32>
    %rsqrt3A_236 = math.rsqrt %add3A_235 : vector<1024x1xf32>
    %mul3A_237 = vector.broadcast %rsqrt3A_236 : vector<1024x1xf32> to vector<1024x256xf32>
    %mul3A_238 = arith.mulf %sub3A_232, %mul3A_237 : vector<1024x256xf32>
    %mul3A_239 = vector.broadcast %get3A_28 : vector<1x256xf32> to vector<1024x256xf32>
    %mul3A_240 = arith.mulf %mul3A_238, %mul3A_239 : vector<1024x256xf32>
    %add3A_241 = vector.broadcast %get3A_31 : vector<1x256xf32> to vector<1024x256xf32>
    %add3A_242 = arith.addf %mul3A_240, %add3A_241 : vector<1024x256xf32>
    %get3A_243 = arith.constant 0 : index
    %get3A_244 = arith.constant 0 : index
    %get3A_245 = vector.load %arg17[%get3A_243, %get3A_244] : memref<256x256xf32, #tpu.memory_space<vmem>>, vector<256x256xf32>
    %get3A_246 = arith.constant 0 : index
    %get3A_247 = arith.constant 0 : index
    %get3A_248 = vector.load %arg18[%get3A_246, %get3A_247] : memref<1x256xf32, #tpu.memory_space<vmem>>, vector<1x256xf32>
    %get3A_249 = arith.constant 0 : index
    %get3A_250 = arith.constant 0 : index
    %get3A_251 = vector.load %arg19[%get3A_249, %get3A_250] : memref<256x256xf32, #tpu.memory_space<vmem>>, vector<256x256xf32>
    %get3A_252 = arith.constant 0 : index
    %get3A_253 = arith.constant 0 : index
    %get3A_254 = vector.load %arg20[%get3A_252, %get3A_253] : memref<1x256xf32, #tpu.memory_space<vmem>>, vector<1x256xf32>
    %get3A_255 = arith.constant 0 : index
    %get3A_256 = arith.constant 0 : index
    %get3A_257 = vector.load %arg21[%get3A_255, %get3A_256] : memref<256x256xf32, #tpu.memory_space<vmem>>, vector<256x256xf32>
    %get3A_258 = arith.constant 0 : index
    %get3A_259 = arith.constant 0 : index
    %get3A_260 = vector.load %arg22[%get3A_258, %get3A_259] : memref<1x256xf32, #tpu.memory_space<vmem>>, vector<1x256xf32>
    %get3A_261 = arith.constant 0 : index
    %get3A_262 = arith.constant 0 : index
    %get3A_263 = vector.load %arg23[%get3A_261, %get3A_262] : memref<256x256xf32, #tpu.memory_space<vmem>>, vector<256x256xf32>
    %get3A_264 = arith.constant 0 : index
    %get3A_265 = arith.constant 0 : index
    %get3A_266 = vector.load %arg24[%get3A_264, %get3A_265] : memref<1x256xf32, #tpu.memory_space<vmem>>, vector<1x256xf32>
    %get3A_267 = arith.constant 0 : index
    %get3A_268 = arith.constant 0 : index
    %get3A_269 = vector.load %arg25[%get3A_267, %get3A_268] : memref<256x256xf32, #tpu.memory_space<vmem>>, vector<256x256xf32>
    %get3A_270 = arith.constant 0 : index
    %get3A_271 = arith.constant 0 : index
    %get3A_272 = vector.load %arg26[%get3A_270, %get3A_271] : memref<1x256xf32, #tpu.memory_space<vmem>>, vector<1x256xf32>
    %get3A_273 = arith.constant 0 : index
    %get3A_274 = arith.constant 0 : index
    %get3A_275 = vector.load %arg27[%get3A_273, %get3A_274] : memref<1x256xf32, #tpu.memory_space<vmem>>, vector<1x256xf32>
    %get3A_276 = arith.constant 0 : index
    %get3A_277 = arith.constant 0 : index
    %get3A_278 = vector.load %arg28[%get3A_276, %get3A_277] : memref<1x256xf32, #tpu.memory_space<vmem>>, vector<1x256xf32>
    %get3A_279 = arith.constant 0 : index
    %get3A_280 = arith.constant 0 : index
    %get3A_281 = vector.load %arg29[%get3A_279, %get3A_280] : memref<256x1024xf32, #tpu.memory_space<vmem>>, vector<256x1024xf32>
    %get3A_282 = arith.constant 0 : index
    %get3A_283 = arith.constant 0 : index
    %get3A_284 = vector.load %arg30[%get3A_282, %get3A_283] : memref<1x1024xf32, #tpu.memory_space<vmem>>, vector<1x1024xf32>
    %get3A_285 = arith.constant 0 : index
    %get3A_286 = arith.constant 0 : index
    %get3A_287 = vector.load %arg31[%get3A_285, %get3A_286] : memref<1024x256xf32, #tpu.memory_space<vmem>>, vector<1024x256xf32>
    %get3A_288 = arith.constant 0 : index
    %get3A_289 = arith.constant 0 : index
    %get3A_290 = vector.load %arg32[%get3A_288, %get3A_289] : memref<1x256xf32, #tpu.memory_space<vmem>>, vector<1x256xf32>
    %get3A_291 = arith.constant 0 : index
    %get3A_292 = arith.constant 0 : index
    %get3A_293 = vector.load %arg33[%get3A_291, %get3A_292] : memref<1x256xf32, #tpu.memory_space<vmem>>, vector<1x256xf32>
    %get3A_294 = arith.constant 0 : index
    %get3A_295 = arith.constant 0 : index
    %get3A_296 = vector.load %arg34[%get3A_294, %get3A_295] : memref<1x256xf32, #tpu.memory_space<vmem>>, vector<1x256xf32>
    %dot_general3A_297 = arith.constant dense<0.000000e+00> : vector<1024x256xf32>
    %dot_general3A_298 = tpu.matmul %add3A_242, %get3A_245, %dot_general3A_297 {dimension_numbers = #tpu.dot_dimension_numbers<[1], [0], [0], [1], [0, 0, 1, 1], [], []>, transpose_lhs_hint = false} : vector<1024x256xf32>, vector<256x256xf32>, vector<1024x256xf32> -> vector<1024x256xf32>
    %add3A_299 = vector.broadcast %get3A_248 : vector<1x256xf32> to vector<1024x256xf32>
    %add3A_300 = arith.addf %dot_general3A_298, %add3A_299 : vector<1024x256xf32>
    %dot_general3A_301 = arith.constant dense<0.000000e+00> : vector<1024x256xf32>
    %dot_general3A_302 = tpu.matmul %add3A_300, %get3A_251, %dot_general3A_301 {dimension_numbers = #tpu.dot_dimension_numbers<[1], [0], [0], [1], [0, 0, 1, 1], [], []>, transpose_lhs_hint = false} : vector<1024x256xf32>, vector<256x256xf32>, vector<1024x256xf32> -> vector<1024x256xf32>
    %add3A_303 = vector.broadcast %get3A_254 : vector<1x256xf32> to vector<1024x256xf32>
    %add3A_304 = arith.addf %dot_general3A_302, %add3A_303 : vector<1024x256xf32>
    %dot_general3A_305 = arith.constant dense<0.000000e+00> : vector<1024x256xf32>
    %dot_general3A_306 = tpu.matmul %add3A_300, %get3A_257, %dot_general3A_305 {dimension_numbers = #tpu.dot_dimension_numbers<[1], [0], [0], [1], [0, 0, 1, 1], [], []>, transpose_lhs_hint = false} : vector<1024x256xf32>, vector<256x256xf32>, vector<1024x256xf32> -> vector<1024x256xf32>
    %add3A_307 = vector.broadcast %get3A_260 : vector<1x256xf32> to vector<1024x256xf32>
    %add3A_308 = arith.addf %dot_general3A_306, %add3A_307 : vector<1024x256xf32>
    %dot_general3A_309 = arith.constant dense<0.000000e+00> : vector<1024x256xf32>
    %dot_general3A_310 = tpu.matmul %add3A_300, %get3A_263, %dot_general3A_309 {dimension_numbers = #tpu.dot_dimension_numbers<[1], [0], [0], [1], [0, 0, 1, 1], [], []>, transpose_lhs_hint = false} : vector<1024x256xf32>, vector<256x256xf32>, vector<1024x256xf32> -> vector<1024x256xf32>
    %add3A_311 = vector.broadcast %get3A_266 : vector<1x256xf32> to vector<1024x256xf32>
    %add3A_312 = arith.addf %dot_general3A_310, %add3A_311 : vector<1024x256xf32>
    %slice3A_313 = vector.extract_strided_slice %add3A_304 {offsets = [0, 0], sizes = [1024, 32], strides = [1, 1]} : vector<1024x256xf32> to vector<1024x32xf32>
    %slice3A_314 = vector.extract_strided_slice %add3A_308 {offsets = [0, 0], sizes = [1024, 32], strides = [1, 1]} : vector<1024x256xf32> to vector<1024x32xf32>
    %dot_general3A_315 = arith.constant dense<0.000000e+00> : vector<1024x1024xf32>
    %dot_general3A_316 = tpu.matmul %slice3A_313, %slice3A_314, %dot_general3A_315 {dimension_numbers = #tpu.dot_dimension_numbers<[1], [1], [0], [0], [0, 0, 1, 0], [], []>, transpose_lhs_hint = false} : vector<1024x32xf32>, vector<1024x32xf32>, vector<1024x1024xf32> -> vector<1024x1024xf32>
    %mul3A_317 = arith.constant 0.176776692 : f32
    %mul3A_318 = vector.broadcast %mul3A_317 : f32 to vector<1024x1024xf32>
    %mul3A_319 = arith.mulf %dot_general3A_316, %mul3A_318 : vector<1024x1024xf32>
    %reduce_max3A = arith.constant dense<0xFF800000> : vector<1024xf32>
    %reduce_max3A_320 = vector.multi_reduction <maximumf>, %mul3A_319, %reduce_max3A [1] : vector<1024x1024xf32> to vector<1024xf32>
    %broadcast_in_dim3A_321 = vector.shape_cast %reduce_max3A_320 : vector<1024xf32> to vector<1024x1xf32>
    %sub3A_322 = vector.broadcast %broadcast_in_dim3A_321 : vector<1024x1xf32> to vector<1024x1024xf32>
    %sub3A_323 = arith.subf %mul3A_319, %sub3A_322 : vector<1024x1024xf32>
    %exp3A = math.exp %sub3A_323 : vector<1024x1024xf32>
    %reduce_sum3A_324 = arith.constant dense<0.000000e+00> : vector<1024xf32>
    %reduce_sum3A_325 = vector.multi_reduction <add>, %exp3A, %reduce_sum3A_324 [1] : vector<1024x1024xf32> to vector<1024xf32>
    %broadcast_in_dim3A_326 = vector.shape_cast %reduce_sum3A_325 : vector<1024xf32> to vector<1024x1xf32>
    %div3A_327 = vector.broadcast %broadcast_in_dim3A_326 : vector<1024x1xf32> to vector<1024x1024xf32>
    %div3A_328 = arith.divf %exp3A, %div3A_327 : vector<1024x1024xf32>
    %slice3A_329 = vector.extract_strided_slice %add3A_312 {offsets = [0, 0], sizes = [1024, 32], strides = [1, 1]} : vector<1024x256xf32> to vector<1024x32xf32>
    %dot_general3A_330 = arith.constant dense<0.000000e+00> : vector<1024x32xf32>
    %dot_general3A_331 = tpu.matmul %div3A_328, %slice3A_329, %dot_general3A_330 {dimension_numbers = #tpu.dot_dimension_numbers<[1], [0], [0], [1], [0, 0, 1, 1], [], []>, transpose_lhs_hint = false} : vector<1024x1024xf32>, vector<1024x32xf32>, vector<1024x32xf32> -> vector<1024x32xf32>
    %slice3A_332 = vector.extract_strided_slice %add3A_304 {offsets = [0, 32], sizes = [1024, 32], strides = [1, 1]} : vector<1024x256xf32> to vector<1024x32xf32>
    %slice3A_333 = vector.extract_strided_slice %add3A_308 {offsets = [0, 32], sizes = [1024, 32], strides = [1, 1]} : vector<1024x256xf32> to vector<1024x32xf32>
    %dot_general3A_334 = arith.constant dense<0.000000e+00> : vector<1024x1024xf32>
    %dot_general3A_335 = tpu.matmul %slice3A_332, %slice3A_333, %dot_general3A_334 {dimension_numbers = #tpu.dot_dimension_numbers<[1], [1], [0], [0], [0, 0, 1, 0], [], []>, transpose_lhs_hint = false} : vector<1024x32xf32>, vector<1024x32xf32>, vector<1024x1024xf32> -> vector<1024x1024xf32>
    %mul3A_336 = arith.constant 0.176776692 : f32
    %mul3A_337 = vector.broadcast %mul3A_336 : f32 to vector<1024x1024xf32>
    %mul3A_338 = arith.mulf %dot_general3A_335, %mul3A_337 : vector<1024x1024xf32>
    %reduce_max3A_339 = arith.constant dense<0xFF800000> : vector<1024xf32>
    %reduce_max3A_340 = vector.multi_reduction <maximumf>, %mul3A_338, %reduce_max3A_339 [1] : vector<1024x1024xf32> to vector<1024xf32>
    %broadcast_in_dim3A_341 = vector.shape_cast %reduce_max3A_340 : vector<1024xf32> to vector<1024x1xf32>
    %sub3A_342 = vector.broadcast %broadcast_in_dim3A_341 : vector<1024x1xf32> to vector<1024x1024xf32>
    %sub3A_343 = arith.subf %mul3A_338, %sub3A_342 : vector<1024x1024xf32>
    %exp3A_344 = math.exp %sub3A_343 : vector<1024x1024xf32>
    %reduce_sum3A_345 = arith.constant dense<0.000000e+00> : vector<1024xf32>
    %reduce_sum3A_346 = vector.multi_reduction <add>, %exp3A_344, %reduce_sum3A_345 [1] : vector<1024x1024xf32> to vector<1024xf32>
    %broadcast_in_dim3A_347 = vector.shape_cast %reduce_sum3A_346 : vector<1024xf32> to vector<1024x1xf32>
    %div3A_348 = vector.broadcast %broadcast_in_dim3A_347 : vector<1024x1xf32> to vector<1024x1024xf32>
    %div3A_349 = arith.divf %exp3A_344, %div3A_348 : vector<1024x1024xf32>
    %slice3A_350 = vector.extract_strided_slice %add3A_312 {offsets = [0, 32], sizes = [1024, 32], strides = [1, 1]} : vector<1024x256xf32> to vector<1024x32xf32>
    %dot_general3A_351 = arith.constant dense<0.000000e+00> : vector<1024x32xf32>
    %dot_general3A_352 = tpu.matmul %div3A_349, %slice3A_350, %dot_general3A_351 {dimension_numbers = #tpu.dot_dimension_numbers<[1], [0], [0], [1], [0, 0, 1, 1], [], []>, transpose_lhs_hint = false} : vector<1024x1024xf32>, vector<1024x32xf32>, vector<1024x32xf32> -> vector<1024x32xf32>
    %slice3A_353 = vector.extract_strided_slice %add3A_304 {offsets = [0, 64], sizes = [1024, 32], strides = [1, 1]} : vector<1024x256xf32> to vector<1024x32xf32>
    %slice3A_354 = vector.extract_strided_slice %add3A_308 {offsets = [0, 64], sizes = [1024, 32], strides = [1, 1]} : vector<1024x256xf32> to vector<1024x32xf32>
    %dot_general3A_355 = arith.constant dense<0.000000e+00> : vector<1024x1024xf32>
    %dot_general3A_356 = tpu.matmul %slice3A_353, %slice3A_354, %dot_general3A_355 {dimension_numbers = #tpu.dot_dimension_numbers<[1], [1], [0], [0], [0, 0, 1, 0], [], []>, transpose_lhs_hint = false} : vector<1024x32xf32>, vector<1024x32xf32>, vector<1024x1024xf32> -> vector<1024x1024xf32>
    %mul3A_357 = arith.constant 0.176776692 : f32
    %mul3A_358 = vector.broadcast %mul3A_357 : f32 to vector<1024x1024xf32>
    %mul3A_359 = arith.mulf %dot_general3A_356, %mul3A_358 : vector<1024x1024xf32>
    %reduce_max3A_360 = arith.constant dense<0xFF800000> : vector<1024xf32>
    %reduce_max3A_361 = vector.multi_reduction <maximumf>, %mul3A_359, %reduce_max3A_360 [1] : vector<1024x1024xf32> to vector<1024xf32>
    %broadcast_in_dim3A_362 = vector.shape_cast %reduce_max3A_361 : vector<1024xf32> to vector<1024x1xf32>
    %sub3A_363 = vector.broadcast %broadcast_in_dim3A_362 : vector<1024x1xf32> to vector<1024x1024xf32>
    %sub3A_364 = arith.subf %mul3A_359, %sub3A_363 : vector<1024x1024xf32>
    %exp3A_365 = math.exp %sub3A_364 : vector<1024x1024xf32>
    %reduce_sum3A_366 = arith.constant dense<0.000000e+00> : vector<1024xf32>
    %reduce_sum3A_367 = vector.multi_reduction <add>, %exp3A_365, %reduce_sum3A_366 [1] : vector<1024x1024xf32> to vector<1024xf32>
    %broadcast_in_dim3A_368 = vector.shape_cast %reduce_sum3A_367 : vector<1024xf32> to vector<1024x1xf32>
    %div3A_369 = vector.broadcast %broadcast_in_dim3A_368 : vector<1024x1xf32> to vector<1024x1024xf32>
    %div3A_370 = arith.divf %exp3A_365, %div3A_369 : vector<1024x1024xf32>
    %slice3A_371 = vector.extract_strided_slice %add3A_312 {offsets = [0, 64], sizes = [1024, 32], strides = [1, 1]} : vector<1024x256xf32> to vector<1024x32xf32>
    %dot_general3A_372 = arith.constant dense<0.000000e+00> : vector<1024x32xf32>
    %dot_general3A_373 = tpu.matmul %div3A_370, %slice3A_371, %dot_general3A_372 {dimension_numbers = #tpu.dot_dimension_numbers<[1], [0], [0], [1], [0, 0, 1, 1], [], []>, transpose_lhs_hint = false} : vector<1024x1024xf32>, vector<1024x32xf32>, vector<1024x32xf32> -> vector<1024x32xf32>
    %slice3A_374 = vector.extract_strided_slice %add3A_304 {offsets = [0, 96], sizes = [1024, 32], strides = [1, 1]} : vector<1024x256xf32> to vector<1024x32xf32>
    %slice3A_375 = vector.extract_strided_slice %add3A_308 {offsets = [0, 96], sizes = [1024, 32], strides = [1, 1]} : vector<1024x256xf32> to vector<1024x32xf32>
    %dot_general3A_376 = arith.constant dense<0.000000e+00> : vector<1024x1024xf32>
    %dot_general3A_377 = tpu.matmul %slice3A_374, %slice3A_375, %dot_general3A_376 {dimension_numbers = #tpu.dot_dimension_numbers<[1], [1], [0], [0], [0, 0, 1, 0], [], []>, transpose_lhs_hint = false} : vector<1024x32xf32>, vector<1024x32xf32>, vector<1024x1024xf32> -> vector<1024x1024xf32>
    %mul3A_378 = arith.constant 0.176776692 : f32
    %mul3A_379 = vector.broadcast %mul3A_378 : f32 to vector<1024x1024xf32>
    %mul3A_380 = arith.mulf %dot_general3A_377, %mul3A_379 : vector<1024x1024xf32>
    %reduce_max3A_381 = arith.constant dense<0xFF800000> : vector<1024xf32>
    %reduce_max3A_382 = vector.multi_reduction <maximumf>, %mul3A_380, %reduce_max3A_381 [1] : vector<1024x1024xf32> to vector<1024xf32>
    %broadcast_in_dim3A_383 = vector.shape_cast %reduce_max3A_382 : vector<1024xf32> to vector<1024x1xf32>
    %sub3A_384 = vector.broadcast %broadcast_in_dim3A_383 : vector<1024x1xf32> to vector<1024x1024xf32>
    %sub3A_385 = arith.subf %mul3A_380, %sub3A_384 : vector<1024x1024xf32>
    %exp3A_386 = math.exp %sub3A_385 : vector<1024x1024xf32>
    %reduce_sum3A_387 = arith.constant dense<0.000000e+00> : vector<1024xf32>
    %reduce_sum3A_388 = vector.multi_reduction <add>, %exp3A_386, %reduce_sum3A_387 [1] : vector<1024x1024xf32> to vector<1024xf32>
    %broadcast_in_dim3A_389 = vector.shape_cast %reduce_sum3A_388 : vector<1024xf32> to vector<1024x1xf32>
    %div3A_390 = vector.broadcast %broadcast_in_dim3A_389 : vector<1024x1xf32> to vector<1024x1024xf32>
    %div3A_391 = arith.divf %exp3A_386, %div3A_390 : vector<1024x1024xf32>
    %slice3A_392 = vector.extract_strided_slice %add3A_312 {offsets = [0, 96], sizes = [1024, 32], strides = [1, 1]} : vector<1024x256xf32> to vector<1024x32xf32>
    %dot_general3A_393 = arith.constant dense<0.000000e+00> : vector<1024x32xf32>
    %dot_general3A_394 = tpu.matmul %div3A_391, %slice3A_392, %dot_general3A_393 {dimension_numbers = #tpu.dot_dimension_numbers<[1], [0], [0], [1], [0, 0, 1, 1], [], []>, transpose_lhs_hint = false} : vector<1024x1024xf32>, vector<1024x32xf32>, vector<1024x32xf32> -> vector<1024x32xf32>
    %slice3A_395 = vector.extract_strided_slice %add3A_304 {offsets = [0, 128], sizes = [1024, 32], strides = [1, 1]} : vector<1024x256xf32> to vector<1024x32xf32>
    %slice3A_396 = vector.extract_strided_slice %add3A_308 {offsets = [0, 128], sizes = [1024, 32], strides = [1, 1]} : vector<1024x256xf32> to vector<1024x32xf32>
    %dot_general3A_397 = arith.constant dense<0.000000e+00> : vector<1024x1024xf32>
    %dot_general3A_398 = tpu.matmul %slice3A_395, %slice3A_396, %dot_general3A_397 {dimension_numbers = #tpu.dot_dimension_numbers<[1], [1], [0], [0], [0, 0, 1, 0], [], []>, transpose_lhs_hint = false} : vector<1024x32xf32>, vector<1024x32xf32>, vector<1024x1024xf32> -> vector<1024x1024xf32>
    %mul3A_399 = arith.constant 0.176776692 : f32
    %mul3A_400 = vector.broadcast %mul3A_399 : f32 to vector<1024x1024xf32>
    %mul3A_401 = arith.mulf %dot_general3A_398, %mul3A_400 : vector<1024x1024xf32>
    %reduce_max3A_402 = arith.constant dense<0xFF800000> : vector<1024xf32>
    %reduce_max3A_403 = vector.multi_reduction <maximumf>, %mul3A_401, %reduce_max3A_402 [1] : vector<1024x1024xf32> to vector<1024xf32>
    %broadcast_in_dim3A_404 = vector.shape_cast %reduce_max3A_403 : vector<1024xf32> to vector<1024x1xf32>
    %sub3A_405 = vector.broadcast %broadcast_in_dim3A_404 : vector<1024x1xf32> to vector<1024x1024xf32>
    %sub3A_406 = arith.subf %mul3A_401, %sub3A_405 : vector<1024x1024xf32>
    %exp3A_407 = math.exp %sub3A_406 : vector<1024x1024xf32>
    %reduce_sum3A_408 = arith.constant dense<0.000000e+00> : vector<1024xf32>
    %reduce_sum3A_409 = vector.multi_reduction <add>, %exp3A_407, %reduce_sum3A_408 [1] : vector<1024x1024xf32> to vector<1024xf32>
    %broadcast_in_dim3A_410 = vector.shape_cast %reduce_sum3A_409 : vector<1024xf32> to vector<1024x1xf32>
    %div3A_411 = vector.broadcast %broadcast_in_dim3A_410 : vector<1024x1xf32> to vector<1024x1024xf32>
    %div3A_412 = arith.divf %exp3A_407, %div3A_411 : vector<1024x1024xf32>
    %slice3A_413 = vector.extract_strided_slice %add3A_312 {offsets = [0, 128], sizes = [1024, 32], strides = [1, 1]} : vector<1024x256xf32> to vector<1024x32xf32>
    %dot_general3A_414 = arith.constant dense<0.000000e+00> : vector<1024x32xf32>
    %dot_general3A_415 = tpu.matmul %div3A_412, %slice3A_413, %dot_general3A_414 {dimension_numbers = #tpu.dot_dimension_numbers<[1], [0], [0], [1], [0, 0, 1, 1], [], []>, transpose_lhs_hint = false} : vector<1024x1024xf32>, vector<1024x32xf32>, vector<1024x32xf32> -> vector<1024x32xf32>
    %slice3A_416 = vector.extract_strided_slice %add3A_304 {offsets = [0, 160], sizes = [1024, 32], strides = [1, 1]} : vector<1024x256xf32> to vector<1024x32xf32>
    %slice3A_417 = vector.extract_strided_slice %add3A_308 {offsets = [0, 160], sizes = [1024, 32], strides = [1, 1]} : vector<1024x256xf32> to vector<1024x32xf32>
    %dot_general3A_418 = arith.constant dense<0.000000e+00> : vector<1024x1024xf32>
    %dot_general3A_419 = tpu.matmul %slice3A_416, %slice3A_417, %dot_general3A_418 {dimension_numbers = #tpu.dot_dimension_numbers<[1], [1], [0], [0], [0, 0, 1, 0], [], []>, transpose_lhs_hint = false} : vector<1024x32xf32>, vector<1024x32xf32>, vector<1024x1024xf32> -> vector<1024x1024xf32>
    %mul3A_420 = arith.constant 0.176776692 : f32
    %mul3A_421 = vector.broadcast %mul3A_420 : f32 to vector<1024x1024xf32>
    %mul3A_422 = arith.mulf %dot_general3A_419, %mul3A_421 : vector<1024x1024xf32>
    %reduce_max3A_423 = arith.constant dense<0xFF800000> : vector<1024xf32>
    %reduce_max3A_424 = vector.multi_reduction <maximumf>, %mul3A_422, %reduce_max3A_423 [1] : vector<1024x1024xf32> to vector<1024xf32>
    %broadcast_in_dim3A_425 = vector.shape_cast %reduce_max3A_424 : vector<1024xf32> to vector<1024x1xf32>
    %sub3A_426 = vector.broadcast %broadcast_in_dim3A_425 : vector<1024x1xf32> to vector<1024x1024xf32>
    %sub3A_427 = arith.subf %mul3A_422, %sub3A_426 : vector<1024x1024xf32>
    %exp3A_428 = math.exp %sub3A_427 : vector<1024x1024xf32>
    %reduce_sum3A_429 = arith.constant dense<0.000000e+00> : vector<1024xf32>
    %reduce_sum3A_430 = vector.multi_reduction <add>, %exp3A_428, %reduce_sum3A_429 [1] : vector<1024x1024xf32> to vector<1024xf32>
    %broadcast_in_dim3A_431 = vector.shape_cast %reduce_sum3A_430 : vector<1024xf32> to vector<1024x1xf32>
    %div3A_432 = vector.broadcast %broadcast_in_dim3A_431 : vector<1024x1xf32> to vector<1024x1024xf32>
    %div3A_433 = arith.divf %exp3A_428, %div3A_432 : vector<1024x1024xf32>
    %slice3A_434 = vector.extract_strided_slice %add3A_312 {offsets = [0, 160], sizes = [1024, 32], strides = [1, 1]} : vector<1024x256xf32> to vector<1024x32xf32>
    %dot_general3A_435 = arith.constant dense<0.000000e+00> : vector<1024x32xf32>
    %dot_general3A_436 = tpu.matmul %div3A_433, %slice3A_434, %dot_general3A_435 {dimension_numbers = #tpu.dot_dimension_numbers<[1], [0], [0], [1], [0, 0, 1, 1], [], []>, transpose_lhs_hint = false} : vector<1024x1024xf32>, vector<1024x32xf32>, vector<1024x32xf32> -> vector<1024x32xf32>
    %slice3A_437 = vector.extract_strided_slice %add3A_304 {offsets = [0, 192], sizes = [1024, 32], strides = [1, 1]} : vector<1024x256xf32> to vector<1024x32xf32>
    %slice3A_438 = vector.extract_strided_slice %add3A_308 {offsets = [0, 192], sizes = [1024, 32], strides = [1, 1]} : vector<1024x256xf32> to vector<1024x32xf32>
    %dot_general3A_439 = arith.constant dense<0.000000e+00> : vector<1024x1024xf32>
    %dot_general3A_440 = tpu.matmul %slice3A_437, %slice3A_438, %dot_general3A_439 {dimension_numbers = #tpu.dot_dimension_numbers<[1], [1], [0], [0], [0, 0, 1, 0], [], []>, transpose_lhs_hint = false} : vector<1024x32xf32>, vector<1024x32xf32>, vector<1024x1024xf32> -> vector<1024x1024xf32>
    %mul3A_441 = arith.constant 0.176776692 : f32
    %mul3A_442 = vector.broadcast %mul3A_441 : f32 to vector<1024x1024xf32>
    %mul3A_443 = arith.mulf %dot_general3A_440, %mul3A_442 : vector<1024x1024xf32>
    %reduce_max3A_444 = arith.constant dense<0xFF800000> : vector<1024xf32>
    %reduce_max3A_445 = vector.multi_reduction <maximumf>, %mul3A_443, %reduce_max3A_444 [1] : vector<1024x1024xf32> to vector<1024xf32>
    %broadcast_in_dim3A_446 = vector.shape_cast %reduce_max3A_445 : vector<1024xf32> to vector<1024x1xf32>
    %sub3A_447 = vector.broadcast %broadcast_in_dim3A_446 : vector<1024x1xf32> to vector<1024x1024xf32>
    %sub3A_448 = arith.subf %mul3A_443, %sub3A_447 : vector<1024x1024xf32>
    %exp3A_449 = math.exp %sub3A_448 : vector<1024x1024xf32>
    %reduce_sum3A_450 = arith.constant dense<0.000000e+00> : vector<1024xf32>
    %reduce_sum3A_451 = vector.multi_reduction <add>, %exp3A_449, %reduce_sum3A_450 [1] : vector<1024x1024xf32> to vector<1024xf32>
    %broadcast_in_dim3A_452 = vector.shape_cast %reduce_sum3A_451 : vector<1024xf32> to vector<1024x1xf32>
    %div3A_453 = vector.broadcast %broadcast_in_dim3A_452 : vector<1024x1xf32> to vector<1024x1024xf32>
    %div3A_454 = arith.divf %exp3A_449, %div3A_453 : vector<1024x1024xf32>
    %slice3A_455 = vector.extract_strided_slice %add3A_312 {offsets = [0, 192], sizes = [1024, 32], strides = [1, 1]} : vector<1024x256xf32> to vector<1024x32xf32>
    %dot_general3A_456 = arith.constant dense<0.000000e+00> : vector<1024x32xf32>
    %dot_general3A_457 = tpu.matmul %div3A_454, %slice3A_455, %dot_general3A_456 {dimension_numbers = #tpu.dot_dimension_numbers<[1], [0], [0], [1], [0, 0, 1, 1], [], []>, transpose_lhs_hint = false} : vector<1024x1024xf32>, vector<1024x32xf32>, vector<1024x32xf32> -> vector<1024x32xf32>
    %slice3A_458 = vector.extract_strided_slice %add3A_304 {offsets = [0, 224], sizes = [1024, 32], strides = [1, 1]} : vector<1024x256xf32> to vector<1024x32xf32>
    %slice3A_459 = vector.extract_strided_slice %add3A_308 {offsets = [0, 224], sizes = [1024, 32], strides = [1, 1]} : vector<1024x256xf32> to vector<1024x32xf32>
    %dot_general3A_460 = arith.constant dense<0.000000e+00> : vector<1024x1024xf32>
    %dot_general3A_461 = tpu.matmul %slice3A_458, %slice3A_459, %dot_general3A_460 {dimension_numbers = #tpu.dot_dimension_numbers<[1], [1], [0], [0], [0, 0, 1, 0], [], []>, transpose_lhs_hint = false} : vector<1024x32xf32>, vector<1024x32xf32>, vector<1024x1024xf32> -> vector<1024x1024xf32>
    %mul3A_462 = arith.constant 0.176776692 : f32
    %mul3A_463 = vector.broadcast %mul3A_462 : f32 to vector<1024x1024xf32>
    %mul3A_464 = arith.mulf %dot_general3A_461, %mul3A_463 : vector<1024x1024xf32>
    %reduce_max3A_465 = arith.constant dense<0xFF800000> : vector<1024xf32>
    %reduce_max3A_466 = vector.multi_reduction <maximumf>, %mul3A_464, %reduce_max3A_465 [1] : vector<1024x1024xf32> to vector<1024xf32>
    %broadcast_in_dim3A_467 = vector.shape_cast %reduce_max3A_466 : vector<1024xf32> to vector<1024x1xf32>
    %sub3A_468 = vector.broadcast %broadcast_in_dim3A_467 : vector<1024x1xf32> to vector<1024x1024xf32>
    %sub3A_469 = arith.subf %mul3A_464, %sub3A_468 : vector<1024x1024xf32>
    %exp3A_470 = math.exp %sub3A_469 : vector<1024x1024xf32>
    %reduce_sum3A_471 = arith.constant dense<0.000000e+00> : vector<1024xf32>
    %reduce_sum3A_472 = vector.multi_reduction <add>, %exp3A_470, %reduce_sum3A_471 [1] : vector<1024x1024xf32> to vector<1024xf32>
    %broadcast_in_dim3A_473 = vector.shape_cast %reduce_sum3A_472 : vector<1024xf32> to vector<1024x1xf32>
    %div3A_474 = vector.broadcast %broadcast_in_dim3A_473 : vector<1024x1xf32> to vector<1024x1024xf32>
    %div3A_475 = arith.divf %exp3A_470, %div3A_474 : vector<1024x1024xf32>
    %slice3A_476 = vector.extract_strided_slice %add3A_312 {offsets = [0, 224], sizes = [1024, 32], strides = [1, 1]} : vector<1024x256xf32> to vector<1024x32xf32>
    %dot_general3A_477 = arith.constant dense<0.000000e+00> : vector<1024x32xf32>
    %dot_general3A_478 = tpu.matmul %div3A_475, %slice3A_476, %dot_general3A_477 {dimension_numbers = #tpu.dot_dimension_numbers<[1], [0], [0], [1], [0, 0, 1, 1], [], []>, transpose_lhs_hint = false} : vector<1024x1024xf32>, vector<1024x32xf32>, vector<1024x32xf32> -> vector<1024x32xf32>
    %concatenate3A = tpu.concatenate %dot_general3A_331, %dot_general3A_352, %dot_general3A_373, %dot_general3A_394, %dot_general3A_415, %dot_general3A_436, %dot_general3A_457, %dot_general3A_478 in 1 : vector<1024x32xf32>, vector<1024x32xf32>, vector<1024x32xf32>, vector<1024x32xf32>, vector<1024x32xf32>, vector<1024x32xf32>, vector<1024x32xf32>, vector<1024x32xf32> -> vector<1024x256xf32>
    %dot_general3A_479 = arith.constant dense<0.000000e+00> : vector<1024x256xf32>
    %dot_general3A_480 = tpu.matmul %concatenate3A, %get3A_269, %dot_general3A_479 {dimension_numbers = #tpu.dot_dimension_numbers<[1], [0], [0], [1], [0, 0, 1, 1], [], []>, transpose_lhs_hint = false} : vector<1024x256xf32>, vector<256x256xf32>, vector<1024x256xf32> -> vector<1024x256xf32>
    %add3A_481 = vector.broadcast %get3A_272 : vector<1x256xf32> to vector<1024x256xf32>
    %add3A_482 = arith.addf %dot_general3A_480, %add3A_481 : vector<1024x256xf32>
    %add3A_483 = arith.addf %add3A_482, %add3A_242 : vector<1024x256xf32>
    %reduce_sum3A_484 = arith.constant dense<0.000000e+00> : vector<1024xf32>
    %reduce_sum3A_485 = vector.multi_reduction <add>, %add3A_483, %reduce_sum3A_484 [1] : vector<1024x256xf32> to vector<1024xf32>
    %broadcast_in_dim3A_486 = vector.shape_cast %reduce_sum3A_485 : vector<1024xf32> to vector<1024x1xf32>
    %div3A_487 = arith.constant 2.560000e+02 : f32
    %div3A_488 = vector.broadcast %div3A_487 : f32 to vector<1024x1xf32>
    %div3A_489 = arith.divf %broadcast_in_dim3A_486, %div3A_488 : vector<1024x1xf32>
    %sub3A_490 = vector.broadcast %div3A_489 : vector<1024x1xf32> to vector<1024x256xf32>
    %sub3A_491 = arith.subf %add3A_483, %sub3A_490 : vector<1024x256xf32>
    %integer_pow3A_492 = arith.mulf %sub3A_491, %sub3A_491 : vector<1024x256xf32>
    %reduce_sum3A_493 = arith.constant dense<0.000000e+00> : vector<1024xf32>
    %reduce_sum3A_494 = vector.multi_reduction <add>, %integer_pow3A_492, %reduce_sum3A_493 [1] : vector<1024x256xf32> to vector<1024xf32>
    %broadcast_in_dim3A_495 = vector.shape_cast %reduce_sum3A_494 : vector<1024xf32> to vector<1024x1xf32>
    %div3A_496 = arith.constant 2.560000e+02 : f32
    %div3A_497 = vector.broadcast %div3A_496 : f32 to vector<1024x1xf32>
    %div3A_498 = arith.divf %broadcast_in_dim3A_495, %div3A_497 : vector<1024x1xf32>
    %sub3A_499 = vector.broadcast %div3A_489 : vector<1024x1xf32> to vector<1024x256xf32>
    %sub3A_500 = arith.subf %add3A_483, %sub3A_499 : vector<1024x256xf32>
    %add3A_501 = arith.constant 9.99999974E-6 : f32
    %add3A_502 = vector.broadcast %add3A_501 : f32 to vector<1024x1xf32>
    %add3A_503 = arith.addf %div3A_498, %add3A_502 : vector<1024x1xf32>
    %rsqrt3A_504 = math.rsqrt %add3A_503 : vector<1024x1xf32>
    %mul3A_505 = vector.broadcast %rsqrt3A_504 : vector<1024x1xf32> to vector<1024x256xf32>
    %mul3A_506 = arith.mulf %sub3A_500, %mul3A_505 : vector<1024x256xf32>
    %mul3A_507 = vector.broadcast %get3A_275 : vector<1x256xf32> to vector<1024x256xf32>
    %mul3A_508 = arith.mulf %mul3A_506, %mul3A_507 : vector<1024x256xf32>
    %add3A_509 = vector.broadcast %get3A_278 : vector<1x256xf32> to vector<1024x256xf32>
    %add3A_510 = arith.addf %mul3A_508, %add3A_509 : vector<1024x256xf32>
    %dot_general3A_511 = arith.constant dense<0.000000e+00> : vector<1024x1024xf32>
    %dot_general3A_512 = tpu.matmul %add3A_510, %get3A_281, %dot_general3A_511 {dimension_numbers = #tpu.dot_dimension_numbers<[1], [0], [0], [1], [0, 0, 1, 1], [], []>, transpose_lhs_hint = false} : vector<1024x256xf32>, vector<256x1024xf32>, vector<1024x1024xf32> -> vector<1024x1024xf32>
    %add3A_513 = vector.broadcast %get3A_284 : vector<1x1024xf32> to vector<1024x1024xf32>
    %add3A_514 = arith.addf %dot_general3A_512, %add3A_513 : vector<1024x1024xf32>
    %mul3A_515 = arith.constant 5.000000e-01 : f32
    %mul3A_516 = vector.broadcast %mul3A_515 : f32 to vector<1024x1024xf32>
    %mul3A_517 = arith.mulf %mul3A_516, %add3A_514 : vector<1024x1024xf32>
    %mul3A_518 = arith.constant 0.707106769 : f32
    %mul3A_519 = vector.broadcast %mul3A_518 : f32 to vector<1024x1024xf32>
    %mul3A_520 = arith.mulf %add3A_514, %mul3A_519 : vector<1024x1024xf32>
    %erf3A_521 = math.erf %mul3A_520 : vector<1024x1024xf32>
    %add3A_522 = arith.constant 1.000000e+00 : f32
    %add3A_523 = vector.broadcast %add3A_522 : f32 to vector<1024x1024xf32>
    %add3A_524 = arith.addf %add3A_523, %erf3A_521 : vector<1024x1024xf32>
    %mul3A_525 = arith.mulf %mul3A_517, %add3A_524 : vector<1024x1024xf32>
    %dot_general3A_526 = arith.constant dense<0.000000e+00> : vector<1024x256xf32>
    %dot_general3A_527 = tpu.matmul %mul3A_525, %get3A_287, %dot_general3A_526 {dimension_numbers = #tpu.dot_dimension_numbers<[1], [0], [0], [1], [0, 0, 1, 1], [], []>, transpose_lhs_hint = false} : vector<1024x1024xf32>, vector<1024x256xf32>, vector<1024x256xf32> -> vector<1024x256xf32>
    %add3A_528 = vector.broadcast %get3A_290 : vector<1x256xf32> to vector<1024x256xf32>
    %add3A_529 = arith.addf %dot_general3A_527, %add3A_528 : vector<1024x256xf32>
    %add3A_530 = arith.addf %add3A_529, %add3A_510 : vector<1024x256xf32>
    %reduce_sum3A_531 = arith.constant dense<0.000000e+00> : vector<1024xf32>
    %reduce_sum3A_532 = vector.multi_reduction <add>, %add3A_530, %reduce_sum3A_531 [1] : vector<1024x256xf32> to vector<1024xf32>
    %broadcast_in_dim3A_533 = vector.shape_cast %reduce_sum3A_532 : vector<1024xf32> to vector<1024x1xf32>
    %div3A_534 = arith.constant 2.560000e+02 : f32
    %div3A_535 = vector.broadcast %div3A_534 : f32 to vector<1024x1xf32>
    %div3A_536 = arith.divf %broadcast_in_dim3A_533, %div3A_535 : vector<1024x1xf32>
    %sub3A_537 = vector.broadcast %div3A_536 : vector<1024x1xf32> to vector<1024x256xf32>
    %sub3A_538 = arith.subf %add3A_530, %sub3A_537 : vector<1024x256xf32>
    %integer_pow3A_539 = arith.mulf %sub3A_538, %sub3A_538 : vector<1024x256xf32>
    %reduce_sum3A_540 = arith.constant dense<0.000000e+00> : vector<1024xf32>
    %reduce_sum3A_541 = vector.multi_reduction <add>, %integer_pow3A_539, %reduce_sum3A_540 [1] : vector<1024x256xf32> to vector<1024xf32>
    %broadcast_in_dim3A_542 = vector.shape_cast %reduce_sum3A_541 : vector<1024xf32> to vector<1024x1xf32>
    %div3A_543 = arith.constant 2.560000e+02 : f32
    %div3A_544 = vector.broadcast %div3A_543 : f32 to vector<1024x1xf32>
    %div3A_545 = arith.divf %broadcast_in_dim3A_542, %div3A_544 : vector<1024x1xf32>
    %sub3A_546 = vector.broadcast %div3A_536 : vector<1024x1xf32> to vector<1024x256xf32>
    %sub3A_547 = arith.subf %add3A_530, %sub3A_546 : vector<1024x256xf32>
    %add3A_548 = arith.constant 9.99999974E-6 : f32
    %add3A_549 = vector.broadcast %add3A_548 : f32 to vector<1024x1xf32>
    %add3A_550 = arith.addf %div3A_545, %add3A_549 : vector<1024x1xf32>
    %rsqrt3A_551 = math.rsqrt %add3A_550 : vector<1024x1xf32>
    %mul3A_552 = vector.broadcast %rsqrt3A_551 : vector<1024x1xf32> to vector<1024x256xf32>
    %mul3A_553 = arith.mulf %sub3A_547, %mul3A_552 : vector<1024x256xf32>
    %mul3A_554 = vector.broadcast %get3A_293 : vector<1x256xf32> to vector<1024x256xf32>
    %mul3A_555 = arith.mulf %mul3A_553, %mul3A_554 : vector<1024x256xf32>
    %add3A_556 = vector.broadcast %get3A_296 : vector<1x256xf32> to vector<1024x256xf32>
    %add3A_557 = arith.addf %mul3A_555, %add3A_556 : vector<1024x256xf32>
    %swap3A = arith.constant 0 : index
    %swap3A_558 = arith.constant 0 : index
    %swap3A_559 = arith.constant 0 : index
    %swap3A_560 = vector.load %arg35[%swap3A, %swap3A_558, %swap3A_559] : memref<1x1152x256xf32, #tpu.memory_space<vmem>>, vector<1x1024x256xf32>
    %swap3A_561 = vector.shape_cast %swap3A_560 : vector<1x1024x256xf32> to vector<1024x256xf32>
    %swap3A_562 = vector.shape_cast %add3A_557 : vector<1024x256xf32> to vector<1x1024x256xf32>
    tpu.vector_store %arg35[%swap3A, %swap3A_558, %swap3A_559], %swap3A_562 {strides = array<i32>} : memref<1x1152x256xf32, #tpu.memory_space<vmem>>, vector<1x1024x256xf32>,
    %broadcast_in_dim3A_563 = arith.constant 0.000000e+00 : f32
    %broadcast_in_dim3A_564 = vector.broadcast %broadcast_in_dim3A_563 : f32 to vector<128x256xf32>
    %swap3A_565 = arith.constant 0 : index
    %swap3A_566 = arith.constant 1024 : index
    %swap3A_567 = arith.constant 0 : index
    %swap3A_568 = vector.load %arg35[%swap3A_565, %swap3A_566, %swap3A_567] : memref<1x1152x256xf32, #tpu.memory_space<vmem>>, vector<1x128x256xf32>
    %swap3A_569 = vector.shape_cast %swap3A_568 : vector<1x128x256xf32> to vector<128x256xf32>
    %swap3A_570 = vector.shape_cast %broadcast_in_dim3A_564 : vector<128x256xf32> to vector<1x128x256xf32>
    tpu.vector_store %arg35[%swap3A_565, %swap3A_566, %swap3A_567], %swap3A_570 {strides = array<i32>} : memref<1x1152x256xf32, #tpu.memory_space<vmem>>, vector<1x128x256xf32>,
    return
  }
  func.func @transform_0(%arg0: i32) -> (i32, i32, i32) {
    %c0_i32 = arith.constant 0 : i32
    %c0_i32_0 = arith.constant 0 : i32
    %c0_i32_1 = arith.constant 0 : i32
    return %arg0, %c0_i32, %c0_i32_0 : i32, i32, i32
  }
  func.func @transform_1(%arg0: i32) -> (i32, i32, i32) {
    %c0_i32 = arith.constant 0 : i32
    %c0_i32_0 = arith.constant 0 : i32
    %c0_i32_1 = arith.constant 0 : i32
    return %arg0, %c0_i32, %c0_i32_0 : i32, i32, i32
  }
  func.func @transform_2(%arg0: i32) -> (i32, i32, i32) {
    %c0_i32 = arith.constant 0 : i32
    %c0_i32_0 = arith.constant 0 : i32
    %c0_i32_1 = arith.constant 0 : i32
    return %arg0, %c0_i32, %c0_i32_0 : i32, i32, i32
  }
  func.func @transform_3(%arg0: i32) -> (i32, i32, i32) {
    %c0_i32 = arith.constant 0 : i32
    %c0_i32_0 = arith.constant 0 : i32
    %c0_i32_1 = arith.constant 0 : i32
    return %arg0, %c0_i32, %c0_i32_0 : i32, i32, i32
  }
  func.func @transform_4(%arg0: i32) -> (i32, i32, i32) {
    %c0_i32 = arith.constant 0 : i32
    %c0_i32_0 = arith.constant 0 : i32
    %c0_i32_1 = arith.constant 0 : i32
    return %arg0, %c0_i32, %c0_i32_0 : i32, i32, i32
  }
  func.func @transform_5(%arg0: i32) -> (i32, i32) {
    %c0_i32 = arith.constant 0 : i32
    %c0_i32_0 = arith.constant 0 : i32
    %c0_i32_1 = arith.constant 0 : i32
    return %c0_i32, %c0_i32_0 : i32, i32
  }
  func.func @transform_6(%arg0: i32) -> (i32, i32) {
    %c0_i32 = arith.constant 0 : i32
    %c0_i32_0 = arith.constant 0 : i32
    %c0_i32_1 = arith.constant 0 : i32
    return %c0_i32, %c0_i32_0 : i32, i32
  }
  func.func @transform_7(%arg0: i32) -> (i32, i32) {
    %c0_i32 = arith.constant 0 : i32
    %c0_i32_0 = arith.constant 0 : i32
    %c0_i32_1 = arith.constant 0 : i32
    return %c0_i32, %c0_i32_0 : i32, i32
  }
  func.func @transform_8(%arg0: i32) -> (i32, i32) {
    %c0_i32 = arith.constant 0 : i32
    %c0_i32_0 = arith.constant 0 : i32
    %c0_i32_1 = arith.constant 0 : i32
    return %c0_i32, %c0_i32_0 : i32, i32
  }
  func.func @transform_9(%arg0: i32) -> (i32, i32) {
    %c0_i32 = arith.constant 0 : i32
    %c0_i32_0 = arith.constant 0 : i32
    %c0_i32_1 = arith.constant 0 : i32
    return %c0_i32, %c0_i32_0 : i32, i32
  }
  func.func @transform_10(%arg0: i32) -> (i32, i32) {
    %c0_i32 = arith.constant 0 : i32
    %c0_i32_0 = arith.constant 0 : i32
    %c0_i32_1 = arith.constant 0 : i32
    return %c0_i32, %c0_i32_0 : i32, i32
  }
  func.func @transform_11(%arg0: i32) -> (i32, i32) {
    %c0_i32 = arith.constant 0 : i32
    %c0_i32_0 = arith.constant 0 : i32
    %c0_i32_1 = arith.constant 0 : i32
    return %c0_i32, %c0_i32_0 : i32, i32
  }
  func.func @transform_12(%arg0: i32) -> (i32, i32) {
    %c0_i32 = arith.constant 0 : i32
    %c0_i32_0 = arith.constant 0 : i32
    %c0_i32_1 = arith.constant 0 : i32
    return %c0_i32, %c0_i32_0 : i32, i32
  }
  func.func @transform_13(%arg0: i32) -> (i32, i32) {
    %c0_i32 = arith.constant 0 : i32
    %c0_i32_0 = arith.constant 0 : i32
    %c0_i32_1 = arith.constant 0 : i32
    return %c0_i32, %c0_i32_0 : i32, i32
  }
  func.func @transform_14(%arg0: i32) -> (i32, i32) {
    %c0_i32 = arith.constant 0 : i32
    %c0_i32_0 = arith.constant 0 : i32
    %c0_i32_1 = arith.constant 0 : i32
    return %c0_i32, %c0_i32_0 : i32, i32
  }
  func.func @transform_15(%arg0: i32) -> (i32, i32) {
    %c0_i32 = arith.constant 0 : i32
    %c0_i32_0 = arith.constant 0 : i32
    %c0_i32_1 = arith.constant 0 : i32
    return %c0_i32, %c0_i32_0 : i32, i32
  }
  func.func @transform_16(%arg0: i32) -> (i32, i32) {
    %c0_i32 = arith.constant 0 : i32
    %c0_i32_0 = arith.constant 0 : i32
    %c0_i32_1 = arith.constant 0 : i32
    return %c0_i32, %c0_i32_0 : i32, i32
  }
  func.func @transform_17(%arg0: i32) -> (i32, i32) {
    %c0_i32 = arith.constant 0 : i32
    %c0_i32_0 = arith.constant 0 : i32
    %c0_i32_1 = arith.constant 0 : i32
    return %c0_i32, %c0_i32_0 : i32, i32
  }
  func.func @transform_18(%arg0: i32) -> (i32, i32) {
    %c0_i32 = arith.constant 0 : i32
    %c0_i32_0 = arith.constant 0 : i32
    %c0_i32_1 = arith.constant 0 : i32
    return %c0_i32, %c0_i32_0 : i32, i32
  }
  func.func @transform_19(%arg0: i32) -> (i32, i32) {
    %c0_i32 = arith.constant 0 : i32
    %c0_i32_0 = arith.constant 0 : i32
    %c0_i32_1 = arith.constant 0 : i32
    return %c0_i32, %c0_i32_0 : i32, i32
  }
  func.func @transform_20(%arg0: i32) -> (i32, i32) {
    %c0_i32 = arith.constant 0 : i32
    %c0_i32_0 = arith.constant 0 : i32
    %c0_i32_1 = arith.constant 0 : i32
    return %c0_i32, %c0_i32_0 : i32, i32
  }
  func.func @transform_21(%arg0: i32) -> (i32, i32) {
    %c0_i32 = arith.constant 0 : i32
    %c0_i32_0 = arith.constant 0 : i32
    %c0_i32_1 = arith.constant 0 : i32
    return %c0_i32, %c0_i32_0 : i32, i32
  }
  func.func @transform_22(%arg0: i32) -> (i32, i32) {
    %c0_i32 = arith.constant 0 : i32
    %c0_i32_0 = arith.constant 0 : i32
    %c0_i32_1 = arith.constant 0 : i32
    return %c0_i32, %c0_i32_0 : i32, i32
  }
  func.func @transform_23(%arg0: i32) -> (i32, i32) {
    %c0_i32 = arith.constant 0 : i32
    %c0_i32_0 = arith.constant 0 : i32
    %c0_i32_1 = arith.constant 0 : i32
    return %c0_i32, %c0_i32_0 : i32, i32
  }
  func.func @transform_24(%arg0: i32) -> (i32, i32) {
    %c0_i32 = arith.constant 0 : i32
    %c0_i32_0 = arith.constant 0 : i32
    %c0_i32_1 = arith.constant 0 : i32
    return %c0_i32, %c0_i32_0 : i32, i32
  }
  func.func @transform_25(%arg0: i32) -> (i32, i32) {
    %c0_i32 = arith.constant 0 : i32
    %c0_i32_0 = arith.constant 0 : i32
    %c0_i32_1 = arith.constant 0 : i32
    return %c0_i32, %c0_i32_0 : i32, i32
  }
  func.func @transform_26(%arg0: i32) -> (i32, i32) {
    %c0_i32 = arith.constant 0 : i32
    %c0_i32_0 = arith.constant 0 : i32
    %c0_i32_1 = arith.constant 0 : i32
    return %c0_i32, %c0_i32_0 : i32, i32
  }
  func.func @transform_27(%arg0: i32) -> (i32, i32) {
    %c0_i32 = arith.constant 0 : i32
    %c0_i32_0 = arith.constant 0 : i32
    %c0_i32_1 = arith.constant 0 : i32
    return %c0_i32, %c0_i32_0 : i32, i32
  }
  func.func @transform_28(%arg0: i32) -> (i32, i32) {
    %c0_i32 = arith.constant 0 : i32
    %c0_i32_0 = arith.constant 0 : i32
    %c0_i32_1 = arith.constant 0 : i32
    return %c0_i32, %c0_i32_0 : i32, i32
  }
  func.func @transform_29(%arg0: i32) -> (i32, i32) {
    %c0_i32 = arith.constant 0 : i32
    %c0_i32_0 = arith.constant 0 : i32
    %c0_i32_1 = arith.constant 0 : i32
    return %c0_i32, %c0_i32_0 : i32, i32
  }
  func.func @transform_30(%arg0: i32) -> (i32, i32) {
    %c0_i32 = arith.constant 0 : i32
    %c0_i32_0 = arith.constant 0 : i32
    %c0_i32_1 = arith.constant 0 : i32
    return %c0_i32, %c0_i32_0 : i32, i32
  }
  func.func @transform_31(%arg0: i32) -> (i32, i32) {
    %c0_i32 = arith.constant 0 : i32
    %c0_i32_0 = arith.constant 0 : i32
    %c0_i32_1 = arith.constant 0 : i32
    return %c0_i32, %c0_i32_0 : i32, i32
  }
  func.func @transform_32(%arg0: i32) -> (i32, i32) {
    %c0_i32 = arith.constant 0 : i32
    %c0_i32_0 = arith.constant 0 : i32
    %c0_i32_1 = arith.constant 0 : i32
    return %c0_i32, %c0_i32_0 : i32, i32
  }
  func.func @transform_33(%arg0: i32) -> (i32, i32) {
    %c0_i32 = arith.constant 0 : i32
    %c0_i32_0 = arith.constant 0 : i32
    %c0_i32_1 = arith.constant 0 : i32
    return %c0_i32, %c0_i32_0 : i32, i32
  }
  func.func @transform_34(%arg0: i32) -> (i32, i32, i32) {
    %c0_i32 = arith.constant 0 : i32
    %c0_i32_0 = arith.constant 0 : i32
    %c0_i32_1 = arith.constant 0 : i32
    return %arg0, %c0_i32, %c0_i32_0 : i32, i32, i32
  }
}

</mosaic_0001>

<sc_bundles>
// kernel: kernel.10.cloned.1.call-start
scs
__scs_entry_jumppad:
0x0: {  	(pc) =	sbr.rel $0x88, $3  }
0x1: {  	(tag) =	ssettag $0x0;
	lr =	simm.s32 $0x1  }
0x2: {  	[smem:$0x3F62] =	sst lr;
	_ =	strace $0xD0000000  }
0x3: {  	_ = 	snop  }
0x4: {  	_ = 	snop  }
0x5: {  	_ = 	snop  }
0x6: {  	_ = 	snop  }
0x7: {  	_ = 	snop  }
__scs_overlays_trampoline_lowered:
0x8: {  	[smem:$0x3F71] =	sst s0  }
0x9: {  	[smem:$0x3F72] =	sst s1  }
0xa: {  	[smem:$0x3F73] =	sst s2  }
0xb: {  	[smem:$0x3F74] =	sst s3  }
0xc: {  	[smem:$0x3F75] =	sst s4  }
0xd: {  	[smem:$0x3F76] =	sst s5  }
0xe: {  	[smem:$0x3F77] =	sst s6  }
0xf: {  	[smem:$0x3F78] =	sst s7  }
0x10: {  	[smem:$0x3F79] =	sst s8  }
0x11: {  	[smem:$0x3F7A] =	sst s9;
	s0 =	simm.s32 @!p0 $0x0  }
0x12: {  	s1 =	sld [smem:$0x3F60];
	s0 =	simm.s32 @p0 $0x1  }
0x13: {  	[smem:$0x3F7B] =	sst s0;
	s0 =	simm.s32 @!p1 $0x0  }
0x14: {  	s2 =	sld [smem:$0x3F5F];
	s0 =	simm.s32 @p1 $0x1  }
0x15: {  	[smem:$0x3F7C] =	sst s0;
	s0 =	simm.s32 @!p2 $0x0  }
0x16: {  	s3 =	sld [smem:$0x3FDB];
	s0 =	simm.s32 @p2 $0x1  }
0x17: {  	s4 =	simm.s32 $0x1BF5;
	[smem:$0x3F7E] =	sst s0  }
0x18: {  	s0 =	sld [smem:$0x3F61];
	_ =	swait.ge [sflag:s4], $0x0  }
0x19: {  	s7 =	sld [smem:$0x3F62]  }
0x1a: {  	s8 =	sadd.s32 $0xFFFFE003, lr  }
0x1b: {  	s9 =	sadd.s32 $0xFFFFFEF7, lr;
	s5 =	simm.s32 $0xFFFFFFFF;
	p2 =	slt.u32 s8, $0xFFFFF086  }
0x1c: {  	p1 =	slt.u32 s9, $0xF7A;
	s5 =	simm.s32 @!p2 $0x0  }
0x1d: {  	s5 =	simm.s32 @p1 $0x1;
	p0 =	seq.s32 s7, s2  }
0x1e: {  	s7 =	smul.u32 @!p0 $0xF7A, s2;
	p2 =	seq.s32 @!p0 s5, $0x0  }
0x1f: {  	s9 =	smul.u32 $0xF7A, s1;
	s8 =	simm.s32 @!p0 $0x1BF5;
	p2 =	por !p2, p0  }
0x20: {  	[sflag:s8] =	ssyncset.s32 @!p0 $0xFFFFF086;
	s6 =	sadd.s32 @!p0 s3, s7;
	s7 =	simm.s32 @!p0 $0x108  }
0x21: {  	s3 =	sadd.s32 s3, s9;
	s6 =	sadd.s32 @!p0 $0x88, s6;
	s7 =	simm.s32 @p2 $0x1082  }
0x22: {  	[simem:s7], [sflag:s8] =	dma.local @!p0 [hbm:s6], $0xF7A  }
0x23: {  	s9 =	sor.u32 $0xD0000000, s2;
	s6 =	simm.s32 $0x108;
	_ =	swait.ge @!p0 [sflag:s8], $0x0  }
0x24: {  	s3 =	sadd.s32 $0x88, s3;
	s6 =	simm.s32 @!p1 $0x1082;
	[sflag:s4] =	ssyncset.s32 $0xFFFFF086  }
0x25: {  	[simem:s6], [sflag:s4] =	dma.local [hbm:s3], $0xF7A  }
0x26: {  	[smem:$0x3F62] =	sst s1;
	(tag) =	ssettag s2;
	_ =	strace s9  }
0x27: {  	s1 =	sld [smem:$0x3F72]  }
0x28: {  	s2 =	sld [smem:$0x3F73]  }
0x29: {  	s4 =	sld [smem:$0x3F75]  }
0x2a: {  	p0 =	seq.s32 s5, $0x0;
	s5 =	sld [smem:$0x3F76]  }
0x2b: {  	s6 =	sld [smem:$0x3F77]  }
0x2c: {  	s7 =	sld [smem:$0x3F78]  }
0x2d: {  	s3 =	simm.s32 $0x108;
	s8 =	sld [smem:$0x3F79]  }
0x2e: {  	s3 =	simm.s32 @!p0 $0x1082;
	s9 =	sld [smem:$0x3F7A]  }
0x2f: {  	lr =	sadd.s32 s0, s3;
	s0 =	sld [smem:$0x3F71]  }
0x30: {  	s3 =	sld [smem:$0x3F74]  }
0x31: {  	[smem:$0x3F7D] =	sst s10  }
0x32: {  	s10 =	sld [smem:$0x3F7B];
	_ =	sdelay $0x3  }
0x33: {  	p0 =	seq.s32 s10, $0x1;
	s10 =	sld [smem:$0x3F7D];
	_ =	sdelay $0x3  }
0x34: {  	[smem:$0x3F7D] =	sst s10  }
0x35: {  	s10 =	sld [smem:$0x3F7C];
	_ =	sdelay $0x3  }
0x36: {  	p1 =	seq.s32 s10, $0x1;
	s10 =	sld [smem:$0x3F7D];
	_ =	sdelay $0x3  }
0x37: {  	[smem:$0x3F7D] =	sst s10  }
0x38: {  	s10 =	sld [smem:$0x3F7E]  }
0x39: {  	_ = 	snop;
	(pc) =	sbr.ind lr, $3  }
0x3a: {  	_ = 	snop  }
0x3b: {  	_ = 	snop  }
0x3c: {  	p2 =	seq.s32 s10, $0x1;
	s10 =	sld [smem:$0x3F7D]  }
0x3d: {  	_ =	shalt  }
0x3e: {  	_ =	shalt  }
0x3f: {  	_ =	shalt  }
0x40: {  	_ =	shalt  }
0x41: {  	_ =	shalt  }
0x42: {  	_ =	shalt  }
0x43: {  	_ =	shalt  }
0x44: {  	_ =	shalt  }
0x45: {  	_ =	shalt  }
0x46: {  	_ =	shalt  }
0x47: {  	_ =	shalt  }
0x48: {  	_ =	shalt  }
0x49: {  	_ =	shalt  }
0x4a: {  	_ =	shalt  }
0x4b: {  	_ =	shalt  }
0x4c: {  	_ =	shalt  }
0x4d: {  	_ =	shalt  }
0x4e: {  	_ =	shalt  }
0x4f: {  	_ =	shalt  }
0x50: {  	_ =	shalt  }
0x51: {  	_ =	shalt  }
0x52: {  	_ =	shalt  }
0x53: {  	_ =	shalt  }
0x54: {  	_ =	shalt  }
0x55: {  	_ =	shalt  }
0x56: {  	_ =	shalt  }
0x57: {  	_ =	shalt  }
0x58: {  	_ =	shalt  }
0x59: {  	_ =	shalt  }
0x5a: {  	_ =	shalt  }
0x5b: {  	_ =	shalt  }
0x5c: {  	_ =	shalt  }
0x5d: {  	_ =	shalt  }
0x5e: {  	_ =	shalt  }
0x5f: {  	_ =	shalt  }
0x60: {  	_ =	shalt  }
0x61: {  	_ =	shalt  }
0x62: {  	_ =	shalt  }
0x63: {  	_ =	shalt  }
0x64: {  	_ =	shalt  }
0x65: {  	_ =	shalt  }
0x66: {  	_ =	shalt  }
0x67: {  	_ =	shalt  }
0x68: {  	_ =	shalt  }
0x69: {  	_ =	shalt  }
0x6a: {  	_ =	shalt  }
0x6b: {  	_ =	shalt  }
0x6c: {  	_ =	shalt  }
0x6d: {  	_ =	shalt  }
0x6e: {  	_ =	shalt  }
0x6f: {  	_ =	shalt  }
0x70: {  	_ =	shalt  }
0x71: {  	_ =	shalt  }
0x72: {  	_ =	shalt  }
0x73: {  	_ =	shalt  }
0x74: {  	_ =	shalt  }
0x75: {  	_ =	shalt  }
0x76: {  	_ =	shalt  }
0x77: {  	_ =	shalt  }
0x78: {  	_ =	shalt  }
0x79: {  	_ =	shalt  }
0x7a: {  	_ =	shalt  }
0x7b: {  	_ =	shalt  }
0x7c: {  	_ =	shalt  }
0x7d: {  	_ =	shalt  }
0x7e: {  	_ =	shalt  }
0x7f: {  	_ =	shalt  }
0x80: {  	_ =	shalt  }
0x81: {  	_ =	shalt  }
0x82: {  	_ =	shalt  }
0x83: {  	_ =	shalt  }
0x84: {  	_ =	shalt  }
0x85: {  	_ =	shalt  }
0x86: {  	_ =	shalt  }
0x87: {  	_ =	shalt  }
.Lfunc_end0:
.L_simem_size_0:
called_computation.1_lowered:
.L_overlay_start_0:
0x88: {  	s2 =	sld [smem:$0x3FD9]  }
0x89: {  	s3 =	sld [smem:$0x3FFE];
	_ =	sdelay $0x1  }
0x8a: {  	s1 =	srdreg.scid  }
0x8b: {  	s0 =	sand.u32 $0x1, s1  }
0x8c: {  	s14 =	sshll.u32 s0, $0xA;
	s2 =	sadd.s32 s3, s2  }
0x8d: {  	s2 =	sadd.s32 s2, s14  }
0x8e: {  	[smem:$0x3F89] =	sst s2  }
0x8f: {  	_ = 	snop  }
0x90: {  	s2 =	sld [smem:$0x3FD0];
	_ =	sdelay $0x2  }
0x91: {  	s15 =	simm.s32 $0xA;
	s4 =	simm.s32 $0x10  }
0x92: {  	[smem:s4], [sflag:s15] =	dma.local [hbm:s2], $0x1  }
0x93: {  	_ =	swait.eq [sflag:s15], $0x1  }
0x94: {  	[sflag:s15] =	ssyncset.done $0x0  }
0x95: {  	[sflag:s15] =	ssyncadd.s32 $0xFFFFFFFF  }
0x96: {  	s16 =	sld [smem:$0x10];
	(tm) =	ssettm $0x1  }
0x97: {  	s17 =	sld [smem:$0x3FFB];
	_ =	sdelay $0x3  }
0x98: {  	_ =	strace s17  }
0x99: {  	s3 =	sld [smem:$0x3FFC];
	_ =	sdelay $0x3  }
0x9a: {  	_ =	strace s3  }
0x9b: {  	s3 =	sld [smem:$0x3FFD];
	_ =	sdelay $0x3  }
0x9c: {  	_ =	strace s3  }
0x9d: {  	_ =	strace $0x8FFFFFFF  }
0x9e: {  	s18 =	sld [smem:$0x3FDB];
	_ =	sdelay $0x1  }
0x9f: {  	s19 =	simm.s32 $_scs_section_size  }
0xa0: {  	s5 =	simm.s32 $_size__tile_overlayer_lowered;
	s6 =	simm.s32 $_tile_overlayer_lowered  }
0xa1: {  	s22 =	simm.s32 $0x1BFF;
	s21 =	sshll.u32 s6, $0x1;
	s3 =	sadd.s32 s19, s18  }
0xa2: {  	s7 =	simm.s32 $0x0;
	s20 =	sshll.u32 s5, $0x1;
	s5 =	sadd.s32 s21, s3  }
0xa3: {  	[timem:s7], [sflag:s22] =	dma.local [hbm:s5], s20  }
0xa4: {  	_ =	swait.ge [sflag:s22], s20  }
0xa5: {  	s4 =	ssub.s32 $0x0, s20;
	[sflag:s22] =	ssyncset.done $0x0  }
0xa6: {  	[sflag:s22] =	ssyncadd.s32 s4;
	_ =	sdelay $0x1  }
0xa7: {  	s23 =	simm.s32 $0x1B8B  }
0xa8: {  	_ =	swait.ge [sflag:s23], $0x1  }
0xa9: {  	[sflag:s23] =	ssyncset.done $0x0  }
0xaa: {  	s25 =	simm.s32 $0x1B8E;
	s24 =	sld [smem:$0x3FFE];
	[sflag:s23] =	ssyncadd.s32 $0xFFFFFFFF  }
0xab: {  	s26 =	simm.s32 $execute0_lowered;
	[smem:$0x3FD2] =	sst s25  }
0xac: {  	s5 =	sshll.u32 s26, $0x1;
	_ =	strace $0x80000049;
	[dreg:$0x1] =	wrdreg $0xFFFFFFFF  }
0xad: {  	s28 =	simm.s32 $_size_execute0_lowered;
	s3 =	sadd.s32 s3, s5;
	[dreg:$0x0] =	wrdreg $0x0  }
0xae: {  	s5 =	sshll.u32 s28, $0x1;
	[dreg:$0x2] =	wrdreg s3  }
0xaf: {  	[dreg:$0x3] =	wrdreg s5  }
0xb0: {  	[dreg:$0x4] =	wrdreg $0xC0  }
0xb1: {  	_ =	task [dreg:s7], $0x5FFFF  }
0xb2: {  	[dreg:$0x1] =	wrdreg $0xFFFFFFFF  }
0xb3: {  	[dreg:$0x0] =	wrdreg $0x60  }
0xb4: {  	[dreg:$0x2] =	wrdreg s24  }
0xb5: {  	[dreg:$0x3] =	wrdreg s16  }
0xb6: {  	[dreg:$0x4] =	wrdreg $0x9  }
0xb7: {  	_ =	task.clear_ibuf [dreg:s7], $0x5FFFF;
	_ =	strace $0x90000049  }
0xb8: {  	s29 =	simm.s32 $0x9;
	_ =	strace $0x8000004B  }
0xb9: {  	_ =	swait.ge [sflag:s29], $0x1  }
0xba: {  	[sflag:s29] =	ssyncadd.s32 $0xFFFFFFFF  }
0xbb: {  	_ =	strace $0x9000004B  }
0xbc: {  	_ =	sfence  }
0xbd: {  	s30 =	sld [smem:$0x0];
	_ =	sdelay $0x2  }
0xbe: {  	s31 =	sshll.u32 s1, $0xD;
	s1 =	sshrl.u32 s1, $0x2  }
0xbf: {  	s3 =	sand.u32 $0x4000, s31;
	s1 =	sadd.s32 s1, s30  }
0xc0: {  	s0 =	sor.u32 s3, s0;
	s1 =	sshll.u32 s1, $0x11  }
0xc1: {  	s0 =	sor.u32 s1, s0  }
0xc2: {  	s0 =	sadd.s32 $0x8F2B, s0  }
0xc3: {  	[sflag:s0] =	ssyncadd.remote.s32 $0x1  }
0xc4: {  	_ =	sfence.sel $0xFFFF  }
0xc5: {  	[dreg:$0x0] =	wrdreg $0xFFFFFFFF;
	(pc) =	sbr.abs _section_cstart, $3  }
0xc6: {  	[dreg:$0x1] =	wrdreg $0xFFFFFFFF  }
0xc7: {  	_ =	task.clear_ibuf [dreg:s7], $0x2FFFF;
	_ =	strace $0x9FFFFFFF  }
0xc8: {  	(tm) =	ssettm $0x7FFFFFFF  }
0xc9: {  	_ =	shalt  }
tec
execute0_lowered:
.L_overlay_start_1:
0x0: {  	(tag) =	ssettag $0x1  }
0x1: {  	s4 =	rddreg [dreg:$0x0]  }
0x2: {  	s10 =	rddreg [dreg:$0x1]  }
0x3: {  	s0 =	rddreg [dreg:$0x2];
	s2 =	simm.s32 $0x0;
	s3 =	srdreg.scid  }
0x4: {  	s1 =	stileid.u32;
	s16 =	simm.s32 $0x100;
	s17 =	simm.s32 $0x180  }
0x5: {  	s18 =	simm.s32 $0x200;
	s19 =	simm.s32 $0x280;
	s20 =	simm.s32 $0x300  }
0x6: {  	s21 =	simm.s32 $0x380;
	s22 =	simm.s32 $0x400;
	s23 =	simm.s32 $0xC00  }
0x7: {  	s24 =	simm.s32 $0x1400;
	s25 =	simm.s32 $0x1C00;
	s28 =	simm.s32 $0x2C00  }
0x8: {  	s29 =	simm.s32 $0x3400;
	s30 =	simm.s32 $0x3C00;
	s31 =	simm.s32 $0x1  }
0x9: {  	[smem:$0x7FF] =	sst s2;
	s11 =	sand.u32 $0x1, s3;
	s26 =	sshll.u32 s1, $0x3  }
0xa: {  	s3 =	sadd.s32 $0x9E00, s4;
	s14 =	sshll.u32 s1, $0xB;
	s5 =	sshll.u32 s11, $0xA  }
0xb: {  	s6 =	ssub.s32 $0x2, s11;
	_ =	strace $0x8000004A;
	s15 =	sshll.u32 s11, $0xF  }
0xc: {  	s14 =	sadd.s32 s10, s14;
	s5 =	sor.u32 s26, s5;
	s7 =	sshrl.u32 s6, $0x1  }
0xd: {  	s26 =	simm.s32 $0x2400;
	s12 =	sadd.s32 s5, s4;
	s13 =	ssub.s32 s6, s7  }
0xe: {  	s4 =	sadd.s32 $0x9600, s12;
	s5 =	sadd.s32 $0x9680, s12;
	s6 =	sadd.s32 $0x9700, s12  }
0xf: {  	v2 =	vlaneseq.u32;
	s7 =	sadd.s32 $0x9780, s12;
	s8 =	sadd.s32 $0x9800, s12;
	s9 =	sadd.s32 $0x9880, s12  }
0x10: {  	vm0 =	vmmov $0xffff;
	v1 =	vshrl.u32 v2, $0x3;
	s10 =	sadd.s32 $0x9900, s12;
	s11 =	sadd.s32 $0x9980, s12;
	s12 =	sadd.s32 s15, s14  }
0x11: {  	v0 =	vand.u32 $0x7, v2;
	v2 =	vor.u32 $0x8, v2;
	v1 =	vmul.u32 $0x8, v1;
	s13 =	smax.u32 s13, $0x1;
	s14 =	simm.s32 $0x2;
	s15 =	simm.s32 $0x80  }
.LBB2_1:
0x12: {  	[tilespmem:s2], [sflag:$0x2] =	stream.linear.gather [hbm4b:s4+s2], $0x40, $0x38;
	[tilespmem:$0x4400] =	vst v63  }
0x13: {  	_ =	swait.ge [sflag:s14], $0x40  }
0x14: {  	[sflag:s14] =	ssyncset.done $0x0  }
0x15: {  	[sflag:s14] =	ssyncadd.s32 $0xFFFFFFC0  }
0x16: {  	[tilespmem:s15], [sflag:$0x2] =	stream.linear.gather [hbm4b:s5+s2], $0x40, $0x38;
	[tilespmem:$0x4400] =	vst v63  }
0x17: {  	_ =	swait.ge [sflag:s14], $0x40  }
0x18: {  	[sflag:s14] =	ssyncset.done $0x0  }
0x19: {  	[sflag:s14] =	ssyncadd.s32 $0xFFFFFFC0  }
0x1a: {  	[tilespmem:s16], [sflag:$0x2] =	stream.linear.gather [hbm4b:s6+s2], $0x40, $0x38;
	[tilespmem:$0x4400] =	vst v63  }
0x1b: {  	_ =	swait.ge [sflag:s14], $0x40  }
0x1c: {  	[sflag:s14] =	ssyncset.done $0x0  }
0x1d: {  	[sflag:s14] =	ssyncadd.s32 $0xFFFFFFC0  }
0x1e: {  	[tilespmem:s17], [sflag:$0x2] =	stream.linear.gather [hbm4b:s7+s2], $0x40, $0x38;
	[tilespmem:$0x4400] =	vst v63  }
0x1f: {  	_ =	swait.ge [sflag:s14], $0x40  }
0x20: {  	[sflag:s14] =	ssyncset.done $0x0  }
0x21: {  	[sflag:s14] =	ssyncadd.s32 $0xFFFFFFC0  }
0x22: {  	[tilespmem:s18], [sflag:$0x2] =	stream.linear.gather [hbm4b:s8+s2], $0x40, $0x38;
	[tilespmem:$0x4400] =	vst v63  }
0x23: {  	_ =	swait.ge [sflag:s14], $0x40  }
0x24: {  	[sflag:s14] =	ssyncset.done $0x0  }
0x25: {  	[sflag:s14] =	ssyncadd.s32 $0xFFFFFFC0  }
0x26: {  	[tilespmem:s19], [sflag:$0x2] =	stream.linear.gather [hbm4b:s9+s2], $0x40, $0x38;
	[tilespmem:$0x4400] =	vst v63  }
0x27: {  	_ =	swait.ge [sflag:s14], $0x40  }
0x28: {  	[sflag:s14] =	ssyncset.done $0x0  }
0x29: {  	[sflag:s14] =	ssyncadd.s32 $0xFFFFFFC0  }
0x2a: {  	[tilespmem:s20], [sflag:$0x2] =	stream.linear.gather [hbm4b:s10+s2], $0x40, $0x38;
	[tilespmem:$0x4400] =	vst v63  }
0x2b: {  	_ =	swait.ge [sflag:s14], $0x40  }
0x2c: {  	[sflag:s14] =	ssyncset.done $0x0  }
0x2d: {  	[sflag:s14] =	ssyncadd.s32 $0xFFFFFFC0  }
0x2e: {  	[tilespmem:s21], [sflag:$0x2] =	stream.linear.gather [hbm4b:s11+s2], $0x40, $0x38;
	[tilespmem:$0x4400] =	vst v63  }
0x2f: {  	_ =	swait.ge [sflag:s14], $0x40  }
0x30: {  	[sflag:s14] =	ssyncset.done $0x0  }
0x31: {  	[sflag:s14] =	ssyncadd.s32 $0xFFFFFFC0  }
0x32: {  	v3 =	vld [tilespmem:$0x0];
	_ =	sdelay $0x4  }
0x33: {  	v4 =	vshll.u32 v3, $0x1  }
0x34: {  	v3 =	vand.u32 $0x7, v3;
	v4 =	vand.u32 $0xFFFFFFF0, v4  }
0x35: {  	v3 =	vor.u32 v3, v4  }
0x36: {  	v4 =	vperm.xlane v3, v0;
	_ =	sdelay $0x1  }
0x37: {  	v3 =	vperm.xlane v3, v2;
	v4 =	vadd.s32 v1, v4;
	_ =	sdelay $0x1  }
0x38: {  	v3 =	vadd.s32 v1, v3;
	_ =	sdelay $0x2  }
0x39: {  	[tilespmem:s22], [sflag:$0x1] =	stream.indirect_vreg.gather [hbm4b:s3+s2], $0x80, v4, vm0, $0xb8;
	[tilespmem:$0x4400] =	vst v63  }
0x3a: {  	_ = 	snop  }
0x3b: {  	[tilespmem:s23], [sflag:$0x1] =	stream.indirect_vreg.gather [hbm4b:s3+s2], $0x80, v3, vm0, $0xb8;
	[tilespmem:$0x4400] =	vst v63  }
0x3c: {  	v3 =	vld [tilespmem:$0x10];
	_ =	sdelay $0x4  }
0x3d: {  	v61 =	vshll.u32 v3, $0x1  }
0x3e: {  	v3 =	vand.u32 $0x7, v3;
	v4 =	vand.u32 $0xFFFFFFF0, v61  }
0x3f: {  	v3 =	vor.u32 v3, v4  }
0x40: {  	v4 =	vperm.xlane v3, v0;
	_ =	sdelay $0x1  }
0x41: {  	v3 =	vperm.xlane v3, v2;
	v4 =	vadd.s32 v1, v4;
	_ =	sdelay $0x1  }
0x42: {  	v3 =	vadd.s32 v1, v3;
	_ =	sdelay $0x2  }
0x43: {  	[tilespmem:s24], [sflag:$0x1] =	stream.indirect_vreg.gather [hbm4b:s3+s2], $0x80, v4, vm0, $0xb8;
	[tilespmem:$0x4400] =	vst v63  }
0x44: {  	_ = 	snop  }
0x45: {  	[tilespmem:s25], [sflag:$0x1] =	stream.indirect_vreg.gather [hbm4b:s3+s2], $0x80, v3, vm0, $0xb8;
	[tilespmem:$0x4400] =	vst v63  }
0x46: {  	v3 =	vld [tilespmem:$0x20];
	_ =	sdelay $0x4  }
0x47: {  	v62 =	vshll.u32 v3, $0x1  }
0x48: {  	v3 =	vand.u32 $0x7, v3;
	v4 =	vand.u32 $0xFFFFFFF0, v62  }
0x49: {  	v3 =	vor.u32 v3, v4  }
0x4a: {  	v4 =	vperm.xlane v3, v0;
	_ =	sdelay $0x1  }
0x4b: {  	v3 =	vperm.xlane v3, v2;
	v4 =	vadd.s32 v1, v4;
	_ =	sdelay $0x1  }
0x4c: {  	v3 =	vadd.s32 v1, v3;
	_ =	sdelay $0x2  }
0x4d: {  	[tilespmem:s26], [sflag:$0x1] =	stream.indirect_vreg.gather [hbm4b:s3+s2], $0x80, v4, vm0, $0xb8;
	[tilespmem:$0x4400] =	vst v63  }
0x4e: {  	_ = 	snop  }
0x4f: {  	[tilespmem:s28], [sflag:$0x1] =	stream.indirect_vreg.gather [hbm4b:s3+s2], $0x80, v3, vm0, $0xb8;
	[tilespmem:$0x4400] =	vst v63  }
0x50: {  	v3 =	vld [tilespmem:$0x30];
	_ =	sdelay $0x4  }
0x51: {  	v63 =	vshll.u32 v3, $0x1  }
0x52: {  	v3 =	vand.u32 $0x7, v3;
	v4 =	vand.u32 $0xFFFFFFF0, v63  }
0x53: {  	v3 =	vor.u32 v3, v4  }
0x54: {  	v4 =	vperm.xlane v3, v0;
	_ =	sdelay $0x1  }
0x55: {  	v3 =	vperm.xlane v3, v2;
	v4 =	vadd.s32 v1, v4;
	_ =	sdelay $0x1  }
0x56: {  	v3 =	vadd.s32 v1, v3;
	_ =	sdelay $0x2  }
0x57: {  	[tilespmem:s29], [sflag:$0x1] =	stream.indirect_vreg.gather [hbm4b:s3+s2], $0x80, v4, vm0, $0xb8;
	[tilespmem:$0x4400] =	vst v63  }
0x58: {  	_ = 	snop  }
0x59: {  	[tilespmem:s30], [sflag:$0x1] =	stream.indirect_vreg.gather [hbm4b:s3+s2], $0x80, v3, vm0, $0xb8;
	[tilespmem:$0x4400] =	vst v63  }
0x5a: {  	_ =	swait.ge [sflag:s31], $0x4000  }
0x5b: {  	p0 =	sne.s32 s13, $0x1;
	[sflag:s31] =	ssyncset.done $0x0  }
.Ltmp0:
0x5c: {  	[sflag:s31] =	ssyncadd.s32 $0xFFFFC000;
	(pc) =	sbr.rel @p0 .LBB2_1-.Ltmp0, $4  }
0x5d: {  	[hbm4b:s12+s2] =	stream.linear.scatter [tilespmem:s22], [sflag:$0x2], $0x4000, $0x38;
	[tilespmem:$0x4400] =	vst v63  }
0x5e: {  	_ =	swait.ge [sflag:s14], $0x4000  }
0x5f: {  	[sflag:s14] =	ssyncset.done $0x0  }
0x60: {  	s13 =	sadd.s32 $0xFFFFFFFF, s13;
	[sflag:s14] =	ssyncadd.s32 $0xFFFFC000  }
0x61: {  	_ =	sfence.sel $0x180000  }
0x62: {  	[bflag:$0x0] =	sbarrier.arrive $0xFFFF  }
0x63: {  	p0 =	sne.s32 s1, $0x0;
	_ =	strace $0x9000004A  }
0x64: {  	s0 =	sadd.s32 @!p0 $0x100000, s0;
	[bflag:$0x2] =	sbarrier.arrive $0xFFFF  }
0x65: {  	[sflag:s0] =	ssyncadd.tile.s32 @!p0 $0x1;
	_ =	shalt  }
.Lfunc_end2:
_tile_overlayer_lowered:
.L_overlay_start_2:
0x66: {  	(tag) =	ssettag $0x2  }
0x67: {  	s0 =	rddreg [dreg:$0x0];
	s2 =	stileid.u32  }
0x68: {  	s1 =	rddreg [dreg:$0x1];
	p0 =	sne.s32 s2, $0x0  }
0x69: {  	s3 =	rddreg [dreg:$0x2];
	[bflag:$0x3] =	sbarrier.arrive $0xFFFF;
	s2 =	simm.s32 @!p0 $0x1C02  }
0x6a: {  	[timem:s3], [sflag:s2] =	dma.local @!p0 [hbm:s0], s1  }
0x6b: {  	s0 =	simm.s32 @!p0 $0x2  }
0x6c: {  	_ =	swait.ge @!p0 [sflag:s0], s1  }
0x6d: {  	s1 =	ssub.s32 @!p0 $0x0, s1;
	[sflag:s0] =	ssyncset.done @!p0 $0x0  }
0x6e: {  	[sflag:s0] =	ssyncadd.s32 @!p0 s1  }
0x6f: {  	[bflag:$0x3] =	sbarrier.arrive $0xFFFF  }
0x70: {  	_ =	shalt  }

// kernel: kernel.7.cloned.1.call-start
scs
__scs_entry_jumppad:
0x0: {  	(pc) =	sbr.rel $0x88, $3  }
0x1: {  	(tag) =	ssettag $0x0;
	lr =	simm.s32 $0x1  }
0x2: {  	[smem:$0x3F62] =	sst lr;
	_ =	strace $0xD0000000  }
0x3: {  	_ = 	snop  }
0x4: {  	_ = 	snop  }
0x5: {  	_ = 	snop  }
0x6: {  	_ = 	snop  }
0x7: {  	_ = 	snop  }
__scs_overlays_trampoline_lowered:
0x8: {  	[smem:$0x3F71] =	sst s0  }
0x9: {  	[smem:$0x3F72] =	sst s1  }
0xa: {  	[smem:$0x3F73] =	sst s2  }
0xb: {  	[smem:$0x3F74] =	sst s3  }
0xc: {  	[smem:$0x3F75] =	sst s4  }
0xd: {  	[smem:$0x3F76] =	sst s5  }
0xe: {  	[smem:$0x3F77] =	sst s6  }
0xf: {  	[smem:$0x3F78] =	sst s7  }
0x10: {  	[smem:$0x3F79] =	sst s8  }
0x11: {  	[smem:$0x3F7A] =	sst s9;
	s0 =	simm.s32 @!p0 $0x0  }
0x12: {  	s1 =	sld [smem:$0x3F60];
	s0 =	simm.s32 @p0 $0x1  }
0x13: {  	[smem:$0x3F7B] =	sst s0;
	s0 =	simm.s32 @!p1 $0x0  }
0x14: {  	s2 =	sld [smem:$0x3F5F];
	s0 =	simm.s32 @p1 $0x1  }
0x15: {  	[smem:$0x3F7C] =	sst s0;
	s0 =	simm.s32 @!p2 $0x0  }
0x16: {  	s3 =	sld [smem:$0x3FDB];
	s0 =	simm.s32 @p2 $0x1  }
0x17: {  	s4 =	simm.s32 $0x1BF5;
	[smem:$0x3F7E] =	sst s0  }
0x18: {  	s0 =	sld [smem:$0x3F61];
	_ =	swait.ge [sflag:s4], $0x0  }
0x19: {  	s7 =	sld [smem:$0x3F62]  }
0x1a: {  	s8 =	sadd.s32 $0xFFFFE003, lr  }
0x1b: {  	s9 =	sadd.s32 $0xFFFFFEF7, lr;
	s5 =	simm.s32 $0xFFFFFFFF;
	p2 =	slt.u32 s8, $0xFFFFF086  }
0x1c: {  	p1 =	slt.u32 s9, $0xF7A;
	s5 =	simm.s32 @!p2 $0x0  }
0x1d: {  	s5 =	simm.s32 @p1 $0x1;
	p0 =	seq.s32 s7, s2  }
0x1e: {  	s7 =	smul.u32 @!p0 $0xF7A, s2;
	p2 =	seq.s32 @!p0 s5, $0x0  }
0x1f: {  	s9 =	smul.u32 $0xF7A, s1;
	s8 =	simm.s32 @!p0 $0x1BF5;
	p2 =	por !p2, p0  }
0x20: {  	[sflag:s8] =	ssyncset.s32 @!p0 $0xFFFFF086;
	s6 =	sadd.s32 @!p0 s3, s7;
	s7 =	simm.s32 @!p0 $0x108  }
0x21: {  	s3 =	sadd.s32 s3, s9;
	s6 =	sadd.s32 @!p0 $0x88, s6;
	s7 =	simm.s32 @p2 $0x1082  }
0x22: {  	[simem:s7], [sflag:s8] =	dma.local @!p0 [hbm:s6], $0xF7A  }
0x23: {  	s9 =	sor.u32 $0xD0000000, s2;
	s6 =	simm.s32 $0x108;
	_ =	swait.ge @!p0 [sflag:s8], $0x0  }
0x24: {  	s3 =	sadd.s32 $0x88, s3;
	s6 =	simm.s32 @!p1 $0x1082;
	[sflag:s4] =	ssyncset.s32 $0xFFFFF086  }
0x25: {  	[simem:s6], [sflag:s4] =	dma.local [hbm:s3], $0xF7A  }
0x26: {  	[smem:$0x3F62] =	sst s1;
	(tag) =	ssettag s2;
	_ =	strace s9  }
0x27: {  	s1 =	sld [smem:$0x3F72]  }
0x28: {  	s2 =	sld [smem:$0x3F73]  }
0x29: {  	s4 =	sld [smem:$0x3F75]  }
0x2a: {  	p0 =	seq.s32 s5, $0x0;
	s5 =	sld [smem:$0x3F76]  }
0x2b: {  	s6 =	sld [smem:$0x3F77]  }
0x2c: {  	s7 =	sld [smem:$0x3F78]  }
0x2d: {  	s3 =	simm.s32 $0x108;
	s8 =	sld [smem:$0x3F79]  }
0x2e: {  	s3 =	simm.s32 @!p0 $0x1082;
	s9 =	sld [smem:$0x3F7A]  }
0x2f: {  	lr =	sadd.s32 s0, s3;
	s0 =	sld [smem:$0x3F71]  }
0x30: {  	s3 =	sld [smem:$0x3F74]  }
0x31: {  	[smem:$0x3F7D] =	sst s10  }
0x32: {  	s10 =	sld [smem:$0x3F7B];
	_ =	sdelay $0x3  }
0x33: {  	p0 =	seq.s32 s10, $0x1;
	s10 =	sld [smem:$0x3F7D];
	_ =	sdelay $0x3  }
0x34: {  	[smem:$0x3F7D] =	sst s10  }
0x35: {  	s10 =	sld [smem:$0x3F7C];
	_ =	sdelay $0x3  }
0x36: {  	p1 =	seq.s32 s10, $0x1;
	s10 =	sld [smem:$0x3F7D];
	_ =	sdelay $0x3  }
0x37: {  	[smem:$0x3F7D] =	sst s10  }
0x38: {  	s10 =	sld [smem:$0x3F7E]  }
0x39: {  	_ = 	snop;
	(pc) =	sbr.ind lr, $3  }
0x3a: {  	_ = 	snop  }
0x3b: {  	_ = 	snop  }
0x3c: {  	p2 =	seq.s32 s10, $0x1;
	s10 =	sld [smem:$0x3F7D]  }
0x3d: {  	_ =	shalt  }
0x3e: {  	_ =	shalt  }
0x3f: {  	_ =	shalt  }
0x40: {  	_ =	shalt  }
0x41: {  	_ =	shalt  }
0x42: {  	_ =	shalt  }
0x43: {  	_ =	shalt  }
0x44: {  	_ =	shalt  }
0x45: {  	_ =	shalt  }
0x46: {  	_ =	shalt  }
0x47: {  	_ =	shalt  }
0x48: {  	_ =	shalt  }
0x49: {  	_ =	shalt  }
0x4a: {  	_ =	shalt  }
0x4b: {  	_ =	shalt  }
0x4c: {  	_ =	shalt  }
0x4d: {  	_ =	shalt  }
0x4e: {  	_ =	shalt  }
0x4f: {  	_ =	shalt  }
0x50: {  	_ =	shalt  }
0x51: {  	_ =	shalt  }
0x52: {  	_ =	shalt  }
0x53: {  	_ =	shalt  }
0x54: {  	_ =	shalt  }
0x55: {  	_ =	shalt  }
0x56: {  	_ =	shalt  }
0x57: {  	_ =	shalt  }
0x58: {  	_ =	shalt  }
0x59: {  	_ =	shalt  }
0x5a: {  	_ =	shalt  }
0x5b: {  	_ =	shalt  }
0x5c: {  	_ =	shalt  }
0x5d: {  	_ =	shalt  }
0x5e: {  	_ =	shalt  }
0x5f: {  	_ =	shalt  }
0x60: {  	_ =	shalt  }
0x61: {  	_ =	shalt  }
0x62: {  	_ =	shalt  }
0x63: {  	_ =	shalt  }
0x64: {  	_ =	shalt  }
0x65: {  	_ =	shalt  }
0x66: {  	_ =	shalt  }
0x67: {  	_ =	shalt  }
0x68: {  	_ =	shalt  }
0x69: {  	_ =	shalt  }
0x6a: {  	_ =	shalt  }
0x6b: {  	_ =	shalt  }
0x6c: {  	_ =	shalt  }
0x6d: {  	_ =	shalt  }
0x6e: {  	_ =	shalt  }
0x6f: {  	_ =	shalt  }
0x70: {  	_ =	shalt  }
0x71: {  	_ =	shalt  }
0x72: {  	_ =	shalt  }
0x73: {  	_ =	shalt  }
0x74: {  	_ =	shalt  }
0x75: {  	_ =	shalt  }
0x76: {  	_ =	shalt  }
0x77: {  	_ =	shalt  }
0x78: {  	_ =	shalt  }
0x79: {  	_ =	shalt  }
0x7a: {  	_ =	shalt  }
0x7b: {  	_ =	shalt  }
0x7c: {  	_ =	shalt  }
0x7d: {  	_ =	shalt  }
0x7e: {  	_ =	shalt  }
0x7f: {  	_ =	shalt  }
0x80: {  	_ =	shalt  }
0x81: {  	_ =	shalt  }
0x82: {  	_ =	shalt  }
0x83: {  	_ =	shalt  }
0x84: {  	_ =	shalt  }
0x85: {  	_ =	shalt  }
0x86: {  	_ =	shalt  }
0x87: {  	_ =	shalt  }
.Lfunc_end0:
.L_simem_size_0:
called_computation_lowered:
.L_overlay_start_0:
0x88: {  	s2 =	sld [smem:$0x3FD9]  }
0x89: {  	s3 =	sld [smem:$0x3FFE];
	_ =	sdelay $0x1  }
0x8a: {  	s1 =	srdreg.scid  }
0x8b: {  	s0 =	sand.u32 $0x1, s1  }
0x8c: {  	s14 =	sshll.u32 s0, $0xA;
	s2 =	sadd.s32 s3, s2  }
0x8d: {  	s2 =	sadd.s32 s2, s14  }
0x8e: {  	[smem:$0x3F89] =	sst s2  }
0x8f: {  	_ = 	snop  }
0x90: {  	s2 =	sld [smem:$0x3FD0];
	_ =	sdelay $0x2  }
0x91: {  	s15 =	simm.s32 $0xA;
	s4 =	simm.s32 $0x10  }
0x92: {  	[smem:s4], [sflag:s15] =	dma.local [hbm:s2], $0x1  }
0x93: {  	_ =	swait.eq [sflag:s15], $0x1  }
0x94: {  	[sflag:s15] =	ssyncset.done $0x0  }
0x95: {  	[sflag:s15] =	ssyncadd.s32 $0xFFFFFFFF  }
0x96: {  	s16 =	sld [smem:$0x10];
	(tm) =	ssettm $0x1  }
0x97: {  	s17 =	sld [smem:$0x3FFB];
	_ =	sdelay $0x3  }
0x98: {  	_ =	strace s17  }
0x99: {  	s3 =	sld [smem:$0x3FFC];
	_ =	sdelay $0x3  }
0x9a: {  	_ =	strace s3  }
0x9b: {  	s3 =	sld [smem:$0x3FFD];
	_ =	sdelay $0x3  }
0x9c: {  	_ =	strace s3  }
0x9d: {  	_ =	strace $0x8FFFFFFF  }
0x9e: {  	s18 =	sld [smem:$0x3FDB];
	_ =	sdelay $0x1  }
0x9f: {  	s19 =	simm.s32 $_scs_section_size  }
0xa0: {  	s5 =	simm.s32 $_size__tile_overlayer_lowered;
	s6 =	simm.s32 $_tile_overlayer_lowered  }
0xa1: {  	s22 =	simm.s32 $0x1BFF;
	s21 =	sshll.u32 s6, $0x1;
	s3 =	sadd.s32 s19, s18  }
0xa2: {  	s7 =	simm.s32 $0x0;
	s20 =	sshll.u32 s5, $0x1;
	s5 =	sadd.s32 s21, s3  }
0xa3: {  	[timem:s7], [sflag:s22] =	dma.local [hbm:s5], s20  }
0xa4: {  	_ =	swait.ge [sflag:s22], s20  }
0xa5: {  	s4 =	ssub.s32 $0x0, s20;
	[sflag:s22] =	ssyncset.done $0x0  }
0xa6: {  	[sflag:s22] =	ssyncadd.s32 s4;
	_ =	sdelay $0x1  }
0xa7: {  	s23 =	simm.s32 $0x1B8B  }
0xa8: {  	_ =	swait.ge [sflag:s23], $0x1  }
0xa9: {  	[sflag:s23] =	ssyncset.done $0x0  }
0xaa: {  	s25 =	simm.s32 $0x1B8E;
	s24 =	sld [smem:$0x3FFE];
	[sflag:s23] =	ssyncadd.s32 $0xFFFFFFFF  }
0xab: {  	s26 =	simm.s32 $execute0_lowered;
	[smem:$0x3FD2] =	sst s25  }
0xac: {  	s5 =	sshll.u32 s26, $0x1;
	_ =	strace $0x80000046;
	[dreg:$0x1] =	wrdreg $0xFFFFFFFF  }
0xad: {  	s28 =	simm.s32 $_size_execute0_lowered;
	s3 =	sadd.s32 s3, s5;
	[dreg:$0x0] =	wrdreg $0x0  }
0xae: {  	s5 =	sshll.u32 s28, $0x1;
	[dreg:$0x2] =	wrdreg s3  }
0xaf: {  	[dreg:$0x3] =	wrdreg s5  }
0xb0: {  	[dreg:$0x4] =	wrdreg $0xC0  }
0xb1: {  	_ =	task [dreg:s7], $0x5FFFF  }
0xb2: {  	[dreg:$0x1] =	wrdreg $0xFFFFFFFF  }
0xb3: {  	[dreg:$0x0] =	wrdreg $0x60  }
0xb4: {  	[dreg:$0x2] =	wrdreg s24  }
0xb5: {  	[dreg:$0x3] =	wrdreg s16  }
0xb6: {  	[dreg:$0x4] =	wrdreg $0x9  }
0xb7: {  	_ =	task.clear_ibuf [dreg:s7], $0x5FFFF;
	_ =	strace $0x90000046  }
0xb8: {  	s29 =	simm.s32 $0x9;
	_ =	strace $0x80000048  }
0xb9: {  	_ =	swait.ge [sflag:s29], $0x1  }
0xba: {  	[sflag:s29] =	ssyncadd.s32 $0xFFFFFFFF  }
0xbb: {  	_ =	strace $0x90000048  }
0xbc: {  	_ =	sfence  }
0xbd: {  	s30 =	sld [smem:$0x0];
	_ =	sdelay $0x2  }
0xbe: {  	s31 =	sshll.u32 s1, $0xD;
	s1 =	sshrl.u32 s1, $0x2  }
0xbf: {  	s3 =	sand.u32 $0x4000, s31;
	s1 =	sadd.s32 s1, s30  }
0xc0: {  	s0 =	sor.u32 s3, s0;
	s1 =	sshll.u32 s1, $0x11  }
0xc1: {  	s0 =	sor.u32 s1, s0  }
0xc2: {  	s0 =	sadd.s32 $0x8F2B, s0  }
0xc3: {  	[sflag:s0] =	ssyncadd.remote.s32 $0x1  }
0xc4: {  	_ =	sfence.sel $0xFFFF  }
0xc5: {  	[dreg:$0x0] =	wrdreg $0xFFFFFFFF;
	(pc) =	sbr.abs _section_cstart, $3  }
0xc6: {  	[dreg:$0x1] =	wrdreg $0xFFFFFFFF  }
0xc7: {  	_ =	task.clear_ibuf [dreg:s7], $0x2FFFF;
	_ =	strace $0x9FFFFFFF  }
0xc8: {  	(tm) =	ssettm $0x7FFFFFFF  }
0xc9: {  	_ =	shalt  }
tec
execute0_lowered:
.L_overlay_start_1:
0x0: {  	(tag) =	ssettag $0x1  }
0x1: {  	s4 =	rddreg [dreg:$0x0]  }
0x2: {  	s10 =	rddreg [dreg:$0x1]  }
0x3: {  	s0 =	rddreg [dreg:$0x2];
	s2 =	simm.s32 $0x0;
	s3 =	srdreg.scid  }
0x4: {  	s1 =	stileid.u32;
	s16 =	simm.s32 $0x100;
	s17 =	simm.s32 $0x180  }
0x5: {  	s18 =	simm.s32 $0x200;
	s19 =	simm.s32 $0x280;
	s20 =	simm.s32 $0x300  }
0x6: {  	s21 =	simm.s32 $0x380;
	s22 =	simm.s32 $0x400;
	s23 =	simm.s32 $0xC00  }
0x7: {  	s24 =	simm.s32 $0x1400;
	s25 =	simm.s32 $0x1C00;
	s28 =	simm.s32 $0x2C00  }
0x8: {  	s29 =	simm.s32 $0x3400;
	s30 =	simm.s32 $0x3C00;
	s31 =	simm.s32 $0x1  }
0x9: {  	[smem:$0x7FF] =	sst s2;
	s11 =	sand.u32 $0x1, s3;
	s26 =	sshll.u32 s1, $0x3  }
0xa: {  	s3 =	sadd.s32 $0x9E00, s4;
	s14 =	sshll.u32 s1, $0xB;
	s5 =	sshll.u32 s11, $0xA  }
0xb: {  	s6 =	ssub.s32 $0x2, s11;
	_ =	strace $0x80000047;
	s15 =	sshll.u32 s11, $0xF  }
0xc: {  	s14 =	sadd.s32 s10, s14;
	s5 =	sor.u32 s26, s5;
	s7 =	sshrl.u32 s6, $0x1  }
0xd: {  	s26 =	simm.s32 $0x2400;
	s12 =	sadd.s32 s5, s4;
	s13 =	ssub.s32 s6, s7  }
0xe: {  	s4 =	sadd.s32 $0x9600, s12;
	s5 =	sadd.s32 $0x9680, s12;
	s6 =	sadd.s32 $0x9700, s12  }
0xf: {  	v2 =	vlaneseq.u32;
	s7 =	sadd.s32 $0x9780, s12;
	s8 =	sadd.s32 $0x9800, s12;
	s9 =	sadd.s32 $0x9880, s12  }
0x10: {  	vm0 =	vmmov $0xffff;
	v1 =	vshrl.u32 v2, $0x3;
	s10 =	sadd.s32 $0x9900, s12;
	s11 =	sadd.s32 $0x9980, s12;
	s12 =	sadd.s32 s15, s14  }
0x11: {  	v0 =	vand.u32 $0x7, v2;
	v2 =	vor.u32 $0x8, v2;
	v1 =	vmul.u32 $0x8, v1;
	s13 =	smax.u32 s13, $0x1;
	s14 =	simm.s32 $0x2;
	s15 =	simm.s32 $0x80  }
.LBB2_1:
0x12: {  	[tilespmem:s2], [sflag:$0x2] =	stream.linear.gather [hbm4b:s4+s2], $0x40, $0x38;
	[tilespmem:$0x4400] =	vst v63  }
0x13: {  	_ =	swait.ge [sflag:s14], $0x40  }
0x14: {  	[sflag:s14] =	ssyncset.done $0x0  }
0x15: {  	[sflag:s14] =	ssyncadd.s32 $0xFFFFFFC0  }
0x16: {  	[tilespmem:s15], [sflag:$0x2] =	stream.linear.gather [hbm4b:s5+s2], $0x40, $0x38;
	[tilespmem:$0x4400] =	vst v63  }
0x17: {  	_ =	swait.ge [sflag:s14], $0x40  }
0x18: {  	[sflag:s14] =	ssyncset.done $0x0  }
0x19: {  	[sflag:s14] =	ssyncadd.s32 $0xFFFFFFC0  }
0x1a: {  	[tilespmem:s16], [sflag:$0x2] =	stream.linear.gather [hbm4b:s6+s2], $0x40, $0x38;
	[tilespmem:$0x4400] =	vst v63  }
0x1b: {  	_ =	swait.ge [sflag:s14], $0x40  }
0x1c: {  	[sflag:s14] =	ssyncset.done $0x0  }
0x1d: {  	[sflag:s14] =	ssyncadd.s32 $0xFFFFFFC0  }
0x1e: {  	[tilespmem:s17], [sflag:$0x2] =	stream.linear.gather [hbm4b:s7+s2], $0x40, $0x38;
	[tilespmem:$0x4400] =	vst v63  }
0x1f: {  	_ =	swait.ge [sflag:s14], $0x40  }
0x20: {  	[sflag:s14] =	ssyncset.done $0x0  }
0x21: {  	[sflag:s14] =	ssyncadd.s32 $0xFFFFFFC0  }
0x22: {  	[tilespmem:s18], [sflag:$0x2] =	stream.linear.gather [hbm4b:s8+s2], $0x40, $0x38;
	[tilespmem:$0x4400] =	vst v63  }
0x23: {  	_ =	swait.ge [sflag:s14], $0x40  }
0x24: {  	[sflag:s14] =	ssyncset.done $0x0  }
0x25: {  	[sflag:s14] =	ssyncadd.s32 $0xFFFFFFC0  }
0x26: {  	[tilespmem:s19], [sflag:$0x2] =	stream.linear.gather [hbm4b:s9+s2], $0x40, $0x38;
	[tilespmem:$0x4400] =	vst v63  }
0x27: {  	_ =	swait.ge [sflag:s14], $0x40  }
0x28: {  	[sflag:s14] =	ssyncset.done $0x0  }
0x29: {  	[sflag:s14] =	ssyncadd.s32 $0xFFFFFFC0  }
0x2a: {  	[tilespmem:s20], [sflag:$0x2] =	stream.linear.gather [hbm4b:s10+s2], $0x40, $0x38;
	[tilespmem:$0x4400] =	vst v63  }
0x2b: {  	_ =	swait.ge [sflag:s14], $0x40  }
0x2c: {  	[sflag:s14] =	ssyncset.done $0x0  }
0x2d: {  	[sflag:s14] =	ssyncadd.s32 $0xFFFFFFC0  }
0x2e: {  	[tilespmem:s21], [sflag:$0x2] =	stream.linear.gather [hbm4b:s11+s2], $0x40, $0x38;
	[tilespmem:$0x4400] =	vst v63  }
0x2f: {  	_ =	swait.ge [sflag:s14], $0x40  }
0x30: {  	[sflag:s14] =	ssyncset.done $0x0  }
0x31: {  	[sflag:s14] =	ssyncadd.s32 $0xFFFFFFC0  }
0x32: {  	v3 =	vld [tilespmem:$0x0];
	_ =	sdelay $0x4  }
0x33: {  	v4 =	vshll.u32 v3, $0x1  }
0x34: {  	v3 =	vand.u32 $0x7, v3;
	v4 =	vand.u32 $0xFFFFFFF0, v4  }
0x35: {  	v3 =	vor.u32 v3, v4  }
0x36: {  	v4 =	vperm.xlane v3, v0;
	_ =	sdelay $0x1  }
0x37: {  	v3 =	vperm.xlane v3, v2;
	v4 =	vadd.s32 v1, v4;
	_ =	sdelay $0x1  }
0x38: {  	v3 =	vadd.s32 v1, v3;
	_ =	sdelay $0x2  }
0x39: {  	[tilespmem:s22], [sflag:$0x1] =	stream.indirect_vreg.gather [hbm4b:s3+s2], $0x80, v4, vm0, $0xb8;
	[tilespmem:$0x4400] =	vst v63  }
0x3a: {  	_ = 	snop  }
0x3b: {  	[tilespmem:s23], [sflag:$0x1] =	stream.indirect_vreg.gather [hbm4b:s3+s2], $0x80, v3, vm0, $0xb8;
	[tilespmem:$0x4400] =	vst v63  }
0x3c: {  	v3 =	vld [tilespmem:$0x10];
	_ =	sdelay $0x4  }
0x3d: {  	v61 =	vshll.u32 v3, $0x1  }
0x3e: {  	v3 =	vand.u32 $0x7, v3;
	v4 =	vand.u32 $0xFFFFFFF0, v61  }
0x3f: {  	v3 =	vor.u32 v3, v4  }
0x40: {  	v4 =	vperm.xlane v3, v0;
	_ =	sdelay $0x1  }
0x41: {  	v3 =	vperm.xlane v3, v2;
	v4 =	vadd.s32 v1, v4;
	_ =	sdelay $0x1  }
0x42: {  	v3 =	vadd.s32 v1, v3;
	_ =	sdelay $0x2  }
0x43: {  	[tilespmem:s24], [sflag:$0x1] =	stream.indirect_vreg.gather [hbm4b:s3+s2], $0x80, v4, vm0, $0xb8;
	[tilespmem:$0x4400] =	vst v63  }
0x44: {  	_ = 	snop  }
0x45: {  	[tilespmem:s25], [sflag:$0x1] =	stream.indirect_vreg.gather [hbm4b:s3+s2], $0x80, v3, vm0, $0xb8;
	[tilespmem:$0x4400] =	vst v63  }
0x46: {  	v3 =	vld [tilespmem:$0x20];
	_ =	sdelay $0x4  }
0x47: {  	v62 =	vshll.u32 v3, $0x1  }
0x48: {  	v3 =	vand.u32 $0x7, v3;
	v4 =	vand.u32 $0xFFFFFFF0, v62  }
0x49: {  	v3 =	vor.u32 v3, v4  }
0x4a: {  	v4 =	vperm.xlane v3, v0;
	_ =	sdelay $0x1  }
0x4b: {  	v3 =	vperm.xlane v3, v2;
	v4 =	vadd.s32 v1, v4;
	_ =	sdelay $0x1  }
0x4c: {  	v3 =	vadd.s32 v1, v3;
	_ =	sdelay $0x2  }
0x4d: {  	[tilespmem:s26], [sflag:$0x1] =	stream.indirect_vreg.gather [hbm4b:s3+s2], $0x80, v4, vm0, $0xb8;
	[tilespmem:$0x4400] =	vst v63  }
0x4e: {  	_ = 	snop  }
0x4f: {  	[tilespmem:s28], [sflag:$0x1] =	stream.indirect_vreg.gather [hbm4b:s3+s2], $0x80, v3, vm0, $0xb8;
	[tilespmem:$0x4400] =	vst v63  }
0x50: {  	v3 =	vld [tilespmem:$0x30];
	_ =	sdelay $0x4  }
0x51: {  	v63 =	vshll.u32 v3, $0x1  }
0x52: {  	v3 =	vand.u32 $0x7, v3;
	v4 =	vand.u32 $0xFFFFFFF0, v63  }
0x53: {  	v3 =	vor.u32 v3, v4  }
0x54: {  	v4 =	vperm.xlane v3, v0;
	_ =	sdelay $0x1  }
0x55: {  	v3 =	vperm.xlane v3, v2;
	v4 =	vadd.s32 v1, v4;
	_ =	sdelay $0x1  }
0x56: {  	v3 =	vadd.s32 v1, v3;
	_ =	sdelay $0x2  }
0x57: {  	[tilespmem:s29], [sflag:$0x1] =	stream.indirect_vreg.gather [hbm4b:s3+s2], $0x80, v4, vm0, $0xb8;
	[tilespmem:$0x4400] =	vst v63  }
0x58: {  	_ = 	snop  }
0x59: {  	[tilespmem:s30], [sflag:$0x1] =	stream.indirect_vreg.gather [hbm4b:s3+s2], $0x80, v3, vm0, $0xb8;
	[tilespmem:$0x4400] =	vst v63  }
0x5a: {  	_ =	swait.ge [sflag:s31], $0x4000  }
0x5b: {  	p0 =	sne.s32 s13, $0x1;
	[sflag:s31] =	ssyncset.done $0x0  }
.Ltmp0:
0x5c: {  	[sflag:s31] =	ssyncadd.s32 $0xFFFFC000;
	(pc) =	sbr.rel @p0 .LBB2_1-.Ltmp0, $4  }
0x5d: {  	[hbm4b:s12+s2] =	stream.linear.scatter [tilespmem:s22], [sflag:$0x2], $0x4000, $0x38;
	[tilespmem:$0x4400] =	vst v63  }
0x5e: {  	_ =	swait.ge [sflag:s14], $0x4000  }
0x5f: {  	[sflag:s14] =	ssyncset.done $0x0  }
0x60: {  	s13 =	sadd.s32 $0xFFFFFFFF, s13;
	[sflag:s14] =	ssyncadd.s32 $0xFFFFC000  }
0x61: {  	_ =	sfence.sel $0x180000  }
0x62: {  	[bflag:$0x0] =	sbarrier.arrive $0xFFFF  }
0x63: {  	p0 =	sne.s32 s1, $0x0;
	_ =	strace $0x90000047  }
0x64: {  	s0 =	sadd.s32 @!p0 $0x100000, s0;
	[bflag:$0x2] =	sbarrier.arrive $0xFFFF  }
0x65: {  	[sflag:s0] =	ssyncadd.tile.s32 @!p0 $0x1;
	_ =	shalt  }
.Lfunc_end2:
_tile_overlayer_lowered:
.L_overlay_start_2:
0x66: {  	(tag) =	ssettag $0x2  }
0x67: {  	s0 =	rddreg [dreg:$0x0];
	s2 =	stileid.u32  }
0x68: {  	s1 =	rddreg [dreg:$0x1];
	p0 =	sne.s32 s2, $0x0  }
0x69: {  	s3 =	rddreg [dreg:$0x2];
	[bflag:$0x3] =	sbarrier.arrive $0xFFFF;
	s2 =	simm.s32 @!p0 $0x1C02  }
0x6a: {  	[timem:s3], [sflag:s2] =	dma.local @!p0 [hbm:s0], s1  }
0x6b: {  	s0 =	simm.s32 @!p0 $0x2  }
0x6c: {  	_ =	swait.ge @!p0 [sflag:s0], s1  }
0x6d: {  	s1 =	ssub.s32 @!p0 $0x0, s1;
	[sflag:s0] =	ssyncset.done @!p0 $0x0  }
0x6e: {  	[sflag:s0] =	ssyncadd.s32 @!p0 s1  }
0x6f: {  	[bflag:$0x3] =	sbarrier.arrive $0xFFFF  }
0x70: {  	_ =	shalt  }

</sc_bundles>
